<compile_context>
chip_gen: v7x
topology: tpu7x:2x2x1
jax: 0.10.2.dev20260603
libtpu: 0.0.44.dev20260713+nightly
codegen_flags: <defaults>
</compile_context>

<pallas_src>
import functools

import jax
import jax.numpy as jnp
from jax import lax
from jax.experimental import pallas as pl
from jax.experimental.pallas import tpu as pltpu
from jax.experimental.pallas import tpu_sc as plsc

F = 26
B = 4096
D = 32
V = 1000000

NC = 2
NS = 16
NW = NC * NS

CHUNK = 128

VBLK = 65536
GRID = -(-V // VBLK)
NROWS = GRID * VBLK * D // 128


def _transpose_body(in_ref, out_ref):
  x = in_ref[...].reshape(D, VBLK)
  for c in range(VBLK // 512):
    xs = jnp.concatenate(
        [x[:, 512 * c + 128 * a:512 * c + 128 * (a + 1)] for a in range(4)],
        axis=0,
    )
    out_ref[128 * c:128 * (c + 1), :] = xs.T


_TRANSPOSE = pl.pallas_call(
    _transpose_body,
    grid=(GRID,),
    in_specs=[pl.BlockSpec((4, 8, VBLK), lambda j: (0, 0, j))],
    out_specs=pl.BlockSpec((VBLK * D // 128, 128), lambda j: (j, 0)),
    out_shape=jax.ShapeDtypeStruct((NROWS, 128), jnp.float32),
)


def _permuted_rows(values):
  v = values
  return (
      (v & ~(VBLK - 1))
      + ((v >> 9) & (VBLK // 512 - 1)) * 512
      + ((v & 127) << 2)
      + ((v >> 7) & 3)
  )


def _build_gather(total, d):
  per_w = total // NW
  n_chunks = per_w // CHUNK

  mesh = plsc.VectorSubcoreMesh(core_axis_name="c", subcore_axis_name="s")

  @functools.partial(
      pl.kernel,
      out_type=jax.ShapeDtypeStruct((total, d), jnp.float32),
      mesh=mesh,
      scratch_types=[
          pltpu.VMEM((n_chunks, CHUNK), jnp.int32),
          pltpu.VMEM((per_w, d), jnp.float32),
          pltpu.SemaphoreType.DMA,
      ],
      compiler_params=pltpu.CompilerParams(use_tc_tiling_on_sc=False),
  )
  def gather_kernel(table_hbm, idx_hbm, out_hbm, idx_v, rows_v, sem):
    wid = lax.axis_index("s") * NC + lax.axis_index("c")
    base = wid * per_w
    pltpu.sync_copy(idx_hbm.at[wid], idx_v)
    copies = []
    for j in range(n_chunks):
      copies.append(
          pltpu.async_copy(
              table_hbm.at[idx_v.at[j]],
              rows_v.at[pl.ds(j * CHUNK, CHUNK)],
              sem,
          )
      )
    for c in copies:
      c.wait()
    pltpu.sync_copy(rows_v, out_hbm.at[pl.ds(base, per_w)])

  return gather_kernel


_GATHER = _build_gather(F * B, D)


def kernel(table, values, lengths):
  tab3 = table.T.reshape(4, 8, V)
  tablin = _TRANSPOSE(tab3)
  tab_flat = tablin.reshape(GRID * VBLK, D)
  idx = _permuted_rows(values).reshape(NW, (F * B) // NW // CHUNK, CHUNK)
  rows = _GATHER(tab_flat, idx)
  split_embeddings = rows.reshape(F, B, D)
  split_lengths = lengths.reshape(F, B)
  reduce_lengths = split_lengths.sum(axis=1)
  offsets = jnp.concatenate([
      jnp.zeros((1,), dtype=reduce_lengths.dtype),
      jnp.cumsum(reduce_lengths),
  ])
  return split_embeddings, split_lengths, offsets

# --- scband reference (transcript-rebuilt; emitter-appended) ---
"""Pipeline reference for scband-exportable-embedding-16887811408716 (READ-ONLY COPY).

The authoritative reference and input builder live on the scoring server;
editing this copy changes nothing except your own understanding.
"""

import jax, jax.numpy as jnp
import numpy as np

F = 26        # num_features (sparse fields)
B = 4096      # batch size
V = 1000000   # vocab size (single shared table)
D = 32        # embedding_dim


def setup_inputs(seed: int = 0) -> dict:
    key = jax.random.key(seed)
    k1, k2 = jax.random.split(key)
    values = jax.random.randint(k1, (F * B,), 0, V, dtype=jnp.int32)
    lengths = jnp.ones((F * B,), dtype=jnp.int32)  # KJT lengths: one id per (feature, batch) slot
    table = jax.random.normal(k2, (V, D), dtype=jnp.float32) * 0.02
    return {"table": table, "values": values, "lengths": lengths}


def reference(table, values, lengths):
    # lengths_reduce_dim1: per-feature total lengths (sum over the batch dim)
    reduce_lengths = lengths.reshape(F, B).sum(axis=1)
    # offsets with leading zero (faithful to forward, used by the embedding table op)
    offsets = jnp.concatenate([
        jnp.zeros((1,), dtype=reduce_lengths.dtype),
        jnp.cumsum(reduce_lengths)
    ])
    # InferenceEmbeddingTable lookup == row gather from the table
    total_embeddings = jnp.take(table, values, axis=0)  # [F*B, D]
    # split_by_lengths into per-feature jagged values; with length-1 per slot
    # every feature owns exactly B rows, so the split is a static reshape.
    split_embeddings = total_embeddings.reshape(F, B, D)
    # lengths_splits: per-feature lengths
    split_lengths = lengths.reshape(F, B)
    return split_embeddings, split_lengths, offsets

if __name__ == "__main__":
    import jax
    _d = setup_inputs()
    print(jax.jit(kernel)(*tuple(_d.values())))

</pallas_src>

<mosaic_0001>
#map = affine_map<(d0, d1) -> (0, 0)>
#map1 = affine_map<(d0, d1) -> (0, 0, 0)>
module attributes {stable_mosaic.version = 14 : i64} {
  func.func @gather_kernel(%arg0: i32, %arg1: i32, %arg2: memref<1048576x32xf32, #tpu.memory_space<hbm>>, %arg3: memref<32x26x128xi32, #tpu.memory_space<hbm>>, %arg4: memref<106496x32xf32, #tpu.memory_space<hbm>>, %arg5: memref<26x128xi32, #tpu.memory_space<vmem>>, %arg6: memref<3328x32xf32, #tpu.memory_space<vmem>>, %arg7: memref<!tpu.dma_semaphore, #tpu.memory_space<semaphore_mem>>) attributes {dimension_semantics = [#tpu.dimension_semantics<core_parallel>, #tpu.dimension_semantics<subcore_parallel>], iteration_bounds = array<i64: 2, 16>, scalar_prefetch = 0 : i64, scratch_operands = 3 : i64, tpu.core_type = #tpu.core_type<sc_vector_subcore>, window_params = [{transform_indices = #map}, {transform_indices = #map1}, {transform_indices = #map}]} {
    %mul3A = arith.constant 2 : i32
    %mul3A_0 = arith.muli %arg1, %mul3A : i32
    %add3A = arith.addi %mul3A_0, %arg0 : i32
    %mul3A_1 = arith.constant 3328 : i32
    %mul3A_2 = arith.muli %add3A, %mul3A_1 : i32
    "tpu.region"() ({
      %run_scoped3A = tpu.sem_alloc : memref<!tpu.dma_semaphore, #tpu.memory_space<semaphore_mem>>
      %dma_start3A_521 = arith.constant 0 : i32
      %dma_start3A_522 = arith.constant 0 : i32
      %dma_start3A_523 = tpu.memref_slice %arg3[%add3A, %dma_start3A_521, %dma_start3A_522] : memref<32x26x128xi32, #tpu.memory_space<hbm>> -> memref<1x26x128xi32, #tpu.memory_space<hbm>>
      %dma_start3A_524 = tpu.memref_squeeze %dma_start3A_523 : memref<1x26x128xi32, #tpu.memory_space<hbm>> -> memref<26x128xi32, #tpu.memory_space<hbm>>
      %dma_start3A_525 = arith.constant 0 : i32
      %dma_start3A_526 = arith.constant 0 : i32
      %dma_start3A_527 = tpu.memref_slice %arg3[%add3A, %dma_start3A_525, %dma_start3A_526] : memref<32x26x128xi32, #tpu.memory_space<hbm>> -> memref<1x26x128xi32, #tpu.memory_space<hbm>>
      %dma_start3A_528 = tpu.memref_squeeze %dma_start3A_527 : memref<1x26x128xi32, #tpu.memory_space<hbm>> -> memref<26x128xi32, #tpu.memory_space<hbm>>
      tpu.enqueue_dma source(%dma_start3A_528 : memref<26x128xi32, #tpu.memory_space<hbm>>) target(%arg5 : memref<26x128xi32, #tpu.memory_space<vmem>>) target_semaphore(%run_scoped3A : memref<!tpu.dma_semaphore, #tpu.memory_space<semaphore_mem>>)
      %dma_wait3A_529 = arith.constant 0 : i32
      %dma_wait3A_530 = arith.constant 0 : i32
      %dma_wait3A_531 = tpu.memref_slice %arg3[%add3A, %dma_wait3A_529, %dma_wait3A_530] : memref<32x26x128xi32, #tpu.memory_space<hbm>> -> memref<1x26x128xi32, #tpu.memory_space<hbm>>
      %dma_wait3A_532 = tpu.memref_squeeze %dma_wait3A_531 : memref<1x26x128xi32, #tpu.memory_space<hbm>> -> memref<26x128xi32, #tpu.memory_space<hbm>>
      %dma_wait3A_533 = arith.constant 0 : i32
      %dma_wait3A_534 = arith.constant 0 : i32
      %dma_wait3A_535 = tpu.memref_slice %arg3[%add3A, %dma_wait3A_533, %dma_wait3A_534] : memref<32x26x128xi32, #tpu.memory_space<hbm>> -> memref<1x26x128xi32, #tpu.memory_space<hbm>>
      %dma_wait3A_536 = tpu.memref_squeeze %dma_wait3A_535 : memref<1x26x128xi32, #tpu.memory_space<hbm>> -> memref<26x128xi32, #tpu.memory_space<hbm>>
      tpu.wait_dma2 semaphore(%run_scoped3A : memref<!tpu.dma_semaphore, #tpu.memory_space<semaphore_mem>>) src(%dma_wait3A_536 : memref<26x128xi32, #tpu.memory_space<hbm>>) dst(%arg5 : memref<26x128xi32, #tpu.memory_space<vmem>>)
      tpu.yield
    }) : () -> ()
    %dma_start3A = arith.constant 0 : i32
    %dma_start3A_3 = arith.constant 0 : i32
    %dma_start3A_4 = arith.constant 0 : i32
    %dma_start3A_5 = tpu.memref_slice %arg6[%dma_start3A_3, %dma_start3A_4] : memref<3328x32xf32, #tpu.memory_space<vmem>> -> memref<128x32xf32, #tpu.memory_space<vmem>>
    %dma_start3A_6 = arith.constant 0 : i32
    %dma_start3A_7 = tpu.memref_slice %arg5[%dma_start3A, %dma_start3A_6] : memref<26x128xi32, #tpu.memory_space<vmem>> -> memref<1x128xi32, #tpu.memory_space<vmem>>
    %dma_start3A_8 = tpu.memref_squeeze %dma_start3A_7 : memref<1x128xi32, #tpu.memory_space<vmem>> -> memref<128xi32, #tpu.memory_space<vmem>>
    %dma_start3A_9 = arith.constant 0 : i32
    %dma_start3A_10 = arith.constant 0 : i32
    %dma_start3A_11 = tpu.memref_slice %arg2[%dma_start3A_9, %dma_start3A_10] : memref<1048576x32xf32, #tpu.memory_space<hbm>> -> memref<1048576x32xf32, #tpu.memory_space<hbm>>
    tpu.enqueue_indirect_dma source(%dma_start3A_11 : memref<1048576x32xf32, #tpu.memory_space<hbm>>) target(%dma_start3A_5 : memref<128x32xf32, #tpu.memory_space<vmem>>) offsets(%dma_start3A_8 : memref<128xi32, #tpu.memory_space<vmem>>) semaphore(%arg7 : memref<!tpu.dma_semaphore, #tpu.memory_space<semaphore_mem>>)
    %dma_start3A_12 = arith.constant 1 : i32
    %dma_start3A_13 = arith.constant 128 : i32
    %dma_start3A_14 = arith.constant 0 : i32
    %dma_start3A_15 = tpu.memref_slice %arg6[%dma_start3A_13, %dma_start3A_14] : memref<3328x32xf32, #tpu.memory_space<vmem>> -> memref<128x32xf32, #tpu.memory_space<vmem>>
    %dma_start3A_16 = arith.constant 0 : i32
    %dma_start3A_17 = tpu.memref_slice %arg5[%dma_start3A_12, %dma_start3A_16] : memref<26x128xi32, #tpu.memory_space<vmem>> -> memref<1x128xi32, #tpu.memory_space<vmem>>
    %dma_start3A_18 = tpu.memref_squeeze %dma_start3A_17 : memref<1x128xi32, #tpu.memory_space<vmem>> -> memref<128xi32, #tpu.memory_space<vmem>>
    %dma_start3A_19 = arith.constant 0 : i32
    %dma_start3A_20 = arith.constant 0 : i32
    %dma_start3A_21 = tpu.memref_slice %arg2[%dma_start3A_19, %dma_start3A_20] : memref<1048576x32xf32, #tpu.memory_space<hbm>> -> memref<1048576x32xf32, #tpu.memory_space<hbm>>
    tpu.enqueue_indirect_dma source(%dma_start3A_21 : memref<1048576x32xf32, #tpu.memory_space<hbm>>) target(%dma_start3A_15 : memref<128x32xf32, #tpu.memory_space<vmem>>) offsets(%dma_start3A_18 : memref<128xi32, #tpu.memory_space<vmem>>) semaphore(%arg7 : memref<!tpu.dma_semaphore, #tpu.memory_space<semaphore_mem>>)
    %dma_start3A_22 = arith.constant 2 : i32
    %dma_start3A_23 = arith.constant 256 : i32
    %dma_start3A_24 = arith.constant 0 : i32
    %dma_start3A_25 = tpu.memref_slice %arg6[%dma_start3A_23, %dma_start3A_24] : memref<3328x32xf32, #tpu.memory_space<vmem>> -> memref<128x32xf32, #tpu.memory_space<vmem>>
    %dma_start3A_26 = arith.constant 0 : i32
    %dma_start3A_27 = tpu.memref_slice %arg5[%dma_start3A_22, %dma_start3A_26] : memref<26x128xi32, #tpu.memory_space<vmem>> -> memref<1x128xi32, #tpu.memory_space<vmem>>
    %dma_start3A_28 = tpu.memref_squeeze %dma_start3A_27 : memref<1x128xi32, #tpu.memory_space<vmem>> -> memref<128xi32, #tpu.memory_space<vmem>>
    %dma_start3A_29 = arith.constant 0 : i32
    %dma_start3A_30 = arith.constant 0 : i32
    %dma_start3A_31 = tpu.memref_slice %arg2[%dma_start3A_29, %dma_start3A_30] : memref<1048576x32xf32, #tpu.memory_space<hbm>> -> memref<1048576x32xf32, #tpu.memory_space<hbm>>
    tpu.enqueue_indirect_dma source(%dma_start3A_31 : memref<1048576x32xf32, #tpu.memory_space<hbm>>) target(%dma_start3A_25 : memref<128x32xf32, #tpu.memory_space<vmem>>) offsets(%dma_start3A_28 : memref<128xi32, #tpu.memory_space<vmem>>) semaphore(%arg7 : memref<!tpu.dma_semaphore, #tpu.memory_space<semaphore_mem>>)
    %dma_start3A_32 = arith.constant 3 : i32
    %dma_start3A_33 = arith.constant 384 : i32
    %dma_start3A_34 = arith.constant 0 : i32
    %dma_start3A_35 = tpu.memref_slice %arg6[%dma_start3A_33, %dma_start3A_34] : memref<3328x32xf32, #tpu.memory_space<vmem>> -> memref<128x32xf32, #tpu.memory_space<vmem>>
    %dma_start3A_36 = arith.constant 0 : i32
    %dma_start3A_37 = tpu.memref_slice %arg5[%dma_start3A_32, %dma_start3A_36] : memref<26x128xi32, #tpu.memory_space<vmem>> -> memref<1x128xi32, #tpu.memory_space<vmem>>
    %dma_start3A_38 = tpu.memref_squeeze %dma_start3A_37 : memref<1x128xi32, #tpu.memory_space<vmem>> -> memref<128xi32, #tpu.memory_space<vmem>>
    %dma_start3A_39 = arith.constant 0 : i32
    %dma_start3A_40 = arith.constant 0 : i32
    %dma_start3A_41 = tpu.memref_slice %arg2[%dma_start3A_39, %dma_start3A_40] : memref<1048576x32xf32, #tpu.memory_space<hbm>> -> memref<1048576x32xf32, #tpu.memory_space<hbm>>
    tpu.enqueue_indirect_dma source(%dma_start3A_41 : memref<1048576x32xf32, #tpu.memory_space<hbm>>) target(%dma_start3A_35 : memref<128x32xf32, #tpu.memory_space<vmem>>) offsets(%dma_start3A_38 : memref<128xi32, #tpu.memory_space<vmem>>) semaphore(%arg7 : memref<!tpu.dma_semaphore, #tpu.memory_space<semaphore_mem>>)
    %dma_start3A_42 = arith.constant 4 : i32
    %dma_start3A_43 = arith.constant 512 : i32
    %dma_start3A_44 = arith.constant 0 : i32
    %dma_start3A_45 = tpu.memref_slice %arg6[%dma_start3A_43, %dma_start3A_44] : memref<3328x32xf32, #tpu.memory_space<vmem>> -> memref<128x32xf32, #tpu.memory_space<vmem>>
    %dma_start3A_46 = arith.constant 0 : i32
    %dma_start3A_47 = tpu.memref_slice %arg5[%dma_start3A_42, %dma_start3A_46] : memref<26x128xi32, #tpu.memory_space<vmem>> -> memref<1x128xi32, #tpu.memory_space<vmem>>
    %dma_start3A_48 = tpu.memref_squeeze %dma_start3A_47 : memref<1x128xi32, #tpu.memory_space<vmem>> -> memref<128xi32, #tpu.memory_space<vmem>>
    %dma_start3A_49 = arith.constant 0 : i32
    %dma_start3A_50 = arith.constant 0 : i32
    %dma_start3A_51 = tpu.memref_slice %arg2[%dma_start3A_49, %dma_start3A_50] : memref<1048576x32xf32, #tpu.memory_space<hbm>> -> memref<1048576x32xf32, #tpu.memory_space<hbm>>
    tpu.enqueue_indirect_dma source(%dma_start3A_51 : memref<1048576x32xf32, #tpu.memory_space<hbm>>) target(%dma_start3A_45 : memref<128x32xf32, #tpu.memory_space<vmem>>) offsets(%dma_start3A_48 : memref<128xi32, #tpu.memory_space<vmem>>) semaphore(%arg7 : memref<!tpu.dma_semaphore, #tpu.memory_space<semaphore_mem>>)
    %dma_start3A_52 = arith.constant 5 : i32
    %dma_start3A_53 = arith.constant 640 : i32
    %dma_start3A_54 = arith.constant 0 : i32
    %dma_start3A_55 = tpu.memref_slice %arg6[%dma_start3A_53, %dma_start3A_54] : memref<3328x32xf32, #tpu.memory_space<vmem>> -> memref<128x32xf32, #tpu.memory_space<vmem>>
    %dma_start3A_56 = arith.constant 0 : i32
    %dma_start3A_57 = tpu.memref_slice %arg5[%dma_start3A_52, %dma_start3A_56] : memref<26x128xi32, #tpu.memory_space<vmem>> -> memref<1x128xi32, #tpu.memory_space<vmem>>
    %dma_start3A_58 = tpu.memref_squeeze %dma_start3A_57 : memref<1x128xi32, #tpu.memory_space<vmem>> -> memref<128xi32, #tpu.memory_space<vmem>>
    %dma_start3A_59 = arith.constant 0 : i32
    %dma_start3A_60 = arith.constant 0 : i32
    %dma_start3A_61 = tpu.memref_slice %arg2[%dma_start3A_59, %dma_start3A_60] : memref<1048576x32xf32, #tpu.memory_space<hbm>> -> memref<1048576x32xf32, #tpu.memory_space<hbm>>
    tpu.enqueue_indirect_dma source(%dma_start3A_61 : memref<1048576x32xf32, #tpu.memory_space<hbm>>) target(%dma_start3A_55 : memref<128x32xf32, #tpu.memory_space<vmem>>) offsets(%dma_start3A_58 : memref<128xi32, #tpu.memory_space<vmem>>) semaphore(%arg7 : memref<!tpu.dma_semaphore, #tpu.memory_space<semaphore_mem>>)
    %dma_start3A_62 = arith.constant 6 : i32
    %dma_start3A_63 = arith.constant 768 : i32
    %dma_start3A_64 = arith.constant 0 : i32
    %dma_start3A_65 = tpu.memref_slice %arg6[%dma_start3A_63, %dma_start3A_64] : memref<3328x32xf32, #tpu.memory_space<vmem>> -> memref<128x32xf32, #tpu.memory_space<vmem>>
    %dma_start3A_66 = arith.constant 0 : i32
    %dma_start3A_67 = tpu.memref_slice %arg5[%dma_start3A_62, %dma_start3A_66] : memref<26x128xi32, #tpu.memory_space<vmem>> -> memref<1x128xi32, #tpu.memory_space<vmem>>
    %dma_start3A_68 = tpu.memref_squeeze %dma_start3A_67 : memref<1x128xi32, #tpu.memory_space<vmem>> -> memref<128xi32, #tpu.memory_space<vmem>>
    %dma_start3A_69 = arith.constant 0 : i32
    %dma_start3A_70 = arith.constant 0 : i32
    %dma_start3A_71 = tpu.memref_slice %arg2[%dma_start3A_69, %dma_start3A_70] : memref<1048576x32xf32, #tpu.memory_space<hbm>> -> memref<1048576x32xf32, #tpu.memory_space<hbm>>
    tpu.enqueue_indirect_dma source(%dma_start3A_71 : memref<1048576x32xf32, #tpu.memory_space<hbm>>) target(%dma_start3A_65 : memref<128x32xf32, #tpu.memory_space<vmem>>) offsets(%dma_start3A_68 : memref<128xi32, #tpu.memory_space<vmem>>) semaphore(%arg7 : memref<!tpu.dma_semaphore, #tpu.memory_space<semaphore_mem>>)
    %dma_start3A_72 = arith.constant 7 : i32
    %dma_start3A_73 = arith.constant 896 : i32
    %dma_start3A_74 = arith.constant 0 : i32
    %dma_start3A_75 = tpu.memref_slice %arg6[%dma_start3A_73, %dma_start3A_74] : memref<3328x32xf32, #tpu.memory_space<vmem>> -> memref<128x32xf32, #tpu.memory_space<vmem>>
    %dma_start3A_76 = arith.constant 0 : i32
    %dma_start3A_77 = tpu.memref_slice %arg5[%dma_start3A_72, %dma_start3A_76] : memref<26x128xi32, #tpu.memory_space<vmem>> -> memref<1x128xi32, #tpu.memory_space<vmem>>
    %dma_start3A_78 = tpu.memref_squeeze %dma_start3A_77 : memref<1x128xi32, #tpu.memory_space<vmem>> -> memref<128xi32, #tpu.memory_space<vmem>>
    %dma_start3A_79 = arith.constant 0 : i32
    %dma_start3A_80 = arith.constant 0 : i32
    %dma_start3A_81 = tpu.memref_slice %arg2[%dma_start3A_79, %dma_start3A_80] : memref<1048576x32xf32, #tpu.memory_space<hbm>> -> memref<1048576x32xf32, #tpu.memory_space<hbm>>
    tpu.enqueue_indirect_dma source(%dma_start3A_81 : memref<1048576x32xf32, #tpu.memory_space<hbm>>) target(%dma_start3A_75 : memref<128x32xf32, #tpu.memory_space<vmem>>) offsets(%dma_start3A_78 : memref<128xi32, #tpu.memory_space<vmem>>) semaphore(%arg7 : memref<!tpu.dma_semaphore, #tpu.memory_space<semaphore_mem>>)
    %dma_start3A_82 = arith.constant 8 : i32
    %dma_start3A_83 = arith.constant 1024 : i32
    %dma_start3A_84 = arith.constant 0 : i32
    %dma_start3A_85 = tpu.memref_slice %arg6[%dma_start3A_83, %dma_start3A_84] : memref<3328x32xf32, #tpu.memory_space<vmem>> -> memref<128x32xf32, #tpu.memory_space<vmem>>
    %dma_start3A_86 = arith.constant 0 : i32
    %dma_start3A_87 = tpu.memref_slice %arg5[%dma_start3A_82, %dma_start3A_86] : memref<26x128xi32, #tpu.memory_space<vmem>> -> memref<1x128xi32, #tpu.memory_space<vmem>>
    %dma_start3A_88 = tpu.memref_squeeze %dma_start3A_87 : memref<1x128xi32, #tpu.memory_space<vmem>> -> memref<128xi32, #tpu.memory_space<vmem>>
    %dma_start3A_89 = arith.constant 0 : i32
    %dma_start3A_90 = arith.constant 0 : i32
    %dma_start3A_91 = tpu.memref_slice %arg2[%dma_start3A_89, %dma_start3A_90] : memref<1048576x32xf32, #tpu.memory_space<hbm>> -> memref<1048576x32xf32, #tpu.memory_space<hbm>>
    tpu.enqueue_indirect_dma source(%dma_start3A_91 : memref<1048576x32xf32, #tpu.memory_space<hbm>>) target(%dma_start3A_85 : memref<128x32xf32, #tpu.memory_space<vmem>>) offsets(%dma_start3A_88 : memref<128xi32, #tpu.memory_space<vmem>>) semaphore(%arg7 : memref<!tpu.dma_semaphore, #tpu.memory_space<semaphore_mem>>)
    %dma_start3A_92 = arith.constant 9 : i32
    %dma_start3A_93 = arith.constant 1152 : i32
    %dma_start3A_94 = arith.constant 0 : i32
    %dma_start3A_95 = tpu.memref_slice %arg6[%dma_start3A_93, %dma_start3A_94] : memref<3328x32xf32, #tpu.memory_space<vmem>> -> memref<128x32xf32, #tpu.memory_space<vmem>>
    %dma_start3A_96 = arith.constant 0 : i32
    %dma_start3A_97 = tpu.memref_slice %arg5[%dma_start3A_92, %dma_start3A_96] : memref<26x128xi32, #tpu.memory_space<vmem>> -> memref<1x128xi32, #tpu.memory_space<vmem>>
    %dma_start3A_98 = tpu.memref_squeeze %dma_start3A_97 : memref<1x128xi32, #tpu.memory_space<vmem>> -> memref<128xi32, #tpu.memory_space<vmem>>
    %dma_start3A_99 = arith.constant 0 : i32
    %dma_start3A_100 = arith.constant 0 : i32
    %dma_start3A_101 = tpu.memref_slice %arg2[%dma_start3A_99, %dma_start3A_100] : memref<1048576x32xf32, #tpu.memory_space<hbm>> -> memref<1048576x32xf32, #tpu.memory_space<hbm>>
    tpu.enqueue_indirect_dma source(%dma_start3A_101 : memref<1048576x32xf32, #tpu.memory_space<hbm>>) target(%dma_start3A_95 : memref<128x32xf32, #tpu.memory_space<vmem>>) offsets(%dma_start3A_98 : memref<128xi32, #tpu.memory_space<vmem>>) semaphore(%arg7 : memref<!tpu.dma_semaphore, #tpu.memory_space<semaphore_mem>>)
    %dma_start3A_102 = arith.constant 10 : i32
    %dma_start3A_103 = arith.constant 1280 : i32
    %dma_start3A_104 = arith.constant 0 : i32
    %dma_start3A_105 = tpu.memref_slice %arg6[%dma_start3A_103, %dma_start3A_104] : memref<3328x32xf32, #tpu.memory_space<vmem>> -> memref<128x32xf32, #tpu.memory_space<vmem>>
    %dma_start3A_106 = arith.constant 0 : i32
    %dma_start3A_107 = tpu.memref_slice %arg5[%dma_start3A_102, %dma_start3A_106] : memref<26x128xi32, #tpu.memory_space<vmem>> -> memref<1x128xi32, #tpu.memory_space<vmem>>
    %dma_start3A_108 = tpu.memref_squeeze %dma_start3A_107 : memref<1x128xi32, #tpu.memory_space<vmem>> -> memref<128xi32, #tpu.memory_space<vmem>>
    %dma_start3A_109 = arith.constant 0 : i32
    %dma_start3A_110 = arith.constant 0 : i32
    %dma_start3A_111 = tpu.memref_slice %arg2[%dma_start3A_109, %dma_start3A_110] : memref<1048576x32xf32, #tpu.memory_space<hbm>> -> memref<1048576x32xf32, #tpu.memory_space<hbm>>
    tpu.enqueue_indirect_dma source(%dma_start3A_111 : memref<1048576x32xf32, #tpu.memory_space<hbm>>) target(%dma_start3A_105 : memref<128x32xf32, #tpu.memory_space<vmem>>) offsets(%dma_start3A_108 : memref<128xi32, #tpu.memory_space<vmem>>) semaphore(%arg7 : memref<!tpu.dma_semaphore, #tpu.memory_space<semaphore_mem>>)
    %dma_start3A_112 = arith.constant 11 : i32
    %dma_start3A_113 = arith.constant 1408 : i32
    %dma_start3A_114 = arith.constant 0 : i32
    %dma_start3A_115 = tpu.memref_slice %arg6[%dma_start3A_113, %dma_start3A_114] : memref<3328x32xf32, #tpu.memory_space<vmem>> -> memref<128x32xf32, #tpu.memory_space<vmem>>
    %dma_start3A_116 = arith.constant 0 : i32
    %dma_start3A_117 = tpu.memref_slice %arg5[%dma_start3A_112, %dma_start3A_116] : memref<26x128xi32, #tpu.memory_space<vmem>> -> memref<1x128xi32, #tpu.memory_space<vmem>>
    %dma_start3A_118 = tpu.memref_squeeze %dma_start3A_117 : memref<1x128xi32, #tpu.memory_space<vmem>> -> memref<128xi32, #tpu.memory_space<vmem>>
    %dma_start3A_119 = arith.constant 0 : i32
    %dma_start3A_120 = arith.constant 0 : i32
    %dma_start3A_121 = tpu.memref_slice %arg2[%dma_start3A_119, %dma_start3A_120] : memref<1048576x32xf32, #tpu.memory_space<hbm>> -> memref<1048576x32xf32, #tpu.memory_space<hbm>>
    tpu.enqueue_indirect_dma source(%dma_start3A_121 : memref<1048576x32xf32, #tpu.memory_space<hbm>>) target(%dma_start3A_115 : memref<128x32xf32, #tpu.memory_space<vmem>>) offsets(%dma_start3A_118 : memref<128xi32, #tpu.memory_space<vmem>>) semaphore(%arg7 : memref<!tpu.dma_semaphore, #tpu.memory_space<semaphore_mem>>)
    %dma_start3A_122 = arith.constant 12 : i32
    %dma_start3A_123 = arith.constant 1536 : i32
    %dma_start3A_124 = arith.constant 0 : i32
    %dma_start3A_125 = tpu.memref_slice %arg6[%dma_start3A_123, %dma_start3A_124] : memref<3328x32xf32, #tpu.memory_space<vmem>> -> memref<128x32xf32, #tpu.memory_space<vmem>>
    %dma_start3A_126 = arith.constant 0 : i32
    %dma_start3A_127 = tpu.memref_slice %arg5[%dma_start3A_122, %dma_start3A_126] : memref<26x128xi32, #tpu.memory_space<vmem>> -> memref<1x128xi32, #tpu.memory_space<vmem>>
    %dma_start3A_128 = tpu.memref_squeeze %dma_start3A_127 : memref<1x128xi32, #tpu.memory_space<vmem>> -> memref<128xi32, #tpu.memory_space<vmem>>
    %dma_start3A_129 = arith.constant 0 : i32
    %dma_start3A_130 = arith.constant 0 : i32
    %dma_start3A_131 = tpu.memref_slice %arg2[%dma_start3A_129, %dma_start3A_130] : memref<1048576x32xf32, #tpu.memory_space<hbm>> -> memref<1048576x32xf32, #tpu.memory_space<hbm>>
    tpu.enqueue_indirect_dma source(%dma_start3A_131 : memref<1048576x32xf32, #tpu.memory_space<hbm>>) target(%dma_start3A_125 : memref<128x32xf32, #tpu.memory_space<vmem>>) offsets(%dma_start3A_128 : memref<128xi32, #tpu.memory_space<vmem>>) semaphore(%arg7 : memref<!tpu.dma_semaphore, #tpu.memory_space<semaphore_mem>>)
    %dma_start3A_132 = arith.constant 13 : i32
    %dma_start3A_133 = arith.constant 1664 : i32
    %dma_start3A_134 = arith.constant 0 : i32
    %dma_start3A_135 = tpu.memref_slice %arg6[%dma_start3A_133, %dma_start3A_134] : memref<3328x32xf32, #tpu.memory_space<vmem>> -> memref<128x32xf32, #tpu.memory_space<vmem>>
    %dma_start3A_136 = arith.constant 0 : i32
    %dma_start3A_137 = tpu.memref_slice %arg5[%dma_start3A_132, %dma_start3A_136] : memref<26x128xi32, #tpu.memory_space<vmem>> -> memref<1x128xi32, #tpu.memory_space<vmem>>
    %dma_start3A_138 = tpu.memref_squeeze %dma_start3A_137 : memref<1x128xi32, #tpu.memory_space<vmem>> -> memref<128xi32, #tpu.memory_space<vmem>>
    %dma_start3A_139 = arith.constant 0 : i32
    %dma_start3A_140 = arith.constant 0 : i32
    %dma_start3A_141 = tpu.memref_slice %arg2[%dma_start3A_139, %dma_start3A_140] : memref<1048576x32xf32, #tpu.memory_space<hbm>> -> memref<1048576x32xf32, #tpu.memory_space<hbm>>
    tpu.enqueue_indirect_dma source(%dma_start3A_141 : memref<1048576x32xf32, #tpu.memory_space<hbm>>) target(%dma_start3A_135 : memref<128x32xf32, #tpu.memory_space<vmem>>) offsets(%dma_start3A_138 : memref<128xi32, #tpu.memory_space<vmem>>) semaphore(%arg7 : memref<!tpu.dma_semaphore, #tpu.memory_space<semaphore_mem>>)
    %dma_start3A_142 = arith.constant 14 : i32
    %dma_start3A_143 = arith.constant 1792 : i32
    %dma_start3A_144 = arith.constant 0 : i32
    %dma_start3A_145 = tpu.memref_slice %arg6[%dma_start3A_143, %dma_start3A_144] : memref<3328x32xf32, #tpu.memory_space<vmem>> -> memref<128x32xf32, #tpu.memory_space<vmem>>
    %dma_start3A_146 = arith.constant 0 : i32
    %dma_start3A_147 = tpu.memref_slice %arg5[%dma_start3A_142, %dma_start3A_146] : memref<26x128xi32, #tpu.memory_space<vmem>> -> memref<1x128xi32, #tpu.memory_space<vmem>>
    %dma_start3A_148 = tpu.memref_squeeze %dma_start3A_147 : memref<1x128xi32, #tpu.memory_space<vmem>> -> memref<128xi32, #tpu.memory_space<vmem>>
    %dma_start3A_149 = arith.constant 0 : i32
    %dma_start3A_150 = arith.constant 0 : i32
    %dma_start3A_151 = tpu.memref_slice %arg2[%dma_start3A_149, %dma_start3A_150] : memref<1048576x32xf32, #tpu.memory_space<hbm>> -> memref<1048576x32xf32, #tpu.memory_space<hbm>>
    tpu.enqueue_indirect_dma source(%dma_start3A_151 : memref<1048576x32xf32, #tpu.memory_space<hbm>>) target(%dma_start3A_145 : memref<128x32xf32, #tpu.memory_space<vmem>>) offsets(%dma_start3A_148 : memref<128xi32, #tpu.memory_space<vmem>>) semaphore(%arg7 : memref<!tpu.dma_semaphore, #tpu.memory_space<semaphore_mem>>)
    %dma_start3A_152 = arith.constant 15 : i32
    %dma_start3A_153 = arith.constant 1920 : i32
    %dma_start3A_154 = arith.constant 0 : i32
    %dma_start3A_155 = tpu.memref_slice %arg6[%dma_start3A_153, %dma_start3A_154] : memref<3328x32xf32, #tpu.memory_space<vmem>> -> memref<128x32xf32, #tpu.memory_space<vmem>>
    %dma_start3A_156 = arith.constant 0 : i32
    %dma_start3A_157 = tpu.memref_slice %arg5[%dma_start3A_152, %dma_start3A_156] : memref<26x128xi32, #tpu.memory_space<vmem>> -> memref<1x128xi32, #tpu.memory_space<vmem>>
    %dma_start3A_158 = tpu.memref_squeeze %dma_start3A_157 : memref<1x128xi32, #tpu.memory_space<vmem>> -> memref<128xi32, #tpu.memory_space<vmem>>
    %dma_start3A_159 = arith.constant 0 : i32
    %dma_start3A_160 = arith.constant 0 : i32
    %dma_start3A_161 = tpu.memref_slice %arg2[%dma_start3A_159, %dma_start3A_160] : memref<1048576x32xf32, #tpu.memory_space<hbm>> -> memref<1048576x32xf32, #tpu.memory_space<hbm>>
    tpu.enqueue_indirect_dma source(%dma_start3A_161 : memref<1048576x32xf32, #tpu.memory_space<hbm>>) target(%dma_start3A_155 : memref<128x32xf32, #tpu.memory_space<vmem>>) offsets(%dma_start3A_158 : memref<128xi32, #tpu.memory_space<vmem>>) semaphore(%arg7 : memref<!tpu.dma_semaphore, #tpu.memory_space<semaphore_mem>>)
    %dma_start3A_162 = arith.constant 16 : i32
    %dma_start3A_163 = arith.constant 2048 : i32
    %dma_start3A_164 = arith.constant 0 : i32
    %dma_start3A_165 = tpu.memref_slice %arg6[%dma_start3A_163, %dma_start3A_164] : memref<3328x32xf32, #tpu.memory_space<vmem>> -> memref<128x32xf32, #tpu.memory_space<vmem>>
    %dma_start3A_166 = arith.constant 0 : i32
    %dma_start3A_167 = tpu.memref_slice %arg5[%dma_start3A_162, %dma_start3A_166] : memref<26x128xi32, #tpu.memory_space<vmem>> -> memref<1x128xi32, #tpu.memory_space<vmem>>
    %dma_start3A_168 = tpu.memref_squeeze %dma_start3A_167 : memref<1x128xi32, #tpu.memory_space<vmem>> -> memref<128xi32, #tpu.memory_space<vmem>>
    %dma_start3A_169 = arith.constant 0 : i32
    %dma_start3A_170 = arith.constant 0 : i32
    %dma_start3A_171 = tpu.memref_slice %arg2[%dma_start3A_169, %dma_start3A_170] : memref<1048576x32xf32, #tpu.memory_space<hbm>> -> memref<1048576x32xf32, #tpu.memory_space<hbm>>
    tpu.enqueue_indirect_dma source(%dma_start3A_171 : memref<1048576x32xf32, #tpu.memory_space<hbm>>) target(%dma_start3A_165 : memref<128x32xf32, #tpu.memory_space<vmem>>) offsets(%dma_start3A_168 : memref<128xi32, #tpu.memory_space<vmem>>) semaphore(%arg7 : memref<!tpu.dma_semaphore, #tpu.memory_space<semaphore_mem>>)
    %dma_start3A_172 = arith.constant 17 : i32
    %dma_start3A_173 = arith.constant 2176 : i32
    %dma_start3A_174 = arith.constant 0 : i32
    %dma_start3A_175 = tpu.memref_slice %arg6[%dma_start3A_173, %dma_start3A_174] : memref<3328x32xf32, #tpu.memory_space<vmem>> -> memref<128x32xf32, #tpu.memory_space<vmem>>
    %dma_start3A_176 = arith.constant 0 : i32
    %dma_start3A_177 = tpu.memref_slice %arg5[%dma_start3A_172, %dma_start3A_176] : memref<26x128xi32, #tpu.memory_space<vmem>> -> memref<1x128xi32, #tpu.memory_space<vmem>>
    %dma_start3A_178 = tpu.memref_squeeze %dma_start3A_177 : memref<1x128xi32, #tpu.memory_space<vmem>> -> memref<128xi32, #tpu.memory_space<vmem>>
    %dma_start3A_179 = arith.constant 0 : i32
    %dma_start3A_180 = arith.constant 0 : i32
    %dma_start3A_181 = tpu.memref_slice %arg2[%dma_start3A_179, %dma_start3A_180] : memref<1048576x32xf32, #tpu.memory_space<hbm>> -> memref<1048576x32xf32, #tpu.memory_space<hbm>>
    tpu.enqueue_indirect_dma source(%dma_start3A_181 : memref<1048576x32xf32, #tpu.memory_space<hbm>>) target(%dma_start3A_175 : memref<128x32xf32, #tpu.memory_space<vmem>>) offsets(%dma_start3A_178 : memref<128xi32, #tpu.memory_space<vmem>>) semaphore(%arg7 : memref<!tpu.dma_semaphore, #tpu.memory_space<semaphore_mem>>)
    %dma_start3A_182 = arith.constant 18 : i32
    %dma_start3A_183 = arith.constant 2304 : i32
    %dma_start3A_184 = arith.constant 0 : i32
    %dma_start3A_185 = tpu.memref_slice %arg6[%dma_start3A_183, %dma_start3A_184] : memref<3328x32xf32, #tpu.memory_space<vmem>> -> memref<128x32xf32, #tpu.memory_space<vmem>>
    %dma_start3A_186 = arith.constant 0 : i32
    %dma_start3A_187 = tpu.memref_slice %arg5[%dma_start3A_182, %dma_start3A_186] : memref<26x128xi32, #tpu.memory_space<vmem>> -> memref<1x128xi32, #tpu.memory_space<vmem>>
    %dma_start3A_188 = tpu.memref_squeeze %dma_start3A_187 : memref<1x128xi32, #tpu.memory_space<vmem>> -> memref<128xi32, #tpu.memory_space<vmem>>
    %dma_start3A_189 = arith.constant 0 : i32
    %dma_start3A_190 = arith.constant 0 : i32
    %dma_start3A_191 = tpu.memref_slice %arg2[%dma_start3A_189, %dma_start3A_190] : memref<1048576x32xf32, #tpu.memory_space<hbm>> -> memref<1048576x32xf32, #tpu.memory_space<hbm>>
    tpu.enqueue_indirect_dma source(%dma_start3A_191 : memref<1048576x32xf32, #tpu.memory_space<hbm>>) target(%dma_start3A_185 : memref<128x32xf32, #tpu.memory_space<vmem>>) offsets(%dma_start3A_188 : memref<128xi32, #tpu.memory_space<vmem>>) semaphore(%arg7 : memref<!tpu.dma_semaphore, #tpu.memory_space<semaphore_mem>>)
    %dma_start3A_192 = arith.constant 19 : i32
    %dma_start3A_193 = arith.constant 2432 : i32
    %dma_start3A_194 = arith.constant 0 : i32
    %dma_start3A_195 = tpu.memref_slice %arg6[%dma_start3A_193, %dma_start3A_194] : memref<3328x32xf32, #tpu.memory_space<vmem>> -> memref<128x32xf32, #tpu.memory_space<vmem>>
    %dma_start3A_196 = arith.constant 0 : i32
    %dma_start3A_197 = tpu.memref_slice %arg5[%dma_start3A_192, %dma_start3A_196] : memref<26x128xi32, #tpu.memory_space<vmem>> -> memref<1x128xi32, #tpu.memory_space<vmem>>
    %dma_start3A_198 = tpu.memref_squeeze %dma_start3A_197 : memref<1x128xi32, #tpu.memory_space<vmem>> -> memref<128xi32, #tpu.memory_space<vmem>>
    %dma_start3A_199 = arith.constant 0 : i32
    %dma_start3A_200 = arith.constant 0 : i32
    %dma_start3A_201 = tpu.memref_slice %arg2[%dma_start3A_199, %dma_start3A_200] : memref<1048576x32xf32, #tpu.memory_space<hbm>> -> memref<1048576x32xf32, #tpu.memory_space<hbm>>
    tpu.enqueue_indirect_dma source(%dma_start3A_201 : memref<1048576x32xf32, #tpu.memory_space<hbm>>) target(%dma_start3A_195 : memref<128x32xf32, #tpu.memory_space<vmem>>) offsets(%dma_start3A_198 : memref<128xi32, #tpu.memory_space<vmem>>) semaphore(%arg7 : memref<!tpu.dma_semaphore, #tpu.memory_space<semaphore_mem>>)
    %dma_start3A_202 = arith.constant 20 : i32
    %dma_start3A_203 = arith.constant 2560 : i32
    %dma_start3A_204 = arith.constant 0 : i32
    %dma_start3A_205 = tpu.memref_slice %arg6[%dma_start3A_203, %dma_start3A_204] : memref<3328x32xf32, #tpu.memory_space<vmem>> -> memref<128x32xf32, #tpu.memory_space<vmem>>
    %dma_start3A_206 = arith.constant 0 : i32
    %dma_start3A_207 = tpu.memref_slice %arg5[%dma_start3A_202, %dma_start3A_206] : memref<26x128xi32, #tpu.memory_space<vmem>> -> memref<1x128xi32, #tpu.memory_space<vmem>>
    %dma_start3A_208 = tpu.memref_squeeze %dma_start3A_207 : memref<1x128xi32, #tpu.memory_space<vmem>> -> memref<128xi32, #tpu.memory_space<vmem>>
    %dma_start3A_209 = arith.constant 0 : i32
    %dma_start3A_210 = arith.constant 0 : i32
    %dma_start3A_211 = tpu.memref_slice %arg2[%dma_start3A_209, %dma_start3A_210] : memref<1048576x32xf32, #tpu.memory_space<hbm>> -> memref<1048576x32xf32, #tpu.memory_space<hbm>>
    tpu.enqueue_indirect_dma source(%dma_start3A_211 : memref<1048576x32xf32, #tpu.memory_space<hbm>>) target(%dma_start3A_205 : memref<128x32xf32, #tpu.memory_space<vmem>>) offsets(%dma_start3A_208 : memref<128xi32, #tpu.memory_space<vmem>>) semaphore(%arg7 : memref<!tpu.dma_semaphore, #tpu.memory_space<semaphore_mem>>)
    %dma_start3A_212 = arith.constant 21 : i32
    %dma_start3A_213 = arith.constant 2688 : i32
    %dma_start3A_214 = arith.constant 0 : i32
    %dma_start3A_215 = tpu.memref_slice %arg6[%dma_start3A_213, %dma_start3A_214] : memref<3328x32xf32, #tpu.memory_space<vmem>> -> memref<128x32xf32, #tpu.memory_space<vmem>>
    %dma_start3A_216 = arith.constant 0 : i32
    %dma_start3A_217 = tpu.memref_slice %arg5[%dma_start3A_212, %dma_start3A_216] : memref<26x128xi32, #tpu.memory_space<vmem>> -> memref<1x128xi32, #tpu.memory_space<vmem>>
    %dma_start3A_218 = tpu.memref_squeeze %dma_start3A_217 : memref<1x128xi32, #tpu.memory_space<vmem>> -> memref<128xi32, #tpu.memory_space<vmem>>
    %dma_start3A_219 = arith.constant 0 : i32
    %dma_start3A_220 = arith.constant 0 : i32
    %dma_start3A_221 = tpu.memref_slice %arg2[%dma_start3A_219, %dma_start3A_220] : memref<1048576x32xf32, #tpu.memory_space<hbm>> -> memref<1048576x32xf32, #tpu.memory_space<hbm>>
    tpu.enqueue_indirect_dma source(%dma_start3A_221 : memref<1048576x32xf32, #tpu.memory_space<hbm>>) target(%dma_start3A_215 : memref<128x32xf32, #tpu.memory_space<vmem>>) offsets(%dma_start3A_218 : memref<128xi32, #tpu.memory_space<vmem>>) semaphore(%arg7 : memref<!tpu.dma_semaphore, #tpu.memory_space<semaphore_mem>>)
    %dma_start3A_222 = arith.constant 22 : i32
    %dma_start3A_223 = arith.constant 2816 : i32
    %dma_start3A_224 = arith.constant 0 : i32
    %dma_start3A_225 = tpu.memref_slice %arg6[%dma_start3A_223, %dma_start3A_224] : memref<3328x32xf32, #tpu.memory_space<vmem>> -> memref<128x32xf32, #tpu.memory_space<vmem>>
    %dma_start3A_226 = arith.constant 0 : i32
    %dma_start3A_227 = tpu.memref_slice %arg5[%dma_start3A_222, %dma_start3A_226] : memref<26x128xi32, #tpu.memory_space<vmem>> -> memref<1x128xi32, #tpu.memory_space<vmem>>
    %dma_start3A_228 = tpu.memref_squeeze %dma_start3A_227 : memref<1x128xi32, #tpu.memory_space<vmem>> -> memref<128xi32, #tpu.memory_space<vmem>>
    %dma_start3A_229 = arith.constant 0 : i32
    %dma_start3A_230 = arith.constant 0 : i32
    %dma_start3A_231 = tpu.memref_slice %arg2[%dma_start3A_229, %dma_start3A_230] : memref<1048576x32xf32, #tpu.memory_space<hbm>> -> memref<1048576x32xf32, #tpu.memory_space<hbm>>
    tpu.enqueue_indirect_dma source(%dma_start3A_231 : memref<1048576x32xf32, #tpu.memory_space<hbm>>) target(%dma_start3A_225 : memref<128x32xf32, #tpu.memory_space<vmem>>) offsets(%dma_start3A_228 : memref<128xi32, #tpu.memory_space<vmem>>) semaphore(%arg7 : memref<!tpu.dma_semaphore, #tpu.memory_space<semaphore_mem>>)
    %dma_start3A_232 = arith.constant 23 : i32
    %dma_start3A_233 = arith.constant 2944 : i32
    %dma_start3A_234 = arith.constant 0 : i32
    %dma_start3A_235 = tpu.memref_slice %arg6[%dma_start3A_233, %dma_start3A_234] : memref<3328x32xf32, #tpu.memory_space<vmem>> -> memref<128x32xf32, #tpu.memory_space<vmem>>
    %dma_start3A_236 = arith.constant 0 : i32
    %dma_start3A_237 = tpu.memref_slice %arg5[%dma_start3A_232, %dma_start3A_236] : memref<26x128xi32, #tpu.memory_space<vmem>> -> memref<1x128xi32, #tpu.memory_space<vmem>>
    %dma_start3A_238 = tpu.memref_squeeze %dma_start3A_237 : memref<1x128xi32, #tpu.memory_space<vmem>> -> memref<128xi32, #tpu.memory_space<vmem>>
    %dma_start3A_239 = arith.constant 0 : i32
    %dma_start3A_240 = arith.constant 0 : i32
    %dma_start3A_241 = tpu.memref_slice %arg2[%dma_start3A_239, %dma_start3A_240] : memref<1048576x32xf32, #tpu.memory_space<hbm>> -> memref<1048576x32xf32, #tpu.memory_space<hbm>>
    tpu.enqueue_indirect_dma source(%dma_start3A_241 : memref<1048576x32xf32, #tpu.memory_space<hbm>>) target(%dma_start3A_235 : memref<128x32xf32, #tpu.memory_space<vmem>>) offsets(%dma_start3A_238 : memref<128xi32, #tpu.memory_space<vmem>>) semaphore(%arg7 : memref<!tpu.dma_semaphore, #tpu.memory_space<semaphore_mem>>)
    %dma_start3A_242 = arith.constant 24 : i32
    %dma_start3A_243 = arith.constant 3072 : i32
    %dma_start3A_244 = arith.constant 0 : i32
    %dma_start3A_245 = tpu.memref_slice %arg6[%dma_start3A_243, %dma_start3A_244] : memref<3328x32xf32, #tpu.memory_space<vmem>> -> memref<128x32xf32, #tpu.memory_space<vmem>>
    %dma_start3A_246 = arith.constant 0 : i32
    %dma_start3A_247 = tpu.memref_slice %arg5[%dma_start3A_242, %dma_start3A_246] : memref<26x128xi32, #tpu.memory_space<vmem>> -> memref<1x128xi32, #tpu.memory_space<vmem>>
    %dma_start3A_248 = tpu.memref_squeeze %dma_start3A_247 : memref<1x128xi32, #tpu.memory_space<vmem>> -> memref<128xi32, #tpu.memory_space<vmem>>
    %dma_start3A_249 = arith.constant 0 : i32
    %dma_start3A_250 = arith.constant 0 : i32
    %dma_start3A_251 = tpu.memref_slice %arg2[%dma_start3A_249, %dma_start3A_250] : memref<1048576x32xf32, #tpu.memory_space<hbm>> -> memref<1048576x32xf32, #tpu.memory_space<hbm>>
    tpu.enqueue_indirect_dma source(%dma_start3A_251 : memref<1048576x32xf32, #tpu.memory_space<hbm>>) target(%dma_start3A_245 : memref<128x32xf32, #tpu.memory_space<vmem>>) offsets(%dma_start3A_248 : memref<128xi32, #tpu.memory_space<vmem>>) semaphore(%arg7 : memref<!tpu.dma_semaphore, #tpu.memory_space<semaphore_mem>>)
    %dma_start3A_252 = arith.constant 25 : i32
    %dma_start3A_253 = arith.constant 3200 : i32
    %dma_start3A_254 = arith.constant 0 : i32
    %dma_start3A_255 = tpu.memref_slice %arg6[%dma_start3A_253, %dma_start3A_254] : memref<3328x32xf32, #tpu.memory_space<vmem>> -> memref<128x32xf32, #tpu.memory_space<vmem>>
    %dma_start3A_256 = arith.constant 0 : i32
    %dma_start3A_257 = tpu.memref_slice %arg5[%dma_start3A_252, %dma_start3A_256] : memref<26x128xi32, #tpu.memory_space<vmem>> -> memref<1x128xi32, #tpu.memory_space<vmem>>
    %dma_start3A_258 = tpu.memref_squeeze %dma_start3A_257 : memref<1x128xi32, #tpu.memory_space<vmem>> -> memref<128xi32, #tpu.memory_space<vmem>>
    %dma_start3A_259 = arith.constant 0 : i32
    %dma_start3A_260 = arith.constant 0 : i32
    %dma_start3A_261 = tpu.memref_slice %arg2[%dma_start3A_259, %dma_start3A_260] : memref<1048576x32xf32, #tpu.memory_space<hbm>> -> memref<1048576x32xf32, #tpu.memory_space<hbm>>
    tpu.enqueue_indirect_dma source(%dma_start3A_261 : memref<1048576x32xf32, #tpu.memory_space<hbm>>) target(%dma_start3A_255 : memref<128x32xf32, #tpu.memory_space<vmem>>) offsets(%dma_start3A_258 : memref<128xi32, #tpu.memory_space<vmem>>) semaphore(%arg7 : memref<!tpu.dma_semaphore, #tpu.memory_space<semaphore_mem>>)
    %dma_wait3A = arith.constant 0 : i32
    %dma_wait3A_262 = arith.constant 0 : i32
    %dma_wait3A_263 = arith.constant 0 : i32
    %dma_wait3A_264 = tpu.memref_slice %arg6[%dma_wait3A_262, %dma_wait3A_263] : memref<3328x32xf32, #tpu.memory_space<vmem>> -> memref<128x32xf32, #tpu.memory_space<vmem>>
    %dma_wait3A_265 = arith.constant 0 : i32
    %dma_wait3A_266 = tpu.memref_slice %arg5[%dma_wait3A, %dma_wait3A_265] : memref<26x128xi32, #tpu.memory_space<vmem>> -> memref<1x128xi32, #tpu.memory_space<vmem>>
    %dma_wait3A_267 = tpu.memref_squeeze %dma_wait3A_266 : memref<1x128xi32, #tpu.memory_space<vmem>> -> memref<128xi32, #tpu.memory_space<vmem>>
    %dma_wait3A_268 = arith.constant 0 : i32
    %dma_wait3A_269 = arith.constant 0 : i32
    %dma_wait3A_270 = tpu.memref_slice %arg2[%dma_wait3A_268, %dma_wait3A_269] : memref<1048576x32xf32, #tpu.memory_space<hbm>> -> memref<1048576x32xf32, #tpu.memory_space<hbm>>
    tpu.wait_indirect_dma semaphore(%arg7 : memref<!tpu.dma_semaphore, #tpu.memory_space<semaphore_mem>>) src(%dma_wait3A_270 : memref<1048576x32xf32, #tpu.memory_space<hbm>>) dst(%dma_wait3A_264 : memref<128x32xf32, #tpu.memory_space<vmem>>)
    %dma_wait3A_271 = arith.constant 1 : i32
    %dma_wait3A_272 = arith.constant 128 : i32
    %dma_wait3A_273 = arith.constant 0 : i32
    %dma_wait3A_274 = tpu.memref_slice %arg6[%dma_wait3A_272, %dma_wait3A_273] : memref<3328x32xf32, #tpu.memory_space<vmem>> -> memref<128x32xf32, #tpu.memory_space<vmem>>
    %dma_wait3A_275 = arith.constant 0 : i32
    %dma_wait3A_276 = tpu.memref_slice %arg5[%dma_wait3A_271, %dma_wait3A_275] : memref<26x128xi32, #tpu.memory_space<vmem>> -> memref<1x128xi32, #tpu.memory_space<vmem>>
    %dma_wait3A_277 = tpu.memref_squeeze %dma_wait3A_276 : memref<1x128xi32, #tpu.memory_space<vmem>> -> memref<128xi32, #tpu.memory_space<vmem>>
    %dma_wait3A_278 = arith.constant 0 : i32
    %dma_wait3A_279 = arith.constant 0 : i32
    %dma_wait3A_280 = tpu.memref_slice %arg2[%dma_wait3A_278, %dma_wait3A_279] : memref<1048576x32xf32, #tpu.memory_space<hbm>> -> memref<1048576x32xf32, #tpu.memory_space<hbm>>
    tpu.wait_indirect_dma semaphore(%arg7 : memref<!tpu.dma_semaphore, #tpu.memory_space<semaphore_mem>>) src(%dma_wait3A_280 : memref<1048576x32xf32, #tpu.memory_space<hbm>>) dst(%dma_wait3A_274 : memref<128x32xf32, #tpu.memory_space<vmem>>)
    %dma_wait3A_281 = arith.constant 2 : i32
    %dma_wait3A_282 = arith.constant 256 : i32
    %dma_wait3A_283 = arith.constant 0 : i32
    %dma_wait3A_284 = tpu.memref_slice %arg6[%dma_wait3A_282, %dma_wait3A_283] : memref<3328x32xf32, #tpu.memory_space<vmem>> -> memref<128x32xf32, #tpu.memory_space<vmem>>
    %dma_wait3A_285 = arith.constant 0 : i32
    %dma_wait3A_286 = tpu.memref_slice %arg5[%dma_wait3A_281, %dma_wait3A_285] : memref<26x128xi32, #tpu.memory_space<vmem>> -> memref<1x128xi32, #tpu.memory_space<vmem>>
    %dma_wait3A_287 = tpu.memref_squeeze %dma_wait3A_286 : memref<1x128xi32, #tpu.memory_space<vmem>> -> memref<128xi32, #tpu.memory_space<vmem>>
    %dma_wait3A_288 = arith.constant 0 : i32
    %dma_wait3A_289 = arith.constant 0 : i32
    %dma_wait3A_290 = tpu.memref_slice %arg2[%dma_wait3A_288, %dma_wait3A_289] : memref<1048576x32xf32, #tpu.memory_space<hbm>> -> memref<1048576x32xf32, #tpu.memory_space<hbm>>
    tpu.wait_indirect_dma semaphore(%arg7 : memref<!tpu.dma_semaphore, #tpu.memory_space<semaphore_mem>>) src(%dma_wait3A_290 : memref<1048576x32xf32, #tpu.memory_space<hbm>>) dst(%dma_wait3A_284 : memref<128x32xf32, #tpu.memory_space<vmem>>)
    %dma_wait3A_291 = arith.constant 3 : i32
    %dma_wait3A_292 = arith.constant 384 : i32
    %dma_wait3A_293 = arith.constant 0 : i32
    %dma_wait3A_294 = tpu.memref_slice %arg6[%dma_wait3A_292, %dma_wait3A_293] : memref<3328x32xf32, #tpu.memory_space<vmem>> -> memref<128x32xf32, #tpu.memory_space<vmem>>
    %dma_wait3A_295 = arith.constant 0 : i32
    %dma_wait3A_296 = tpu.memref_slice %arg5[%dma_wait3A_291, %dma_wait3A_295] : memref<26x128xi32, #tpu.memory_space<vmem>> -> memref<1x128xi32, #tpu.memory_space<vmem>>
    %dma_wait3A_297 = tpu.memref_squeeze %dma_wait3A_296 : memref<1x128xi32, #tpu.memory_space<vmem>> -> memref<128xi32, #tpu.memory_space<vmem>>
    %dma_wait3A_298 = arith.constant 0 : i32
    %dma_wait3A_299 = arith.constant 0 : i32
    %dma_wait3A_300 = tpu.memref_slice %arg2[%dma_wait3A_298, %dma_wait3A_299] : memref<1048576x32xf32, #tpu.memory_space<hbm>> -> memref<1048576x32xf32, #tpu.memory_space<hbm>>
    tpu.wait_indirect_dma semaphore(%arg7 : memref<!tpu.dma_semaphore, #tpu.memory_space<semaphore_mem>>) src(%dma_wait3A_300 : memref<1048576x32xf32, #tpu.memory_space<hbm>>) dst(%dma_wait3A_294 : memref<128x32xf32, #tpu.memory_space<vmem>>)
    %dma_wait3A_301 = arith.constant 4 : i32
    %dma_wait3A_302 = arith.constant 512 : i32
    %dma_wait3A_303 = arith.constant 0 : i32
    %dma_wait3A_304 = tpu.memref_slice %arg6[%dma_wait3A_302, %dma_wait3A_303] : memref<3328x32xf32, #tpu.memory_space<vmem>> -> memref<128x32xf32, #tpu.memory_space<vmem>>
    %dma_wait3A_305 = arith.constant 0 : i32
    %dma_wait3A_306 = tpu.memref_slice %arg5[%dma_wait3A_301, %dma_wait3A_305] : memref<26x128xi32, #tpu.memory_space<vmem>> -> memref<1x128xi32, #tpu.memory_space<vmem>>
    %dma_wait3A_307 = tpu.memref_squeeze %dma_wait3A_306 : memref<1x128xi32, #tpu.memory_space<vmem>> -> memref<128xi32, #tpu.memory_space<vmem>>
    %dma_wait3A_308 = arith.constant 0 : i32
    %dma_wait3A_309 = arith.constant 0 : i32
    %dma_wait3A_310 = tpu.memref_slice %arg2[%dma_wait3A_308, %dma_wait3A_309] : memref<1048576x32xf32, #tpu.memory_space<hbm>> -> memref<1048576x32xf32, #tpu.memory_space<hbm>>
    tpu.wait_indirect_dma semaphore(%arg7 : memref<!tpu.dma_semaphore, #tpu.memory_space<semaphore_mem>>) src(%dma_wait3A_310 : memref<1048576x32xf32, #tpu.memory_space<hbm>>) dst(%dma_wait3A_304 : memref<128x32xf32, #tpu.memory_space<vmem>>)
    %dma_wait3A_311 = arith.constant 5 : i32
    %dma_wait3A_312 = arith.constant 640 : i32
    %dma_wait3A_313 = arith.constant 0 : i32
    %dma_wait3A_314 = tpu.memref_slice %arg6[%dma_wait3A_312, %dma_wait3A_313] : memref<3328x32xf32, #tpu.memory_space<vmem>> -> memref<128x32xf32, #tpu.memory_space<vmem>>
    %dma_wait3A_315 = arith.constant 0 : i32
    %dma_wait3A_316 = tpu.memref_slice %arg5[%dma_wait3A_311, %dma_wait3A_315] : memref<26x128xi32, #tpu.memory_space<vmem>> -> memref<1x128xi32, #tpu.memory_space<vmem>>
    %dma_wait3A_317 = tpu.memref_squeeze %dma_wait3A_316 : memref<1x128xi32, #tpu.memory_space<vmem>> -> memref<128xi32, #tpu.memory_space<vmem>>
    %dma_wait3A_318 = arith.constant 0 : i32
    %dma_wait3A_319 = arith.constant 0 : i32
    %dma_wait3A_320 = tpu.memref_slice %arg2[%dma_wait3A_318, %dma_wait3A_319] : memref<1048576x32xf32, #tpu.memory_space<hbm>> -> memref<1048576x32xf32, #tpu.memory_space<hbm>>
    tpu.wait_indirect_dma semaphore(%arg7 : memref<!tpu.dma_semaphore, #tpu.memory_space<semaphore_mem>>) src(%dma_wait3A_320 : memref<1048576x32xf32, #tpu.memory_space<hbm>>) dst(%dma_wait3A_314 : memref<128x32xf32, #tpu.memory_space<vmem>>)
    %dma_wait3A_321 = arith.constant 6 : i32
    %dma_wait3A_322 = arith.constant 768 : i32
    %dma_wait3A_323 = arith.constant 0 : i32
    %dma_wait3A_324 = tpu.memref_slice %arg6[%dma_wait3A_322, %dma_wait3A_323] : memref<3328x32xf32, #tpu.memory_space<vmem>> -> memref<128x32xf32, #tpu.memory_space<vmem>>
    %dma_wait3A_325 = arith.constant 0 : i32
    %dma_wait3A_326 = tpu.memref_slice %arg5[%dma_wait3A_321, %dma_wait3A_325] : memref<26x128xi32, #tpu.memory_space<vmem>> -> memref<1x128xi32, #tpu.memory_space<vmem>>
    %dma_wait3A_327 = tpu.memref_squeeze %dma_wait3A_326 : memref<1x128xi32, #tpu.memory_space<vmem>> -> memref<128xi32, #tpu.memory_space<vmem>>
    %dma_wait3A_328 = arith.constant 0 : i32
    %dma_wait3A_329 = arith.constant 0 : i32
    %dma_wait3A_330 = tpu.memref_slice %arg2[%dma_wait3A_328, %dma_wait3A_329] : memref<1048576x32xf32, #tpu.memory_space<hbm>> -> memref<1048576x32xf32, #tpu.memory_space<hbm>>
    tpu.wait_indirect_dma semaphore(%arg7 : memref<!tpu.dma_semaphore, #tpu.memory_space<semaphore_mem>>) src(%dma_wait3A_330 : memref<1048576x32xf32, #tpu.memory_space<hbm>>) dst(%dma_wait3A_324 : memref<128x32xf32, #tpu.memory_space<vmem>>)
    %dma_wait3A_331 = arith.constant 7 : i32
    %dma_wait3A_332 = arith.constant 896 : i32
    %dma_wait3A_333 = arith.constant 0 : i32
    %dma_wait3A_334 = tpu.memref_slice %arg6[%dma_wait3A_332, %dma_wait3A_333] : memref<3328x32xf32, #tpu.memory_space<vmem>> -> memref<128x32xf32, #tpu.memory_space<vmem>>
    %dma_wait3A_335 = arith.constant 0 : i32
    %dma_wait3A_336 = tpu.memref_slice %arg5[%dma_wait3A_331, %dma_wait3A_335] : memref<26x128xi32, #tpu.memory_space<vmem>> -> memref<1x128xi32, #tpu.memory_space<vmem>>
    %dma_wait3A_337 = tpu.memref_squeeze %dma_wait3A_336 : memref<1x128xi32, #tpu.memory_space<vmem>> -> memref<128xi32, #tpu.memory_space<vmem>>
    %dma_wait3A_338 = arith.constant 0 : i32
    %dma_wait3A_339 = arith.constant 0 : i32
    %dma_wait3A_340 = tpu.memref_slice %arg2[%dma_wait3A_338, %dma_wait3A_339] : memref<1048576x32xf32, #tpu.memory_space<hbm>> -> memref<1048576x32xf32, #tpu.memory_space<hbm>>
    tpu.wait_indirect_dma semaphore(%arg7 : memref<!tpu.dma_semaphore, #tpu.memory_space<semaphore_mem>>) src(%dma_wait3A_340 : memref<1048576x32xf32, #tpu.memory_space<hbm>>) dst(%dma_wait3A_334 : memref<128x32xf32, #tpu.memory_space<vmem>>)
    %dma_wait3A_341 = arith.constant 8 : i32
    %dma_wait3A_342 = arith.constant 1024 : i32
    %dma_wait3A_343 = arith.constant 0 : i32
    %dma_wait3A_344 = tpu.memref_slice %arg6[%dma_wait3A_342, %dma_wait3A_343] : memref<3328x32xf32, #tpu.memory_space<vmem>> -> memref<128x32xf32, #tpu.memory_space<vmem>>
    %dma_wait3A_345 = arith.constant 0 : i32
    %dma_wait3A_346 = tpu.memref_slice %arg5[%dma_wait3A_341, %dma_wait3A_345] : memref<26x128xi32, #tpu.memory_space<vmem>> -> memref<1x128xi32, #tpu.memory_space<vmem>>
    %dma_wait3A_347 = tpu.memref_squeeze %dma_wait3A_346 : memref<1x128xi32, #tpu.memory_space<vmem>> -> memref<128xi32, #tpu.memory_space<vmem>>
    %dma_wait3A_348 = arith.constant 0 : i32
    %dma_wait3A_349 = arith.constant 0 : i32
    %dma_wait3A_350 = tpu.memref_slice %arg2[%dma_wait3A_348, %dma_wait3A_349] : memref<1048576x32xf32, #tpu.memory_space<hbm>> -> memref<1048576x32xf32, #tpu.memory_space<hbm>>
    tpu.wait_indirect_dma semaphore(%arg7 : memref<!tpu.dma_semaphore, #tpu.memory_space<semaphore_mem>>) src(%dma_wait3A_350 : memref<1048576x32xf32, #tpu.memory_space<hbm>>) dst(%dma_wait3A_344 : memref<128x32xf32, #tpu.memory_space<vmem>>)
    %dma_wait3A_351 = arith.constant 9 : i32
    %dma_wait3A_352 = arith.constant 1152 : i32
    %dma_wait3A_353 = arith.constant 0 : i32
    %dma_wait3A_354 = tpu.memref_slice %arg6[%dma_wait3A_352, %dma_wait3A_353] : memref<3328x32xf32, #tpu.memory_space<vmem>> -> memref<128x32xf32, #tpu.memory_space<vmem>>
    %dma_wait3A_355 = arith.constant 0 : i32
    %dma_wait3A_356 = tpu.memref_slice %arg5[%dma_wait3A_351, %dma_wait3A_355] : memref<26x128xi32, #tpu.memory_space<vmem>> -> memref<1x128xi32, #tpu.memory_space<vmem>>
    %dma_wait3A_357 = tpu.memref_squeeze %dma_wait3A_356 : memref<1x128xi32, #tpu.memory_space<vmem>> -> memref<128xi32, #tpu.memory_space<vmem>>
    %dma_wait3A_358 = arith.constant 0 : i32
    %dma_wait3A_359 = arith.constant 0 : i32
    %dma_wait3A_360 = tpu.memref_slice %arg2[%dma_wait3A_358, %dma_wait3A_359] : memref<1048576x32xf32, #tpu.memory_space<hbm>> -> memref<1048576x32xf32, #tpu.memory_space<hbm>>
    tpu.wait_indirect_dma semaphore(%arg7 : memref<!tpu.dma_semaphore, #tpu.memory_space<semaphore_mem>>) src(%dma_wait3A_360 : memref<1048576x32xf32, #tpu.memory_space<hbm>>) dst(%dma_wait3A_354 : memref<128x32xf32, #tpu.memory_space<vmem>>)
    %dma_wait3A_361 = arith.constant 10 : i32
    %dma_wait3A_362 = arith.constant 1280 : i32
    %dma_wait3A_363 = arith.constant 0 : i32
    %dma_wait3A_364 = tpu.memref_slice %arg6[%dma_wait3A_362, %dma_wait3A_363] : memref<3328x32xf32, #tpu.memory_space<vmem>> -> memref<128x32xf32, #tpu.memory_space<vmem>>
    %dma_wait3A_365 = arith.constant 0 : i32
    %dma_wait3A_366 = tpu.memref_slice %arg5[%dma_wait3A_361, %dma_wait3A_365] : memref<26x128xi32, #tpu.memory_space<vmem>> -> memref<1x128xi32, #tpu.memory_space<vmem>>
    %dma_wait3A_367 = tpu.memref_squeeze %dma_wait3A_366 : memref<1x128xi32, #tpu.memory_space<vmem>> -> memref<128xi32, #tpu.memory_space<vmem>>
    %dma_wait3A_368 = arith.constant 0 : i32
    %dma_wait3A_369 = arith.constant 0 : i32
    %dma_wait3A_370 = tpu.memref_slice %arg2[%dma_wait3A_368, %dma_wait3A_369] : memref<1048576x32xf32, #tpu.memory_space<hbm>> -> memref<1048576x32xf32, #tpu.memory_space<hbm>>
    tpu.wait_indirect_dma semaphore(%arg7 : memref<!tpu.dma_semaphore, #tpu.memory_space<semaphore_mem>>) src(%dma_wait3A_370 : memref<1048576x32xf32, #tpu.memory_space<hbm>>) dst(%dma_wait3A_364 : memref<128x32xf32, #tpu.memory_space<vmem>>)
    %dma_wait3A_371 = arith.constant 11 : i32
    %dma_wait3A_372 = arith.constant 1408 : i32
    %dma_wait3A_373 = arith.constant 0 : i32
    %dma_wait3A_374 = tpu.memref_slice %arg6[%dma_wait3A_372, %dma_wait3A_373] : memref<3328x32xf32, #tpu.memory_space<vmem>> -> memref<128x32xf32, #tpu.memory_space<vmem>>
    %dma_wait3A_375 = arith.constant 0 : i32
    %dma_wait3A_376 = tpu.memref_slice %arg5[%dma_wait3A_371, %dma_wait3A_375] : memref<26x128xi32, #tpu.memory_space<vmem>> -> memref<1x128xi32, #tpu.memory_space<vmem>>
    %dma_wait3A_377 = tpu.memref_squeeze %dma_wait3A_376 : memref<1x128xi32, #tpu.memory_space<vmem>> -> memref<128xi32, #tpu.memory_space<vmem>>
    %dma_wait3A_378 = arith.constant 0 : i32
    %dma_wait3A_379 = arith.constant 0 : i32
    %dma_wait3A_380 = tpu.memref_slice %arg2[%dma_wait3A_378, %dma_wait3A_379] : memref<1048576x32xf32, #tpu.memory_space<hbm>> -> memref<1048576x32xf32, #tpu.memory_space<hbm>>
    tpu.wait_indirect_dma semaphore(%arg7 : memref<!tpu.dma_semaphore, #tpu.memory_space<semaphore_mem>>) src(%dma_wait3A_380 : memref<1048576x32xf32, #tpu.memory_space<hbm>>) dst(%dma_wait3A_374 : memref<128x32xf32, #tpu.memory_space<vmem>>)
    %dma_wait3A_381 = arith.constant 12 : i32
    %dma_wait3A_382 = arith.constant 1536 : i32
    %dma_wait3A_383 = arith.constant 0 : i32
    %dma_wait3A_384 = tpu.memref_slice %arg6[%dma_wait3A_382, %dma_wait3A_383] : memref<3328x32xf32, #tpu.memory_space<vmem>> -> memref<128x32xf32, #tpu.memory_space<vmem>>
    %dma_wait3A_385 = arith.constant 0 : i32
    %dma_wait3A_386 = tpu.memref_slice %arg5[%dma_wait3A_381, %dma_wait3A_385] : memref<26x128xi32, #tpu.memory_space<vmem>> -> memref<1x128xi32, #tpu.memory_space<vmem>>
    %dma_wait3A_387 = tpu.memref_squeeze %dma_wait3A_386 : memref<1x128xi32, #tpu.memory_space<vmem>> -> memref<128xi32, #tpu.memory_space<vmem>>
    %dma_wait3A_388 = arith.constant 0 : i32
    %dma_wait3A_389 = arith.constant 0 : i32
    %dma_wait3A_390 = tpu.memref_slice %arg2[%dma_wait3A_388, %dma_wait3A_389] : memref<1048576x32xf32, #tpu.memory_space<hbm>> -> memref<1048576x32xf32, #tpu.memory_space<hbm>>
    tpu.wait_indirect_dma semaphore(%arg7 : memref<!tpu.dma_semaphore, #tpu.memory_space<semaphore_mem>>) src(%dma_wait3A_390 : memref<1048576x32xf32, #tpu.memory_space<hbm>>) dst(%dma_wait3A_384 : memref<128x32xf32, #tpu.memory_space<vmem>>)
    %dma_wait3A_391 = arith.constant 13 : i32
    %dma_wait3A_392 = arith.constant 1664 : i32
    %dma_wait3A_393 = arith.constant 0 : i32
    %dma_wait3A_394 = tpu.memref_slice %arg6[%dma_wait3A_392, %dma_wait3A_393] : memref<3328x32xf32, #tpu.memory_space<vmem>> -> memref<128x32xf32, #tpu.memory_space<vmem>>
    %dma_wait3A_395 = arith.constant 0 : i32
    %dma_wait3A_396 = tpu.memref_slice %arg5[%dma_wait3A_391, %dma_wait3A_395] : memref<26x128xi32, #tpu.memory_space<vmem>> -> memref<1x128xi32, #tpu.memory_space<vmem>>
    %dma_wait3A_397 = tpu.memref_squeeze %dma_wait3A_396 : memref<1x128xi32, #tpu.memory_space<vmem>> -> memref<128xi32, #tpu.memory_space<vmem>>
    %dma_wait3A_398 = arith.constant 0 : i32
    %dma_wait3A_399 = arith.constant 0 : i32
    %dma_wait3A_400 = tpu.memref_slice %arg2[%dma_wait3A_398, %dma_wait3A_399] : memref<1048576x32xf32, #tpu.memory_space<hbm>> -> memref<1048576x32xf32, #tpu.memory_space<hbm>>
    tpu.wait_indirect_dma semaphore(%arg7 : memref<!tpu.dma_semaphore, #tpu.memory_space<semaphore_mem>>) src(%dma_wait3A_400 : memref<1048576x32xf32, #tpu.memory_space<hbm>>) dst(%dma_wait3A_394 : memref<128x32xf32, #tpu.memory_space<vmem>>)
    %dma_wait3A_401 = arith.constant 14 : i32
    %dma_wait3A_402 = arith.constant 1792 : i32
    %dma_wait3A_403 = arith.constant 0 : i32
    %dma_wait3A_404 = tpu.memref_slice %arg6[%dma_wait3A_402, %dma_wait3A_403] : memref<3328x32xf32, #tpu.memory_space<vmem>> -> memref<128x32xf32, #tpu.memory_space<vmem>>
    %dma_wait3A_405 = arith.constant 0 : i32
    %dma_wait3A_406 = tpu.memref_slice %arg5[%dma_wait3A_401, %dma_wait3A_405] : memref<26x128xi32, #tpu.memory_space<vmem>> -> memref<1x128xi32, #tpu.memory_space<vmem>>
    %dma_wait3A_407 = tpu.memref_squeeze %dma_wait3A_406 : memref<1x128xi32, #tpu.memory_space<vmem>> -> memref<128xi32, #tpu.memory_space<vmem>>
    %dma_wait3A_408 = arith.constant 0 : i32
    %dma_wait3A_409 = arith.constant 0 : i32
    %dma_wait3A_410 = tpu.memref_slice %arg2[%dma_wait3A_408, %dma_wait3A_409] : memref<1048576x32xf32, #tpu.memory_space<hbm>> -> memref<1048576x32xf32, #tpu.memory_space<hbm>>
    tpu.wait_indirect_dma semaphore(%arg7 : memref<!tpu.dma_semaphore, #tpu.memory_space<semaphore_mem>>) src(%dma_wait3A_410 : memref<1048576x32xf32, #tpu.memory_space<hbm>>) dst(%dma_wait3A_404 : memref<128x32xf32, #tpu.memory_space<vmem>>)
    %dma_wait3A_411 = arith.constant 15 : i32
    %dma_wait3A_412 = arith.constant 1920 : i32
    %dma_wait3A_413 = arith.constant 0 : i32
    %dma_wait3A_414 = tpu.memref_slice %arg6[%dma_wait3A_412, %dma_wait3A_413] : memref<3328x32xf32, #tpu.memory_space<vmem>> -> memref<128x32xf32, #tpu.memory_space<vmem>>
    %dma_wait3A_415 = arith.constant 0 : i32
    %dma_wait3A_416 = tpu.memref_slice %arg5[%dma_wait3A_411, %dma_wait3A_415] : memref<26x128xi32, #tpu.memory_space<vmem>> -> memref<1x128xi32, #tpu.memory_space<vmem>>
    %dma_wait3A_417 = tpu.memref_squeeze %dma_wait3A_416 : memref<1x128xi32, #tpu.memory_space<vmem>> -> memref<128xi32, #tpu.memory_space<vmem>>
    %dma_wait3A_418 = arith.constant 0 : i32
    %dma_wait3A_419 = arith.constant 0 : i32
    %dma_wait3A_420 = tpu.memref_slice %arg2[%dma_wait3A_418, %dma_wait3A_419] : memref<1048576x32xf32, #tpu.memory_space<hbm>> -> memref<1048576x32xf32, #tpu.memory_space<hbm>>
    tpu.wait_indirect_dma semaphore(%arg7 : memref<!tpu.dma_semaphore, #tpu.memory_space<semaphore_mem>>) src(%dma_wait3A_420 : memref<1048576x32xf32, #tpu.memory_space<hbm>>) dst(%dma_wait3A_414 : memref<128x32xf32, #tpu.memory_space<vmem>>)
    %dma_wait3A_421 = arith.constant 16 : i32
    %dma_wait3A_422 = arith.constant 2048 : i32
    %dma_wait3A_423 = arith.constant 0 : i32
    %dma_wait3A_424 = tpu.memref_slice %arg6[%dma_wait3A_422, %dma_wait3A_423] : memref<3328x32xf32, #tpu.memory_space<vmem>> -> memref<128x32xf32, #tpu.memory_space<vmem>>
    %dma_wait3A_425 = arith.constant 0 : i32
    %dma_wait3A_426 = tpu.memref_slice %arg5[%dma_wait3A_421, %dma_wait3A_425] : memref<26x128xi32, #tpu.memory_space<vmem>> -> memref<1x128xi32, #tpu.memory_space<vmem>>
    %dma_wait3A_427 = tpu.memref_squeeze %dma_wait3A_426 : memref<1x128xi32, #tpu.memory_space<vmem>> -> memref<128xi32, #tpu.memory_space<vmem>>
    %dma_wait3A_428 = arith.constant 0 : i32
    %dma_wait3A_429 = arith.constant 0 : i32
    %dma_wait3A_430 = tpu.memref_slice %arg2[%dma_wait3A_428, %dma_wait3A_429] : memref<1048576x32xf32, #tpu.memory_space<hbm>> -> memref<1048576x32xf32, #tpu.memory_space<hbm>>
    tpu.wait_indirect_dma semaphore(%arg7 : memref<!tpu.dma_semaphore, #tpu.memory_space<semaphore_mem>>) src(%dma_wait3A_430 : memref<1048576x32xf32, #tpu.memory_space<hbm>>) dst(%dma_wait3A_424 : memref<128x32xf32, #tpu.memory_space<vmem>>)
    %dma_wait3A_431 = arith.constant 17 : i32
    %dma_wait3A_432 = arith.constant 2176 : i32
    %dma_wait3A_433 = arith.constant 0 : i32
    %dma_wait3A_434 = tpu.memref_slice %arg6[%dma_wait3A_432, %dma_wait3A_433] : memref<3328x32xf32, #tpu.memory_space<vmem>> -> memref<128x32xf32, #tpu.memory_space<vmem>>
    %dma_wait3A_435 = arith.constant 0 : i32
    %dma_wait3A_436 = tpu.memref_slice %arg5[%dma_wait3A_431, %dma_wait3A_435] : memref<26x128xi32, #tpu.memory_space<vmem>> -> memref<1x128xi32, #tpu.memory_space<vmem>>
    %dma_wait3A_437 = tpu.memref_squeeze %dma_wait3A_436 : memref<1x128xi32, #tpu.memory_space<vmem>> -> memref<128xi32, #tpu.memory_space<vmem>>
    %dma_wait3A_438 = arith.constant 0 : i32
    %dma_wait3A_439 = arith.constant 0 : i32
    %dma_wait3A_440 = tpu.memref_slice %arg2[%dma_wait3A_438, %dma_wait3A_439] : memref<1048576x32xf32, #tpu.memory_space<hbm>> -> memref<1048576x32xf32, #tpu.memory_space<hbm>>
    tpu.wait_indirect_dma semaphore(%arg7 : memref<!tpu.dma_semaphore, #tpu.memory_space<semaphore_mem>>) src(%dma_wait3A_440 : memref<1048576x32xf32, #tpu.memory_space<hbm>>) dst(%dma_wait3A_434 : memref<128x32xf32, #tpu.memory_space<vmem>>)
    %dma_wait3A_441 = arith.constant 18 : i32
    %dma_wait3A_442 = arith.constant 2304 : i32
    %dma_wait3A_443 = arith.constant 0 : i32
    %dma_wait3A_444 = tpu.memref_slice %arg6[%dma_wait3A_442, %dma_wait3A_443] : memref<3328x32xf32, #tpu.memory_space<vmem>> -> memref<128x32xf32, #tpu.memory_space<vmem>>
    %dma_wait3A_445 = arith.constant 0 : i32
    %dma_wait3A_446 = tpu.memref_slice %arg5[%dma_wait3A_441, %dma_wait3A_445] : memref<26x128xi32, #tpu.memory_space<vmem>> -> memref<1x128xi32, #tpu.memory_space<vmem>>
    %dma_wait3A_447 = tpu.memref_squeeze %dma_wait3A_446 : memref<1x128xi32, #tpu.memory_space<vmem>> -> memref<128xi32, #tpu.memory_space<vmem>>
    %dma_wait3A_448 = arith.constant 0 : i32
    %dma_wait3A_449 = arith.constant 0 : i32
    %dma_wait3A_450 = tpu.memref_slice %arg2[%dma_wait3A_448, %dma_wait3A_449] : memref<1048576x32xf32, #tpu.memory_space<hbm>> -> memref<1048576x32xf32, #tpu.memory_space<hbm>>
    tpu.wait_indirect_dma semaphore(%arg7 : memref<!tpu.dma_semaphore, #tpu.memory_space<semaphore_mem>>) src(%dma_wait3A_450 : memref<1048576x32xf32, #tpu.memory_space<hbm>>) dst(%dma_wait3A_444 : memref<128x32xf32, #tpu.memory_space<vmem>>)
    %dma_wait3A_451 = arith.constant 19 : i32
    %dma_wait3A_452 = arith.constant 2432 : i32
    %dma_wait3A_453 = arith.constant 0 : i32
    %dma_wait3A_454 = tpu.memref_slice %arg6[%dma_wait3A_452, %dma_wait3A_453] : memref<3328x32xf32, #tpu.memory_space<vmem>> -> memref<128x32xf32, #tpu.memory_space<vmem>>
    %dma_wait3A_455 = arith.constant 0 : i32
    %dma_wait3A_456 = tpu.memref_slice %arg5[%dma_wait3A_451, %dma_wait3A_455] : memref<26x128xi32, #tpu.memory_space<vmem>> -> memref<1x128xi32, #tpu.memory_space<vmem>>
    %dma_wait3A_457 = tpu.memref_squeeze %dma_wait3A_456 : memref<1x128xi32, #tpu.memory_space<vmem>> -> memref<128xi32, #tpu.memory_space<vmem>>
    %dma_wait3A_458 = arith.constant 0 : i32
    %dma_wait3A_459 = arith.constant 0 : i32
    %dma_wait3A_460 = tpu.memref_slice %arg2[%dma_wait3A_458, %dma_wait3A_459] : memref<1048576x32xf32, #tpu.memory_space<hbm>> -> memref<1048576x32xf32, #tpu.memory_space<hbm>>
    tpu.wait_indirect_dma semaphore(%arg7 : memref<!tpu.dma_semaphore, #tpu.memory_space<semaphore_mem>>) src(%dma_wait3A_460 : memref<1048576x32xf32, #tpu.memory_space<hbm>>) dst(%dma_wait3A_454 : memref<128x32xf32, #tpu.memory_space<vmem>>)
    %dma_wait3A_461 = arith.constant 20 : i32
    %dma_wait3A_462 = arith.constant 2560 : i32
    %dma_wait3A_463 = arith.constant 0 : i32
    %dma_wait3A_464 = tpu.memref_slice %arg6[%dma_wait3A_462, %dma_wait3A_463] : memref<3328x32xf32, #tpu.memory_space<vmem>> -> memref<128x32xf32, #tpu.memory_space<vmem>>
    %dma_wait3A_465 = arith.constant 0 : i32
    %dma_wait3A_466 = tpu.memref_slice %arg5[%dma_wait3A_461, %dma_wait3A_465] : memref<26x128xi32, #tpu.memory_space<vmem>> -> memref<1x128xi32, #tpu.memory_space<vmem>>
    %dma_wait3A_467 = tpu.memref_squeeze %dma_wait3A_466 : memref<1x128xi32, #tpu.memory_space<vmem>> -> memref<128xi32, #tpu.memory_space<vmem>>
    %dma_wait3A_468 = arith.constant 0 : i32
    %dma_wait3A_469 = arith.constant 0 : i32
    %dma_wait3A_470 = tpu.memref_slice %arg2[%dma_wait3A_468, %dma_wait3A_469] : memref<1048576x32xf32, #tpu.memory_space<hbm>> -> memref<1048576x32xf32, #tpu.memory_space<hbm>>
    tpu.wait_indirect_dma semaphore(%arg7 : memref<!tpu.dma_semaphore, #tpu.memory_space<semaphore_mem>>) src(%dma_wait3A_470 : memref<1048576x32xf32, #tpu.memory_space<hbm>>) dst(%dma_wait3A_464 : memref<128x32xf32, #tpu.memory_space<vmem>>)
    %dma_wait3A_471 = arith.constant 21 : i32
    %dma_wait3A_472 = arith.constant 2688 : i32
    %dma_wait3A_473 = arith.constant 0 : i32
    %dma_wait3A_474 = tpu.memref_slice %arg6[%dma_wait3A_472, %dma_wait3A_473] : memref<3328x32xf32, #tpu.memory_space<vmem>> -> memref<128x32xf32, #tpu.memory_space<vmem>>
    %dma_wait3A_475 = arith.constant 0 : i32
    %dma_wait3A_476 = tpu.memref_slice %arg5[%dma_wait3A_471, %dma_wait3A_475] : memref<26x128xi32, #tpu.memory_space<vmem>> -> memref<1x128xi32, #tpu.memory_space<vmem>>
    %dma_wait3A_477 = tpu.memref_squeeze %dma_wait3A_476 : memref<1x128xi32, #tpu.memory_space<vmem>> -> memref<128xi32, #tpu.memory_space<vmem>>
    %dma_wait3A_478 = arith.constant 0 : i32
    %dma_wait3A_479 = arith.constant 0 : i32
    %dma_wait3A_480 = tpu.memref_slice %arg2[%dma_wait3A_478, %dma_wait3A_479] : memref<1048576x32xf32, #tpu.memory_space<hbm>> -> memref<1048576x32xf32, #tpu.memory_space<hbm>>
    tpu.wait_indirect_dma semaphore(%arg7 : memref<!tpu.dma_semaphore, #tpu.memory_space<semaphore_mem>>) src(%dma_wait3A_480 : memref<1048576x32xf32, #tpu.memory_space<hbm>>) dst(%dma_wait3A_474 : memref<128x32xf32, #tpu.memory_space<vmem>>)
    %dma_wait3A_481 = arith.constant 22 : i32
    %dma_wait3A_482 = arith.constant 2816 : i32
    %dma_wait3A_483 = arith.constant 0 : i32
    %dma_wait3A_484 = tpu.memref_slice %arg6[%dma_wait3A_482, %dma_wait3A_483] : memref<3328x32xf32, #tpu.memory_space<vmem>> -> memref<128x32xf32, #tpu.memory_space<vmem>>
    %dma_wait3A_485 = arith.constant 0 : i32
    %dma_wait3A_486 = tpu.memref_slice %arg5[%dma_wait3A_481, %dma_wait3A_485] : memref<26x128xi32, #tpu.memory_space<vmem>> -> memref<1x128xi32, #tpu.memory_space<vmem>>
    %dma_wait3A_487 = tpu.memref_squeeze %dma_wait3A_486 : memref<1x128xi32, #tpu.memory_space<vmem>> -> memref<128xi32, #tpu.memory_space<vmem>>
    %dma_wait3A_488 = arith.constant 0 : i32
    %dma_wait3A_489 = arith.constant 0 : i32
    %dma_wait3A_490 = tpu.memref_slice %arg2[%dma_wait3A_488, %dma_wait3A_489] : memref<1048576x32xf32, #tpu.memory_space<hbm>> -> memref<1048576x32xf32, #tpu.memory_space<hbm>>
    tpu.wait_indirect_dma semaphore(%arg7 : memref<!tpu.dma_semaphore, #tpu.memory_space<semaphore_mem>>) src(%dma_wait3A_490 : memref<1048576x32xf32, #tpu.memory_space<hbm>>) dst(%dma_wait3A_484 : memref<128x32xf32, #tpu.memory_space<vmem>>)
    %dma_wait3A_491 = arith.constant 23 : i32
    %dma_wait3A_492 = arith.constant 2944 : i32
    %dma_wait3A_493 = arith.constant 0 : i32
    %dma_wait3A_494 = tpu.memref_slice %arg6[%dma_wait3A_492, %dma_wait3A_493] : memref<3328x32xf32, #tpu.memory_space<vmem>> -> memref<128x32xf32, #tpu.memory_space<vmem>>
    %dma_wait3A_495 = arith.constant 0 : i32
    %dma_wait3A_496 = tpu.memref_slice %arg5[%dma_wait3A_491, %dma_wait3A_495] : memref<26x128xi32, #tpu.memory_space<vmem>> -> memref<1x128xi32, #tpu.memory_space<vmem>>
    %dma_wait3A_497 = tpu.memref_squeeze %dma_wait3A_496 : memref<1x128xi32, #tpu.memory_space<vmem>> -> memref<128xi32, #tpu.memory_space<vmem>>
    %dma_wait3A_498 = arith.constant 0 : i32
    %dma_wait3A_499 = arith.constant 0 : i32
    %dma_wait3A_500 = tpu.memref_slice %arg2[%dma_wait3A_498, %dma_wait3A_499] : memref<1048576x32xf32, #tpu.memory_space<hbm>> -> memref<1048576x32xf32, #tpu.memory_space<hbm>>
    tpu.wait_indirect_dma semaphore(%arg7 : memref<!tpu.dma_semaphore, #tpu.memory_space<semaphore_mem>>) src(%dma_wait3A_500 : memref<1048576x32xf32, #tpu.memory_space<hbm>>) dst(%dma_wait3A_494 : memref<128x32xf32, #tpu.memory_space<vmem>>)
    %dma_wait3A_501 = arith.constant 24 : i32
    %dma_wait3A_502 = arith.constant 3072 : i32
    %dma_wait3A_503 = arith.constant 0 : i32
    %dma_wait3A_504 = tpu.memref_slice %arg6[%dma_wait3A_502, %dma_wait3A_503] : memref<3328x32xf32, #tpu.memory_space<vmem>> -> memref<128x32xf32, #tpu.memory_space<vmem>>
    %dma_wait3A_505 = arith.constant 0 : i32
    %dma_wait3A_506 = tpu.memref_slice %arg5[%dma_wait3A_501, %dma_wait3A_505] : memref<26x128xi32, #tpu.memory_space<vmem>> -> memref<1x128xi32, #tpu.memory_space<vmem>>
    %dma_wait3A_507 = tpu.memref_squeeze %dma_wait3A_506 : memref<1x128xi32, #tpu.memory_space<vmem>> -> memref<128xi32, #tpu.memory_space<vmem>>
    %dma_wait3A_508 = arith.constant 0 : i32
    %dma_wait3A_509 = arith.constant 0 : i32
    %dma_wait3A_510 = tpu.memref_slice %arg2[%dma_wait3A_508, %dma_wait3A_509] : memref<1048576x32xf32, #tpu.memory_space<hbm>> -> memref<1048576x32xf32, #tpu.memory_space<hbm>>
    tpu.wait_indirect_dma semaphore(%arg7 : memref<!tpu.dma_semaphore, #tpu.memory_space<semaphore_mem>>) src(%dma_wait3A_510 : memref<1048576x32xf32, #tpu.memory_space<hbm>>) dst(%dma_wait3A_504 : memref<128x32xf32, #tpu.memory_space<vmem>>)
    %dma_wait3A_511 = arith.constant 25 : i32
    %dma_wait3A_512 = arith.constant 3200 : i32
    %dma_wait3A_513 = arith.constant 0 : i32
    %dma_wait3A_514 = tpu.memref_slice %arg6[%dma_wait3A_512, %dma_wait3A_513] : memref<3328x32xf32, #tpu.memory_space<vmem>> -> memref<128x32xf32, #tpu.memory_space<vmem>>
    %dma_wait3A_515 = arith.constant 0 : i32
    %dma_wait3A_516 = tpu.memref_slice %arg5[%dma_wait3A_511, %dma_wait3A_515] : memref<26x128xi32, #tpu.memory_space<vmem>> -> memref<1x128xi32, #tpu.memory_space<vmem>>
    %dma_wait3A_517 = tpu.memref_squeeze %dma_wait3A_516 : memref<1x128xi32, #tpu.memory_space<vmem>> -> memref<128xi32, #tpu.memory_space<vmem>>
    %dma_wait3A_518 = arith.constant 0 : i32
    %dma_wait3A_519 = arith.constant 0 : i32
    %dma_wait3A_520 = tpu.memref_slice %arg2[%dma_wait3A_518, %dma_wait3A_519] : memref<1048576x32xf32, #tpu.memory_space<hbm>> -> memref<1048576x32xf32, #tpu.memory_space<hbm>>
    tpu.wait_indirect_dma semaphore(%arg7 : memref<!tpu.dma_semaphore, #tpu.memory_space<semaphore_mem>>) src(%dma_wait3A_520 : memref<1048576x32xf32, #tpu.memory_space<hbm>>) dst(%dma_wait3A_514 : memref<128x32xf32, #tpu.memory_space<vmem>>)
    "tpu.region"() ({
      %run_scoped3A = tpu.sem_alloc : memref<!tpu.dma_semaphore, #tpu.memory_space<semaphore_mem>>
      %dma_start3A_521 = arith.constant 0 : i32
      %dma_start3A_522 = tpu.memref_slice %arg4[%mul3A_2, %dma_start3A_521] : memref<106496x32xf32, #tpu.memory_space<hbm>> -> memref<3328x32xf32, #tpu.memory_space<hbm>>
      %dma_start3A_523 = arith.constant 0 : i32
      %dma_start3A_524 = tpu.memref_slice %arg4[%mul3A_2, %dma_start3A_523] : memref<106496x32xf32, #tpu.memory_space<hbm>> -> memref<3328x32xf32, #tpu.memory_space<hbm>>
      tpu.enqueue_dma source(%arg6 : memref<3328x32xf32, #tpu.memory_space<vmem>>) target(%dma_start3A_524 : memref<3328x32xf32, #tpu.memory_space<hbm>>) target_semaphore(%run_scoped3A : memref<!tpu.dma_semaphore, #tpu.memory_space<semaphore_mem>>)
      %dma_wait3A_525 = arith.constant 0 : i32
      %dma_wait3A_526 = tpu.memref_slice %arg4[%mul3A_2, %dma_wait3A_525] : memref<106496x32xf32, #tpu.memory_space<hbm>> -> memref<3328x32xf32, #tpu.memory_space<hbm>>
      %dma_wait3A_527 = arith.constant 0 : i32
      %dma_wait3A_528 = tpu.memref_slice %arg4[%mul3A_2, %dma_wait3A_527] : memref<106496x32xf32, #tpu.memory_space<hbm>> -> memref<3328x32xf32, #tpu.memory_space<hbm>>
      tpu.wait_dma2 semaphore(%run_scoped3A : memref<!tpu.dma_semaphore, #tpu.memory_space<semaphore_mem>>) src(%arg6 : memref<3328x32xf32, #tpu.memory_space<vmem>>) dst(%dma_wait3A_528 : memref<3328x32xf32, #tpu.memory_space<hbm>>)
      tpu.yield
    }) : () -> ()
    return
  }
}

module attributes {stable_mosaic.version = 14 : i64} {
  func.func @_transpose_body(%arg0: i32, %arg1: memref<4x8x65536xf32, #tpu.memory_space<vmem>>, %arg2: memref<16384x128xf32, #tpu.memory_space<vmem>>) attributes {dimension_semantics = [#tpu.dimension_semantics<arbitrary>], iteration_bounds = array<i64: 16>, scalar_prefetch = 0 : i64, scratch_operands = 0 : i64, tpu.core_type = #tpu.core_type<tc>, window_params = [{transform_indices = @transform_0, window_bounds = array<i64: 4, 8, 65536>}, {transform_indices = @transform_1, window_bounds = array<i64: 16384, 128>}]} {
    %get3A = arith.constant 0 : index
    %get3A_0 = arith.constant 0 : index
    %get3A_1 = arith.constant 0 : index
    %get3A_2 = vector.load %arg1[%get3A, %get3A_0, %get3A_1] : memref<4x8x65536xf32, #tpu.memory_space<vmem>>, vector<4x8x65536xf32>
    %reshape3A = vector.shape_cast %get3A_2 : vector<4x8x65536xf32> to vector<32x65536xf32>
    %slice3A = vector.extract_strided_slice %reshape3A {offsets = [0, 0], sizes = [32, 128], strides = [1, 1]} : vector<32x65536xf32> to vector<32x128xf32>
    %slice3A_3 = vector.extract_strided_slice %reshape3A {offsets = [0, 128], sizes = [32, 128], strides = [1, 1]} : vector<32x65536xf32> to vector<32x128xf32>
    %slice3A_4 = vector.extract_strided_slice %reshape3A {offsets = [0, 256], sizes = [32, 128], strides = [1, 1]} : vector<32x65536xf32> to vector<32x128xf32>
    %slice3A_5 = vector.extract_strided_slice %reshape3A {offsets = [0, 384], sizes = [32, 128], strides = [1, 1]} : vector<32x65536xf32> to vector<32x128xf32>
    %concatenate3A = tpu.concatenate %slice3A, %slice3A_3, %slice3A_4, %slice3A_5 in 0 : vector<32x128xf32>, vector<32x128xf32>, vector<32x128xf32>, vector<32x128xf32> -> vector<128x128xf32>
    %transpose3A = tpu.transpose %concatenate3A, [1, 0] : vector<128x128xf32> -> vector<128x128xf32>
    %swap3A = arith.constant 0 : index
    %swap3A_6 = arith.constant 0 : index
    %swap3A_7 = vector.load %arg2[%swap3A, %swap3A_6] : memref<16384x128xf32, #tpu.memory_space<vmem>>, vector<128x128xf32>
    tpu.vector_store %arg2[%swap3A, %swap3A_6], %transpose3A {strides = array<i32>} : memref<16384x128xf32, #tpu.memory_space<vmem>>, vector<128x128xf32>,
    %slice3A_8 = vector.extract_strided_slice %reshape3A {offsets = [0, 512], sizes = [32, 128], strides = [1, 1]} : vector<32x65536xf32> to vector<32x128xf32>
    %slice3A_9 = vector.extract_strided_slice %reshape3A {offsets = [0, 640], sizes = [32, 128], strides = [1, 1]} : vector<32x65536xf32> to vector<32x128xf32>
    %slice3A_10 = vector.extract_strided_slice %reshape3A {offsets = [0, 768], sizes = [32, 128], strides = [1, 1]} : vector<32x65536xf32> to vector<32x128xf32>
    %slice3A_11 = vector.extract_strided_slice %reshape3A {offsets = [0, 896], sizes = [32, 128], strides = [1, 1]} : vector<32x65536xf32> to vector<32x128xf32>
    %concatenate3A_12 = tpu.concatenate %slice3A_8, %slice3A_9, %slice3A_10, %slice3A_11 in 0 : vector<32x128xf32>, vector<32x128xf32>, vector<32x128xf32>, vector<32x128xf32> -> vector<128x128xf32>
    %transpose3A_13 = tpu.transpose %concatenate3A_12, [1, 0] : vector<128x128xf32> -> vector<128x128xf32>
    %swap3A_14 = arith.constant 128 : index
    %swap3A_15 = arith.constant 0 : index
    %swap3A_16 = vector.load %arg2[%swap3A_14, %swap3A_15] : memref<16384x128xf32, #tpu.memory_space<vmem>>, vector<128x128xf32>
    tpu.vector_store %arg2[%swap3A_14, %swap3A_15], %transpose3A_13 {strides = array<i32>} : memref<16384x128xf32, #tpu.memory_space<vmem>>, vector<128x128xf32>,
    %slice3A_17 = vector.extract_strided_slice %reshape3A {offsets = [0, 1024], sizes = [32, 128], strides = [1, 1]} : vector<32x65536xf32> to vector<32x128xf32>
    %slice3A_18 = vector.extract_strided_slice %reshape3A {offsets = [0, 1152], sizes = [32, 128], strides = [1, 1]} : vector<32x65536xf32> to vector<32x128xf32>
    %slice3A_19 = vector.extract_strided_slice %reshape3A {offsets = [0, 1280], sizes = [32, 128], strides = [1, 1]} : vector<32x65536xf32> to vector<32x128xf32>
    %slice3A_20 = vector.extract_strided_slice %reshape3A {offsets = [0, 1408], sizes = [32, 128], strides = [1, 1]} : vector<32x65536xf32> to vector<32x128xf32>
    %concatenate3A_21 = tpu.concatenate %slice3A_17, %slice3A_18, %slice3A_19, %slice3A_20 in 0 : vector<32x128xf32>, vector<32x128xf32>, vector<32x128xf32>, vector<32x128xf32> -> vector<128x128xf32>
    %transpose3A_22 = tpu.transpose %concatenate3A_21, [1, 0] : vector<128x128xf32> -> vector<128x128xf32>
    %swap3A_23 = arith.constant 256 : index
    %swap3A_24 = arith.constant 0 : index
    %swap3A_25 = vector.load %arg2[%swap3A_23, %swap3A_24] : memref<16384x128xf32, #tpu.memory_space<vmem>>, vector<128x128xf32>
    tpu.vector_store %arg2[%swap3A_23, %swap3A_24], %transpose3A_22 {strides = array<i32>} : memref<16384x128xf32, #tpu.memory_space<vmem>>, vector<128x128xf32>,
    %slice3A_26 = vector.extract_strided_slice %reshape3A {offsets = [0, 1536], sizes = [32, 128], strides = [1, 1]} : vector<32x65536xf32> to vector<32x128xf32>
    %slice3A_27 = vector.extract_strided_slice %reshape3A {offsets = [0, 1664], sizes = [32, 128], strides = [1, 1]} : vector<32x65536xf32> to vector<32x128xf32>
    %slice3A_28 = vector.extract_strided_slice %reshape3A {offsets = [0, 1792], sizes = [32, 128], strides = [1, 1]} : vector<32x65536xf32> to vector<32x128xf32>
    %slice3A_29 = vector.extract_strided_slice %reshape3A {offsets = [0, 1920], sizes = [32, 128], strides = [1, 1]} : vector<32x65536xf32> to vector<32x128xf32>
    %concatenate3A_30 = tpu.concatenate %slice3A_26, %slice3A_27, %slice3A_28, %slice3A_29 in 0 : vector<32x128xf32>, vector<32x128xf32>, vector<32x128xf32>, vector<32x128xf32> -> vector<128x128xf32>
    %transpose3A_31 = tpu.transpose %concatenate3A_30, [1, 0] : vector<128x128xf32> -> vector<128x128xf32>
    %swap3A_32 = arith.constant 384 : index
    %swap3A_33 = arith.constant 0 : index
    %swap3A_34 = vector.load %arg2[%swap3A_32, %swap3A_33] : memref<16384x128xf32, #tpu.memory_space<vmem>>, vector<128x128xf32>
    tpu.vector_store %arg2[%swap3A_32, %swap3A_33], %transpose3A_31 {strides = array<i32>} : memref<16384x128xf32, #tpu.memory_space<vmem>>, vector<128x128xf32>,
    %slice3A_35 = vector.extract_strided_slice %reshape3A {offsets = [0, 2048], sizes = [32, 128], strides = [1, 1]} : vector<32x65536xf32> to vector<32x128xf32>
    %slice3A_36 = vector.extract_strided_slice %reshape3A {offsets = [0, 2176], sizes = [32, 128], strides = [1, 1]} : vector<32x65536xf32> to vector<32x128xf32>
    %slice3A_37 = vector.extract_strided_slice %reshape3A {offsets = [0, 2304], sizes = [32, 128], strides = [1, 1]} : vector<32x65536xf32> to vector<32x128xf32>
    %slice3A_38 = vector.extract_strided_slice %reshape3A {offsets = [0, 2432], sizes = [32, 128], strides = [1, 1]} : vector<32x65536xf32> to vector<32x128xf32>
    %concatenate3A_39 = tpu.concatenate %slice3A_35, %slice3A_36, %slice3A_37, %slice3A_38 in 0 : vector<32x128xf32>, vector<32x128xf32>, vector<32x128xf32>, vector<32x128xf32> -> vector<128x128xf32>
    %transpose3A_40 = tpu.transpose %concatenate3A_39, [1, 0] : vector<128x128xf32> -> vector<128x128xf32>
    %swap3A_41 = arith.constant 512 : index
    %swap3A_42 = arith.constant 0 : index
    %swap3A_43 = vector.load %arg2[%swap3A_41, %swap3A_42] : memref<16384x128xf32, #tpu.memory_space<vmem>>, vector<128x128xf32>
    tpu.vector_store %arg2[%swap3A_41, %swap3A_42], %transpose3A_40 {strides = array<i32>} : memref<16384x128xf32, #tpu.memory_space<vmem>>, vector<128x128xf32>,
    %slice3A_44 = vector.extract_strided_slice %reshape3A {offsets = [0, 2560], sizes = [32, 128], strides = [1, 1]} : vector<32x65536xf32> to vector<32x128xf32>
    %slice3A_45 = vector.extract_strided_slice %reshape3A {offsets = [0, 2688], sizes = [32, 128], strides = [1, 1]} : vector<32x65536xf32> to vector<32x128xf32>
    %slice3A_46 = vector.extract_strided_slice %reshape3A {offsets = [0, 2816], sizes = [32, 128], strides = [1, 1]} : vector<32x65536xf32> to vector<32x128xf32>
    %slice3A_47 = vector.extract_strided_slice %reshape3A {offsets = [0, 2944], sizes = [32, 128], strides = [1, 1]} : vector<32x65536xf32> to vector<32x128xf32>
    %concatenate3A_48 = tpu.concatenate %slice3A_44, %slice3A_45, %slice3A_46, %slice3A_47 in 0 : vector<32x128xf32>, vector<32x128xf32>, vector<32x128xf32>, vector<32x128xf32> -> vector<128x128xf32>
    %transpose3A_49 = tpu.transpose %concatenate3A_48, [1, 0] : vector<128x128xf32> -> vector<128x128xf32>
    %swap3A_50 = arith.constant 640 : index
    %swap3A_51 = arith.constant 0 : index
    %swap3A_52 = vector.load %arg2[%swap3A_50, %swap3A_51] : memref<16384x128xf32, #tpu.memory_space<vmem>>, vector<128x128xf32>
    tpu.vector_store %arg2[%swap3A_50, %swap3A_51], %transpose3A_49 {strides = array<i32>} : memref<16384x128xf32, #tpu.memory_space<vmem>>, vector<128x128xf32>,
    %slice3A_53 = vector.extract_strided_slice %reshape3A {offsets = [0, 3072], sizes = [32, 128], strides = [1, 1]} : vector<32x65536xf32> to vector<32x128xf32>
    %slice3A_54 = vector.extract_strided_slice %reshape3A {offsets = [0, 3200], sizes = [32, 128], strides = [1, 1]} : vector<32x65536xf32> to vector<32x128xf32>
    %slice3A_55 = vector.extract_strided_slice %reshape3A {offsets = [0, 3328], sizes = [32, 128], strides = [1, 1]} : vector<32x65536xf32> to vector<32x128xf32>
    %slice3A_56 = vector.extract_strided_slice %reshape3A {offsets = [0, 3456], sizes = [32, 128], strides = [1, 1]} : vector<32x65536xf32> to vector<32x128xf32>
    %concatenate3A_57 = tpu.concatenate %slice3A_53, %slice3A_54, %slice3A_55, %slice3A_56 in 0 : vector<32x128xf32>, vector<32x128xf32>, vector<32x128xf32>, vector<32x128xf32> -> vector<128x128xf32>
    %transpose3A_58 = tpu.transpose %concatenate3A_57, [1, 0] : vector<128x128xf32> -> vector<128x128xf32>
    %swap3A_59 = arith.constant 768 : index
    %swap3A_60 = arith.constant 0 : index
    %swap3A_61 = vector.load %arg2[%swap3A_59, %swap3A_60] : memref<16384x128xf32, #tpu.memory_space<vmem>>, vector<128x128xf32>
    tpu.vector_store %arg2[%swap3A_59, %swap3A_60], %transpose3A_58 {strides = array<i32>} : memref<16384x128xf32, #tpu.memory_space<vmem>>, vector<128x128xf32>,
    %slice3A_62 = vector.extract_strided_slice %reshape3A {offsets = [0, 3584], sizes = [32, 128], strides = [1, 1]} : vector<32x65536xf32> to vector<32x128xf32>
    %slice3A_63 = vector.extract_strided_slice %reshape3A {offsets = [0, 3712], sizes = [32, 128], strides = [1, 1]} : vector<32x65536xf32> to vector<32x128xf32>
    %slice3A_64 = vector.extract_strided_slice %reshape3A {offsets = [0, 3840], sizes = [32, 128], strides = [1, 1]} : vector<32x65536xf32> to vector<32x128xf32>
    %slice3A_65 = vector.extract_strided_slice %reshape3A {offsets = [0, 3968], sizes = [32, 128], strides = [1, 1]} : vector<32x65536xf32> to vector<32x128xf32>
    %concatenate3A_66 = tpu.concatenate %slice3A_62, %slice3A_63, %slice3A_64, %slice3A_65 in 0 : vector<32x128xf32>, vector<32x128xf32>, vector<32x128xf32>, vector<32x128xf32> -> vector<128x128xf32>
    %transpose3A_67 = tpu.transpose %concatenate3A_66, [1, 0] : vector<128x128xf32> -> vector<128x128xf32>
    %swap3A_68 = arith.constant 896 : index
    %swap3A_69 = arith.constant 0 : index
    %swap3A_70 = vector.load %arg2[%swap3A_68, %swap3A_69] : memref<16384x128xf32, #tpu.memory_space<vmem>>, vector<128x128xf32>
    tpu.vector_store %arg2[%swap3A_68, %swap3A_69], %transpose3A_67 {strides = array<i32>} : memref<16384x128xf32, #tpu.memory_space<vmem>>, vector<128x128xf32>,
    %slice3A_71 = vector.extract_strided_slice %reshape3A {offsets = [0, 4096], sizes = [32, 128], strides = [1, 1]} : vector<32x65536xf32> to vector<32x128xf32>
    %slice3A_72 = vector.extract_strided_slice %reshape3A {offsets = [0, 4224], sizes = [32, 128], strides = [1, 1]} : vector<32x65536xf32> to vector<32x128xf32>
    %slice3A_73 = vector.extract_strided_slice %reshape3A {offsets = [0, 4352], sizes = [32, 128], strides = [1, 1]} : vector<32x65536xf32> to vector<32x128xf32>
    %slice3A_74 = vector.extract_strided_slice %reshape3A {offsets = [0, 4480], sizes = [32, 128], strides = [1, 1]} : vector<32x65536xf32> to vector<32x128xf32>
    %concatenate3A_75 = tpu.concatenate %slice3A_71, %slice3A_72, %slice3A_73, %slice3A_74 in 0 : vector<32x128xf32>, vector<32x128xf32>, vector<32x128xf32>, vector<32x128xf32> -> vector<128x128xf32>
    %transpose3A_76 = tpu.transpose %concatenate3A_75, [1, 0] : vector<128x128xf32> -> vector<128x128xf32>
    %swap3A_77 = arith.constant 1024 : index
    %swap3A_78 = arith.constant 0 : index
    %swap3A_79 = vector.load %arg2[%swap3A_77, %swap3A_78] : memref<16384x128xf32, #tpu.memory_space<vmem>>, vector<128x128xf32>
    tpu.vector_store %arg2[%swap3A_77, %swap3A_78], %transpose3A_76 {strides = array<i32>} : memref<16384x128xf32, #tpu.memory_space<vmem>>, vector<128x128xf32>,
    %slice3A_80 = vector.extract_strided_slice %reshape3A {offsets = [0, 4608], sizes = [32, 128], strides = [1, 1]} : vector<32x65536xf32> to vector<32x128xf32>
    %slice3A_81 = vector.extract_strided_slice %reshape3A {offsets = [0, 4736], sizes = [32, 128], strides = [1, 1]} : vector<32x65536xf32> to vector<32x128xf32>
    %slice3A_82 = vector.extract_strided_slice %reshape3A {offsets = [0, 4864], sizes = [32, 128], strides = [1, 1]} : vector<32x65536xf32> to vector<32x128xf32>
    %slice3A_83 = vector.extract_strided_slice %reshape3A {offsets = [0, 4992], sizes = [32, 128], strides = [1, 1]} : vector<32x65536xf32> to vector<32x128xf32>
    %concatenate3A_84 = tpu.concatenate %slice3A_80, %slice3A_81, %slice3A_82, %slice3A_83 in 0 : vector<32x128xf32>, vector<32x128xf32>, vector<32x128xf32>, vector<32x128xf32> -> vector<128x128xf32>
    %transpose3A_85 = tpu.transpose %concatenate3A_84, [1, 0] : vector<128x128xf32> -> vector<128x128xf32>
    %swap3A_86 = arith.constant 1152 : index
    %swap3A_87 = arith.constant 0 : index
    %swap3A_88 = vector.load %arg2[%swap3A_86, %swap3A_87] : memref<16384x128xf32, #tpu.memory_space<vmem>>, vector<128x128xf32>
    tpu.vector_store %arg2[%swap3A_86, %swap3A_87], %transpose3A_85 {strides = array<i32>} : memref<16384x128xf32, #tpu.memory_space<vmem>>, vector<128x128xf32>,
    %slice3A_89 = vector.extract_strided_slice %reshape3A {offsets = [0, 5120], sizes = [32, 128], strides = [1, 1]} : vector<32x65536xf32> to vector<32x128xf32>
    %slice3A_90 = vector.extract_strided_slice %reshape3A {offsets = [0, 5248], sizes = [32, 128], strides = [1, 1]} : vector<32x65536xf32> to vector<32x128xf32>
    %slice3A_91 = vector.extract_strided_slice %reshape3A {offsets = [0, 5376], sizes = [32, 128], strides = [1, 1]} : vector<32x65536xf32> to vector<32x128xf32>
    %slice3A_92 = vector.extract_strided_slice %reshape3A {offsets = [0, 5504], sizes = [32, 128], strides = [1, 1]} : vector<32x65536xf32> to vector<32x128xf32>
    %concatenate3A_93 = tpu.concatenate %slice3A_89, %slice3A_90, %slice3A_91, %slice3A_92 in 0 : vector<32x128xf32>, vector<32x128xf32>, vector<32x128xf32>, vector<32x128xf32> -> vector<128x128xf32>
    %transpose3A_94 = tpu.transpose %concatenate3A_93, [1, 0] : vector<128x128xf32> -> vector<128x128xf32>
    %swap3A_95 = arith.constant 1280 : index
    %swap3A_96 = arith.constant 0 : index
    %swap3A_97 = vector.load %arg2[%swap3A_95, %swap3A_96] : memref<16384x128xf32, #tpu.memory_space<vmem>>, vector<128x128xf32>
    tpu.vector_store %arg2[%swap3A_95, %swap3A_96], %transpose3A_94 {strides = array<i32>} : memref<16384x128xf32, #tpu.memory_space<vmem>>, vector<128x128xf32>,
    %slice3A_98 = vector.extract_strided_slice %reshape3A {offsets = [0, 5632], sizes = [32, 128], strides = [1, 1]} : vector<32x65536xf32> to vector<32x128xf32>
    %slice3A_99 = vector.extract_strided_slice %reshape3A {offsets = [0, 5760], sizes = [32, 128], strides = [1, 1]} : vector<32x65536xf32> to vector<32x128xf32>
    %slice3A_100 = vector.extract_strided_slice %reshape3A {offsets = [0, 5888], sizes = [32, 128], strides = [1, 1]} : vector<32x65536xf32> to vector<32x128xf32>
    %slice3A_101 = vector.extract_strided_slice %reshape3A {offsets = [0, 6016], sizes = [32, 128], strides = [1, 1]} : vector<32x65536xf32> to vector<32x128xf32>
    %concatenate3A_102 = tpu.concatenate %slice3A_98, %slice3A_99, %slice3A_100, %slice3A_101 in 0 : vector<32x128xf32>, vector<32x128xf32>, vector<32x128xf32>, vector<32x128xf32> -> vector<128x128xf32>
    %transpose3A_103 = tpu.transpose %concatenate3A_102, [1, 0] : vector<128x128xf32> -> vector<128x128xf32>
    %swap3A_104 = arith.constant 1408 : index
    %swap3A_105 = arith.constant 0 : index
    %swap3A_106 = vector.load %arg2[%swap3A_104, %swap3A_105] : memref<16384x128xf32, #tpu.memory_space<vmem>>, vector<128x128xf32>
    tpu.vector_store %arg2[%swap3A_104, %swap3A_105], %transpose3A_103 {strides = array<i32>} : memref<16384x128xf32, #tpu.memory_space<vmem>>, vector<128x128xf32>,
    %slice3A_107 = vector.extract_strided_slice %reshape3A {offsets = [0, 6144], sizes = [32, 128], strides = [1, 1]} : vector<32x65536xf32> to vector<32x128xf32>
    %slice3A_108 = vector.extract_strided_slice %reshape3A {offsets = [0, 6272], sizes = [32, 128], strides = [1, 1]} : vector<32x65536xf32> to vector<32x128xf32>
    %slice3A_109 = vector.extract_strided_slice %reshape3A {offsets = [0, 6400], sizes = [32, 128], strides = [1, 1]} : vector<32x65536xf32> to vector<32x128xf32>
    %slice3A_110 = vector.extract_strided_slice %reshape3A {offsets = [0, 6528], sizes = [32, 128], strides = [1, 1]} : vector<32x65536xf32> to vector<32x128xf32>
    %concatenate3A_111 = tpu.concatenate %slice3A_107, %slice3A_108, %slice3A_109, %slice3A_110 in 0 : vector<32x128xf32>, vector<32x128xf32>, vector<32x128xf32>, vector<32x128xf32> -> vector<128x128xf32>
    %transpose3A_112 = tpu.transpose %concatenate3A_111, [1, 0] : vector<128x128xf32> -> vector<128x128xf32>
    %swap3A_113 = arith.constant 1536 : index
    %swap3A_114 = arith.constant 0 : index
    %swap3A_115 = vector.load %arg2[%swap3A_113, %swap3A_114] : memref<16384x128xf32, #tpu.memory_space<vmem>>, vector<128x128xf32>
    tpu.vector_store %arg2[%swap3A_113, %swap3A_114], %transpose3A_112 {strides = array<i32>} : memref<16384x128xf32, #tpu.memory_space<vmem>>, vector<128x128xf32>,
    %slice3A_116 = vector.extract_strided_slice %reshape3A {offsets = [0, 6656], sizes = [32, 128], strides = [1, 1]} : vector<32x65536xf32> to vector<32x128xf32>
    %slice3A_117 = vector.extract_strided_slice %reshape3A {offsets = [0, 6784], sizes = [32, 128], strides = [1, 1]} : vector<32x65536xf32> to vector<32x128xf32>
    %slice3A_118 = vector.extract_strided_slice %reshape3A {offsets = [0, 6912], sizes = [32, 128], strides = [1, 1]} : vector<32x65536xf32> to vector<32x128xf32>
    %slice3A_119 = vector.extract_strided_slice %reshape3A {offsets = [0, 7040], sizes = [32, 128], strides = [1, 1]} : vector<32x65536xf32> to vector<32x128xf32>
    %concatenate3A_120 = tpu.concatenate %slice3A_116, %slice3A_117, %slice3A_118, %slice3A_119 in 0 : vector<32x128xf32>, vector<32x128xf32>, vector<32x128xf32>, vector<32x128xf32> -> vector<128x128xf32>
    %transpose3A_121 = tpu.transpose %concatenate3A_120, [1, 0] : vector<128x128xf32> -> vector<128x128xf32>
    %swap3A_122 = arith.constant 1664 : index
    %swap3A_123 = arith.constant 0 : index
    %swap3A_124 = vector.load %arg2[%swap3A_122, %swap3A_123] : memref<16384x128xf32, #tpu.memory_space<vmem>>, vector<128x128xf32>
    tpu.vector_store %arg2[%swap3A_122, %swap3A_123], %transpose3A_121 {strides = array<i32>} : memref<16384x128xf32, #tpu.memory_space<vmem>>, vector<128x128xf32>,
    %slice3A_125 = vector.extract_strided_slice %reshape3A {offsets = [0, 7168], sizes = [32, 128], strides = [1, 1]} : vector<32x65536xf32> to vector<32x128xf32>
    %slice3A_126 = vector.extract_strided_slice %reshape3A {offsets = [0, 7296], sizes = [32, 128], strides = [1, 1]} : vector<32x65536xf32> to vector<32x128xf32>
    %slice3A_127 = vector.extract_strided_slice %reshape3A {offsets = [0, 7424], sizes = [32, 128], strides = [1, 1]} : vector<32x65536xf32> to vector<32x128xf32>
    %slice3A_128 = vector.extract_strided_slice %reshape3A {offsets = [0, 7552], sizes = [32, 128], strides = [1, 1]} : vector<32x65536xf32> to vector<32x128xf32>
    %concatenate3A_129 = tpu.concatenate %slice3A_125, %slice3A_126, %slice3A_127, %slice3A_128 in 0 : vector<32x128xf32>, vector<32x128xf32>, vector<32x128xf32>, vector<32x128xf32> -> vector<128x128xf32>
    %transpose3A_130 = tpu.transpose %concatenate3A_129, [1, 0] : vector<128x128xf32> -> vector<128x128xf32>
    %swap3A_131 = arith.constant 1792 : index
    %swap3A_132 = arith.constant 0 : index
    %swap3A_133 = vector.load %arg2[%swap3A_131, %swap3A_132] : memref<16384x128xf32, #tpu.memory_space<vmem>>, vector<128x128xf32>
    tpu.vector_store %arg2[%swap3A_131, %swap3A_132], %transpose3A_130 {strides = array<i32>} : memref<16384x128xf32, #tpu.memory_space<vmem>>, vector<128x128xf32>,
    %slice3A_134 = vector.extract_strided_slice %reshape3A {offsets = [0, 7680], sizes = [32, 128], strides = [1, 1]} : vector<32x65536xf32> to vector<32x128xf32>
    %slice3A_135 = vector.extract_strided_slice %reshape3A {offsets = [0, 7808], sizes = [32, 128], strides = [1, 1]} : vector<32x65536xf32> to vector<32x128xf32>
    %slice3A_136 = vector.extract_strided_slice %reshape3A {offsets = [0, 7936], sizes = [32, 128], strides = [1, 1]} : vector<32x65536xf32> to vector<32x128xf32>
    %slice3A_137 = vector.extract_strided_slice %reshape3A {offsets = [0, 8064], sizes = [32, 128], strides = [1, 1]} : vector<32x65536xf32> to vector<32x128xf32>
    %concatenate3A_138 = tpu.concatenate %slice3A_134, %slice3A_135, %slice3A_136, %slice3A_137 in 0 : vector<32x128xf32>, vector<32x128xf32>, vector<32x128xf32>, vector<32x128xf32> -> vector<128x128xf32>
    %transpose3A_139 = tpu.transpose %concatenate3A_138, [1, 0] : vector<128x128xf32> -> vector<128x128xf32>
    %swap3A_140 = arith.constant 1920 : index
    %swap3A_141 = arith.constant 0 : index
    %swap3A_142 = vector.load %arg2[%swap3A_140, %swap3A_141] : memref<16384x128xf32, #tpu.memory_space<vmem>>, vector<128x128xf32>
    tpu.vector_store %arg2[%swap3A_140, %swap3A_141], %transpose3A_139 {strides = array<i32>} : memref<16384x128xf32, #tpu.memory_space<vmem>>, vector<128x128xf32>,
    %slice3A_143 = vector.extract_strided_slice %reshape3A {offsets = [0, 8192], sizes = [32, 128], strides = [1, 1]} : vector<32x65536xf32> to vector<32x128xf32>
    %slice3A_144 = vector.extract_strided_slice %reshape3A {offsets = [0, 8320], sizes = [32, 128], strides = [1, 1]} : vector<32x65536xf32> to vector<32x128xf32>
    %slice3A_145 = vector.extract_strided_slice %reshape3A {offsets = [0, 8448], sizes = [32, 128], strides = [1, 1]} : vector<32x65536xf32> to vector<32x128xf32>
    %slice3A_146 = vector.extract_strided_slice %reshape3A {offsets = [0, 8576], sizes = [32, 128], strides = [1, 1]} : vector<32x65536xf32> to vector<32x128xf32>
    %concatenate3A_147 = tpu.concatenate %slice3A_143, %slice3A_144, %slice3A_145, %slice3A_146 in 0 : vector<32x128xf32>, vector<32x128xf32>, vector<32x128xf32>, vector<32x128xf32> -> vector<128x128xf32>
    %transpose3A_148 = tpu.transpose %concatenate3A_147, [1, 0] : vector<128x128xf32> -> vector<128x128xf32>
    %swap3A_149 = arith.constant 2048 : index
    %swap3A_150 = arith.constant 0 : index
    %swap3A_151 = vector.load %arg2[%swap3A_149, %swap3A_150] : memref<16384x128xf32, #tpu.memory_space<vmem>>, vector<128x128xf32>
    tpu.vector_store %arg2[%swap3A_149, %swap3A_150], %transpose3A_148 {strides = array<i32>} : memref<16384x128xf32, #tpu.memory_space<vmem>>, vector<128x128xf32>,
    %slice3A_152 = vector.extract_strided_slice %reshape3A {offsets = [0, 8704], sizes = [32, 128], strides = [1, 1]} : vector<32x65536xf32> to vector<32x128xf32>
    %slice3A_153 = vector.extract_strided_slice %reshape3A {offsets = [0, 8832], sizes = [32, 128], strides = [1, 1]} : vector<32x65536xf32> to vector<32x128xf32>
    %slice3A_154 = vector.extract_strided_slice %reshape3A {offsets = [0, 8960], sizes = [32, 128], strides = [1, 1]} : vector<32x65536xf32> to vector<32x128xf32>
    %slice3A_155 = vector.extract_strided_slice %reshape3A {offsets = [0, 9088], sizes = [32, 128], strides = [1, 1]} : vector<32x65536xf32> to vector<32x128xf32>
    %concatenate3A_156 = tpu.concatenate %slice3A_152, %slice3A_153, %slice3A_154, %slice3A_155 in 0 : vector<32x128xf32>, vector<32x128xf32>, vector<32x128xf32>, vector<32x128xf32> -> vector<128x128xf32>
    %transpose3A_157 = tpu.transpose %concatenate3A_156, [1, 0] : vector<128x128xf32> -> vector<128x128xf32>
    %swap3A_158 = arith.constant 2176 : index
    %swap3A_159 = arith.constant 0 : index
    %swap3A_160 = vector.load %arg2[%swap3A_158, %swap3A_159] : memref<16384x128xf32, #tpu.memory_space<vmem>>, vector<128x128xf32>
    tpu.vector_store %arg2[%swap3A_158, %swap3A_159], %transpose3A_157 {strides = array<i32>} : memref<16384x128xf32, #tpu.memory_space<vmem>>, vector<128x128xf32>,
    %slice3A_161 = vector.extract_strided_slice %reshape3A {offsets = [0, 9216], sizes = [32, 128], strides = [1, 1]} : vector<32x65536xf32> to vector<32x128xf32>
    %slice3A_162 = vector.extract_strided_slice %reshape3A {offsets = [0, 9344], sizes = [32, 128], strides = [1, 1]} : vector<32x65536xf32> to vector<32x128xf32>
    %slice3A_163 = vector.extract_strided_slice %reshape3A {offsets = [0, 9472], sizes = [32, 128], strides = [1, 1]} : vector<32x65536xf32> to vector<32x128xf32>
    %slice3A_164 = vector.extract_strided_slice %reshape3A {offsets = [0, 9600], sizes = [32, 128], strides = [1, 1]} : vector<32x65536xf32> to vector<32x128xf32>
    %concatenate3A_165 = tpu.concatenate %slice3A_161, %slice3A_162, %slice3A_163, %slice3A_164 in 0 : vector<32x128xf32>, vector<32x128xf32>, vector<32x128xf32>, vector<32x128xf32> -> vector<128x128xf32>
    %transpose3A_166 = tpu.transpose %concatenate3A_165, [1, 0] : vector<128x128xf32> -> vector<128x128xf32>
    %swap3A_167 = arith.constant 2304 : index
    %swap3A_168 = arith.constant 0 : index
    %swap3A_169 = vector.load %arg2[%swap3A_167, %swap3A_168] : memref<16384x128xf32, #tpu.memory_space<vmem>>, vector<128x128xf32>
    tpu.vector_store %arg2[%swap3A_167, %swap3A_168], %transpose3A_166 {strides = array<i32>} : memref<16384x128xf32, #tpu.memory_space<vmem>>, vector<128x128xf32>,
    %slice3A_170 = vector.extract_strided_slice %reshape3A {offsets = [0, 9728], sizes = [32, 128], strides = [1, 1]} : vector<32x65536xf32> to vector<32x128xf32>
    %slice3A_171 = vector.extract_strided_slice %reshape3A {offsets = [0, 9856], sizes = [32, 128], strides = [1, 1]} : vector<32x65536xf32> to vector<32x128xf32>
    %slice3A_172 = vector.extract_strided_slice %reshape3A {offsets = [0, 9984], sizes = [32, 128], strides = [1, 1]} : vector<32x65536xf32> to vector<32x128xf32>
    %slice3A_173 = vector.extract_strided_slice %reshape3A {offsets = [0, 10112], sizes = [32, 128], strides = [1, 1]} : vector<32x65536xf32> to vector<32x128xf32>
    %concatenate3A_174 = tpu.concatenate %slice3A_170, %slice3A_171, %slice3A_172, %slice3A_173 in 0 : vector<32x128xf32>, vector<32x128xf32>, vector<32x128xf32>, vector<32x128xf32> -> vector<128x128xf32>
    %transpose3A_175 = tpu.transpose %concatenate3A_174, [1, 0] : vector<128x128xf32> -> vector<128x128xf32>
    %swap3A_176 = arith.constant 2432 : index
    %swap3A_177 = arith.constant 0 : index
    %swap3A_178 = vector.load %arg2[%swap3A_176, %swap3A_177] : memref<16384x128xf32, #tpu.memory_space<vmem>>, vector<128x128xf32>
    tpu.vector_store %arg2[%swap3A_176, %swap3A_177], %transpose3A_175 {strides = array<i32>} : memref<16384x128xf32, #tpu.memory_space<vmem>>, vector<128x128xf32>,
    %slice3A_179 = vector.extract_strided_slice %reshape3A {offsets = [0, 10240], sizes = [32, 128], strides = [1, 1]} : vector<32x65536xf32> to vector<32x128xf32>
    %slice3A_180 = vector.extract_strided_slice %reshape3A {offsets = [0, 10368], sizes = [32, 128], strides = [1, 1]} : vector<32x65536xf32> to vector<32x128xf32>
    %slice3A_181 = vector.extract_strided_slice %reshape3A {offsets = [0, 10496], sizes = [32, 128], strides = [1, 1]} : vector<32x65536xf32> to vector<32x128xf32>
    %slice3A_182 = vector.extract_strided_slice %reshape3A {offsets = [0, 10624], sizes = [32, 128], strides = [1, 1]} : vector<32x65536xf32> to vector<32x128xf32>
    %concatenate3A_183 = tpu.concatenate %slice3A_179, %slice3A_180, %slice3A_181, %slice3A_182 in 0 : vector<32x128xf32>, vector<32x128xf32>, vector<32x128xf32>, vector<32x128xf32> -> vector<128x128xf32>
    %transpose3A_184 = tpu.transpose %concatenate3A_183, [1, 0] : vector<128x128xf32> -> vector<128x128xf32>
    %swap3A_185 = arith.constant 2560 : index
    %swap3A_186 = arith.constant 0 : index
    %swap3A_187 = vector.load %arg2[%swap3A_185, %swap3A_186] : memref<16384x128xf32, #tpu.memory_space<vmem>>, vector<128x128xf32>
    tpu.vector_store %arg2[%swap3A_185, %swap3A_186], %transpose3A_184 {strides = array<i32>} : memref<16384x128xf32, #tpu.memory_space<vmem>>, vector<128x128xf32>,
    %slice3A_188 = vector.extract_strided_slice %reshape3A {offsets = [0, 10752], sizes = [32, 128], strides = [1, 1]} : vector<32x65536xf32> to vector<32x128xf32>
    %slice3A_189 = vector.extract_strided_slice %reshape3A {offsets = [0, 10880], sizes = [32, 128], strides = [1, 1]} : vector<32x65536xf32> to vector<32x128xf32>
    %slice3A_190 = vector.extract_strided_slice %reshape3A {offsets = [0, 11008], sizes = [32, 128], strides = [1, 1]} : vector<32x65536xf32> to vector<32x128xf32>
    %slice3A_191 = vector.extract_strided_slice %reshape3A {offsets = [0, 11136], sizes = [32, 128], strides = [1, 1]} : vector<32x65536xf32> to vector<32x128xf32>
    %concatenate3A_192 = tpu.concatenate %slice3A_188, %slice3A_189, %slice3A_190, %slice3A_191 in 0 : vector<32x128xf32>, vector<32x128xf32>, vector<32x128xf32>, vector<32x128xf32> -> vector<128x128xf32>
    %transpose3A_193 = tpu.transpose %concatenate3A_192, [1, 0] : vector<128x128xf32> -> vector<128x128xf32>
    %swap3A_194 = arith.constant 2688 : index
    %swap3A_195 = arith.constant 0 : index
    %swap3A_196 = vector.load %arg2[%swap3A_194, %swap3A_195] : memref<16384x128xf32, #tpu.memory_space<vmem>>, vector<128x128xf32>
    tpu.vector_store %arg2[%swap3A_194, %swap3A_195], %transpose3A_193 {strides = array<i32>} : memref<16384x128xf32, #tpu.memory_space<vmem>>, vector<128x128xf32>,
    %slice3A_197 = vector.extract_strided_slice %reshape3A {offsets = [0, 11264], sizes = [32, 128], strides = [1, 1]} : vector<32x65536xf32> to vector<32x128xf32>
    %slice3A_198 = vector.extract_strided_slice %reshape3A {offsets = [0, 11392], sizes = [32, 128], strides = [1, 1]} : vector<32x65536xf32> to vector<32x128xf32>
    %slice3A_199 = vector.extract_strided_slice %reshape3A {offsets = [0, 11520], sizes = [32, 128], strides = [1, 1]} : vector<32x65536xf32> to vector<32x128xf32>
    %slice3A_200 = vector.extract_strided_slice %reshape3A {offsets = [0, 11648], sizes = [32, 128], strides = [1, 1]} : vector<32x65536xf32> to vector<32x128xf32>
    %concatenate3A_201 = tpu.concatenate %slice3A_197, %slice3A_198, %slice3A_199, %slice3A_200 in 0 : vector<32x128xf32>, vector<32x128xf32>, vector<32x128xf32>, vector<32x128xf32> -> vector<128x128xf32>
    %transpose3A_202 = tpu.transpose %concatenate3A_201, [1, 0] : vector<128x128xf32> -> vector<128x128xf32>
    %swap3A_203 = arith.constant 2816 : index
    %swap3A_204 = arith.constant 0 : index
    %swap3A_205 = vector.load %arg2[%swap3A_203, %swap3A_204] : memref<16384x128xf32, #tpu.memory_space<vmem>>, vector<128x128xf32>
    tpu.vector_store %arg2[%swap3A_203, %swap3A_204], %transpose3A_202 {strides = array<i32>} : memref<16384x128xf32, #tpu.memory_space<vmem>>, vector<128x128xf32>,
    %slice3A_206 = vector.extract_strided_slice %reshape3A {offsets = [0, 11776], sizes = [32, 128], strides = [1, 1]} : vector<32x65536xf32> to vector<32x128xf32>
    %slice3A_207 = vector.extract_strided_slice %reshape3A {offsets = [0, 11904], sizes = [32, 128], strides = [1, 1]} : vector<32x65536xf32> to vector<32x128xf32>
    %slice3A_208 = vector.extract_strided_slice %reshape3A {offsets = [0, 12032], sizes = [32, 128], strides = [1, 1]} : vector<32x65536xf32> to vector<32x128xf32>
    %slice3A_209 = vector.extract_strided_slice %reshape3A {offsets = [0, 12160], sizes = [32, 128], strides = [1, 1]} : vector<32x65536xf32> to vector<32x128xf32>
    %concatenate3A_210 = tpu.concatenate %slice3A_206, %slice3A_207, %slice3A_208, %slice3A_209 in 0 : vector<32x128xf32>, vector<32x128xf32>, vector<32x128xf32>, vector<32x128xf32> -> vector<128x128xf32>
    %transpose3A_211 = tpu.transpose %concatenate3A_210, [1, 0] : vector<128x128xf32> -> vector<128x128xf32>
    %swap3A_212 = arith.constant 2944 : index
    %swap3A_213 = arith.constant 0 : index
    %swap3A_214 = vector.load %arg2[%swap3A_212, %swap3A_213] : memref<16384x128xf32, #tpu.memory_space<vmem>>, vector<128x128xf32>
    tpu.vector_store %arg2[%swap3A_212, %swap3A_213], %transpose3A_211 {strides = array<i32>} : memref<16384x128xf32, #tpu.memory_space<vmem>>, vector<128x128xf32>,
    %slice3A_215 = vector.extract_strided_slice %reshape3A {offsets = [0, 12288], sizes = [32, 128], strides = [1, 1]} : vector<32x65536xf32> to vector<32x128xf32>
    %slice3A_216 = vector.extract_strided_slice %reshape3A {offsets = [0, 12416], sizes = [32, 128], strides = [1, 1]} : vector<32x65536xf32> to vector<32x128xf32>
    %slice3A_217 = vector.extract_strided_slice %reshape3A {offsets = [0, 12544], sizes = [32, 128], strides = [1, 1]} : vector<32x65536xf32> to vector<32x128xf32>
    %slice3A_218 = vector.extract_strided_slice %reshape3A {offsets = [0, 12672], sizes = [32, 128], strides = [1, 1]} : vector<32x65536xf32> to vector<32x128xf32>
    %concatenate3A_219 = tpu.concatenate %slice3A_215, %slice3A_216, %slice3A_217, %slice3A_218 in 0 : vector<32x128xf32>, vector<32x128xf32>, vector<32x128xf32>, vector<32x128xf32> -> vector<128x128xf32>
    %transpose3A_220 = tpu.transpose %concatenate3A_219, [1, 0] : vector<128x128xf32> -> vector<128x128xf32>
    %swap3A_221 = arith.constant 3072 : index
    %swap3A_222 = arith.constant 0 : index
    %swap3A_223 = vector.load %arg2[%swap3A_221, %swap3A_222] : memref<16384x128xf32, #tpu.memory_space<vmem>>, vector<128x128xf32>
    tpu.vector_store %arg2[%swap3A_221, %swap3A_222], %transpose3A_220 {strides = array<i32>} : memref<16384x128xf32, #tpu.memory_space<vmem>>, vector<128x128xf32>,
    %slice3A_224 = vector.extract_strided_slice %reshape3A {offsets = [0, 12800], sizes = [32, 128], strides = [1, 1]} : vector<32x65536xf32> to vector<32x128xf32>
    %slice3A_225 = vector.extract_strided_slice %reshape3A {offsets = [0, 12928], sizes = [32, 128], strides = [1, 1]} : vector<32x65536xf32> to vector<32x128xf32>
    %slice3A_226 = vector.extract_strided_slice %reshape3A {offsets = [0, 13056], sizes = [32, 128], strides = [1, 1]} : vector<32x65536xf32> to vector<32x128xf32>
    %slice3A_227 = vector.extract_strided_slice %reshape3A {offsets = [0, 13184], sizes = [32, 128], strides = [1, 1]} : vector<32x65536xf32> to vector<32x128xf32>
    %concatenate3A_228 = tpu.concatenate %slice3A_224, %slice3A_225, %slice3A_226, %slice3A_227 in 0 : vector<32x128xf32>, vector<32x128xf32>, vector<32x128xf32>, vector<32x128xf32> -> vector<128x128xf32>
    %transpose3A_229 = tpu.transpose %concatenate3A_228, [1, 0] : vector<128x128xf32> -> vector<128x128xf32>
    %swap3A_230 = arith.constant 3200 : index
    %swap3A_231 = arith.constant 0 : index
    %swap3A_232 = vector.load %arg2[%swap3A_230, %swap3A_231] : memref<16384x128xf32, #tpu.memory_space<vmem>>, vector<128x128xf32>
    tpu.vector_store %arg2[%swap3A_230, %swap3A_231], %transpose3A_229 {strides = array<i32>} : memref<16384x128xf32, #tpu.memory_space<vmem>>, vector<128x128xf32>,
    %slice3A_233 = vector.extract_strided_slice %reshape3A {offsets = [0, 13312], sizes = [32, 128], strides = [1, 1]} : vector<32x65536xf32> to vector<32x128xf32>
    %slice3A_234 = vector.extract_strided_slice %reshape3A {offsets = [0, 13440], sizes = [32, 128], strides = [1, 1]} : vector<32x65536xf32> to vector<32x128xf32>
    %slice3A_235 = vector.extract_strided_slice %reshape3A {offsets = [0, 13568], sizes = [32, 128], strides = [1, 1]} : vector<32x65536xf32> to vector<32x128xf32>
    %slice3A_236 = vector.extract_strided_slice %reshape3A {offsets = [0, 13696], sizes = [32, 128], strides = [1, 1]} : vector<32x65536xf32> to vector<32x128xf32>
    %concatenate3A_237 = tpu.concatenate %slice3A_233, %slice3A_234, %slice3A_235, %slice3A_236 in 0 : vector<32x128xf32>, vector<32x128xf32>, vector<32x128xf32>, vector<32x128xf32> -> vector<128x128xf32>
    %transpose3A_238 = tpu.transpose %concatenate3A_237, [1, 0] : vector<128x128xf32> -> vector<128x128xf32>
    %swap3A_239 = arith.constant 3328 : index
    %swap3A_240 = arith.constant 0 : index
    %swap3A_241 = vector.load %arg2[%swap3A_239, %swap3A_240] : memref<16384x128xf32, #tpu.memory_space<vmem>>, vector<128x128xf32>
    tpu.vector_store %arg2[%swap3A_239, %swap3A_240], %transpose3A_238 {strides = array<i32>} : memref<16384x128xf32, #tpu.memory_space<vmem>>, vector<128x128xf32>,
    %slice3A_242 = vector.extract_strided_slice %reshape3A {offsets = [0, 13824], sizes = [32, 128], strides = [1, 1]} : vector<32x65536xf32> to vector<32x128xf32>
    %slice3A_243 = vector.extract_strided_slice %reshape3A {offsets = [0, 13952], sizes = [32, 128], strides = [1, 1]} : vector<32x65536xf32> to vector<32x128xf32>
    %slice3A_244 = vector.extract_strided_slice %reshape3A {offsets = [0, 14080], sizes = [32, 128], strides = [1, 1]} : vector<32x65536xf32> to vector<32x128xf32>
    %slice3A_245 = vector.extract_strided_slice %reshape3A {offsets = [0, 14208], sizes = [32, 128], strides = [1, 1]} : vector<32x65536xf32> to vector<32x128xf32>
    %concatenate3A_246 = tpu.concatenate %slice3A_242, %slice3A_243, %slice3A_244, %slice3A_245 in 0 : vector<32x128xf32>, vector<32x128xf32>, vector<32x128xf32>, vector<32x128xf32> -> vector<128x128xf32>
    %transpose3A_247 = tpu.transpose %concatenate3A_246, [1, 0] : vector<128x128xf32> -> vector<128x128xf32>
    %swap3A_248 = arith.constant 3456 : index
    %swap3A_249 = arith.constant 0 : index
    %swap3A_250 = vector.load %arg2[%swap3A_248, %swap3A_249] : memref<16384x128xf32, #tpu.memory_space<vmem>>, vector<128x128xf32>
    tpu.vector_store %arg2[%swap3A_248, %swap3A_249], %transpose3A_247 {strides = array<i32>} : memref<16384x128xf32, #tpu.memory_space<vmem>>, vector<128x128xf32>,
    %slice3A_251 = vector.extract_strided_slice %reshape3A {offsets = [0, 14336], sizes = [32, 128], strides = [1, 1]} : vector<32x65536xf32> to vector<32x128xf32>
    %slice3A_252 = vector.extract_strided_slice %reshape3A {offsets = [0, 14464], sizes = [32, 128], strides = [1, 1]} : vector<32x65536xf32> to vector<32x128xf32>
    %slice3A_253 = vector.extract_strided_slice %reshape3A {offsets = [0, 14592], sizes = [32, 128], strides = [1, 1]} : vector<32x65536xf32> to vector<32x128xf32>
    %slice3A_254 = vector.extract_strided_slice %reshape3A {offsets = [0, 14720], sizes = [32, 128], strides = [1, 1]} : vector<32x65536xf32> to vector<32x128xf32>
    %concatenate3A_255 = tpu.concatenate %slice3A_251, %slice3A_252, %slice3A_253, %slice3A_254 in 0 : vector<32x128xf32>, vector<32x128xf32>, vector<32x128xf32>, vector<32x128xf32> -> vector<128x128xf32>
    %transpose3A_256 = tpu.transpose %concatenate3A_255, [1, 0] : vector<128x128xf32> -> vector<128x128xf32>
    %swap3A_257 = arith.constant 3584 : index
    %swap3A_258 = arith.constant 0 : index
    %swap3A_259 = vector.load %arg2[%swap3A_257, %swap3A_258] : memref<16384x128xf32, #tpu.memory_space<vmem>>, vector<128x128xf32>
    tpu.vector_store %arg2[%swap3A_257, %swap3A_258], %transpose3A_256 {strides = array<i32>} : memref<16384x128xf32, #tpu.memory_space<vmem>>, vector<128x128xf32>,
    %slice3A_260 = vector.extract_strided_slice %reshape3A {offsets = [0, 14848], sizes = [32, 128], strides = [1, 1]} : vector<32x65536xf32> to vector<32x128xf32>
    %slice3A_261 = vector.extract_strided_slice %reshape3A {offsets = [0, 14976], sizes = [32, 128], strides = [1, 1]} : vector<32x65536xf32> to vector<32x128xf32>
    %slice3A_262 = vector.extract_strided_slice %reshape3A {offsets = [0, 15104], sizes = [32, 128], strides = [1, 1]} : vector<32x65536xf32> to vector<32x128xf32>
    %slice3A_263 = vector.extract_strided_slice %reshape3A {offsets = [0, 15232], sizes = [32, 128], strides = [1, 1]} : vector<32x65536xf32> to vector<32x128xf32>
    %concatenate3A_264 = tpu.concatenate %slice3A_260, %slice3A_261, %slice3A_262, %slice3A_263 in 0 : vector<32x128xf32>, vector<32x128xf32>, vector<32x128xf32>, vector<32x128xf32> -> vector<128x128xf32>
    %transpose3A_265 = tpu.transpose %concatenate3A_264, [1, 0] : vector<128x128xf32> -> vector<128x128xf32>
    %swap3A_266 = arith.constant 3712 : index
    %swap3A_267 = arith.constant 0 : index
    %swap3A_268 = vector.load %arg2[%swap3A_266, %swap3A_267] : memref<16384x128xf32, #tpu.memory_space<vmem>>, vector<128x128xf32>
    tpu.vector_store %arg2[%swap3A_266, %swap3A_267], %transpose3A_265 {strides = array<i32>} : memref<16384x128xf32, #tpu.memory_space<vmem>>, vector<128x128xf32>,
    %slice3A_269 = vector.extract_strided_slice %reshape3A {offsets = [0, 15360], sizes = [32, 128], strides = [1, 1]} : vector<32x65536xf32> to vector<32x128xf32>
    %slice3A_270 = vector.extract_strided_slice %reshape3A {offsets = [0, 15488], sizes = [32, 128], strides = [1, 1]} : vector<32x65536xf32> to vector<32x128xf32>
    %slice3A_271 = vector.extract_strided_slice %reshape3A {offsets = [0, 15616], sizes = [32, 128], strides = [1, 1]} : vector<32x65536xf32> to vector<32x128xf32>
    %slice3A_272 = vector.extract_strided_slice %reshape3A {offsets = [0, 15744], sizes = [32, 128], strides = [1, 1]} : vector<32x65536xf32> to vector<32x128xf32>
    %concatenate3A_273 = tpu.concatenate %slice3A_269, %slice3A_270, %slice3A_271, %slice3A_272 in 0 : vector<32x128xf32>, vector<32x128xf32>, vector<32x128xf32>, vector<32x128xf32> -> vector<128x128xf32>
    %transpose3A_274 = tpu.transpose %concatenate3A_273, [1, 0] : vector<128x128xf32> -> vector<128x128xf32>
    %swap3A_275 = arith.constant 3840 : index
    %swap3A_276 = arith.constant 0 : index
    %swap3A_277 = vector.load %arg2[%swap3A_275, %swap3A_276] : memref<16384x128xf32, #tpu.memory_space<vmem>>, vector<128x128xf32>
    tpu.vector_store %arg2[%swap3A_275, %swap3A_276], %transpose3A_274 {strides = array<i32>} : memref<16384x128xf32, #tpu.memory_space<vmem>>, vector<128x128xf32>,
    %slice3A_278 = vector.extract_strided_slice %reshape3A {offsets = [0, 15872], sizes = [32, 128], strides = [1, 1]} : vector<32x65536xf32> to vector<32x128xf32>
    %slice3A_279 = vector.extract_strided_slice %reshape3A {offsets = [0, 16000], sizes = [32, 128], strides = [1, 1]} : vector<32x65536xf32> to vector<32x128xf32>
    %slice3A_280 = vector.extract_strided_slice %reshape3A {offsets = [0, 16128], sizes = [32, 128], strides = [1, 1]} : vector<32x65536xf32> to vector<32x128xf32>
    %slice3A_281 = vector.extract_strided_slice %reshape3A {offsets = [0, 16256], sizes = [32, 128], strides = [1, 1]} : vector<32x65536xf32> to vector<32x128xf32>
    %concatenate3A_282 = tpu.concatenate %slice3A_278, %slice3A_279, %slice3A_280, %slice3A_281 in 0 : vector<32x128xf32>, vector<32x128xf32>, vector<32x128xf32>, vector<32x128xf32> -> vector<128x128xf32>
    %transpose3A_283 = tpu.transpose %concatenate3A_282, [1, 0] : vector<128x128xf32> -> vector<128x128xf32>
    %swap3A_284 = arith.constant 3968 : index
    %swap3A_285 = arith.constant 0 : index
    %swap3A_286 = vector.load %arg2[%swap3A_284, %swap3A_285] : memref<16384x128xf32, #tpu.memory_space<vmem>>, vector<128x128xf32>
    tpu.vector_store %arg2[%swap3A_284, %swap3A_285], %transpose3A_283 {strides = array<i32>} : memref<16384x128xf32, #tpu.memory_space<vmem>>, vector<128x128xf32>,
    %slice3A_287 = vector.extract_strided_slice %reshape3A {offsets = [0, 16384], sizes = [32, 128], strides = [1, 1]} : vector<32x65536xf32> to vector<32x128xf32>
    %slice3A_288 = vector.extract_strided_slice %reshape3A {offsets = [0, 16512], sizes = [32, 128], strides = [1, 1]} : vector<32x65536xf32> to vector<32x128xf32>
    %slice3A_289 = vector.extract_strided_slice %reshape3A {offsets = [0, 16640], sizes = [32, 128], strides = [1, 1]} : vector<32x65536xf32> to vector<32x128xf32>
    %slice3A_290 = vector.extract_strided_slice %reshape3A {offsets = [0, 16768], sizes = [32, 128], strides = [1, 1]} : vector<32x65536xf32> to vector<32x128xf32>
    %concatenate3A_291 = tpu.concatenate %slice3A_287, %slice3A_288, %slice3A_289, %slice3A_290 in 0 : vector<32x128xf32>, vector<32x128xf32>, vector<32x128xf32>, vector<32x128xf32> -> vector<128x128xf32>
    %transpose3A_292 = tpu.transpose %concatenate3A_291, [1, 0] : vector<128x128xf32> -> vector<128x128xf32>
    %swap3A_293 = arith.constant 4096 : index
    %swap3A_294 = arith.constant 0 : index
    %swap3A_295 = vector.load %arg2[%swap3A_293, %swap3A_294] : memref<16384x128xf32, #tpu.memory_space<vmem>>, vector<128x128xf32>
    tpu.vector_store %arg2[%swap3A_293, %swap3A_294], %transpose3A_292 {strides = array<i32>} : memref<16384x128xf32, #tpu.memory_space<vmem>>, vector<128x128xf32>,
    %slice3A_296 = vector.extract_strided_slice %reshape3A {offsets = [0, 16896], sizes = [32, 128], strides = [1, 1]} : vector<32x65536xf32> to vector<32x128xf32>
    %slice3A_297 = vector.extract_strided_slice %reshape3A {offsets = [0, 17024], sizes = [32, 128], strides = [1, 1]} : vector<32x65536xf32> to vector<32x128xf32>
    %slice3A_298 = vector.extract_strided_slice %reshape3A {offsets = [0, 17152], sizes = [32, 128], strides = [1, 1]} : vector<32x65536xf32> to vector<32x128xf32>
    %slice3A_299 = vector.extract_strided_slice %reshape3A {offsets = [0, 17280], sizes = [32, 128], strides = [1, 1]} : vector<32x65536xf32> to vector<32x128xf32>
    %concatenate3A_300 = tpu.concatenate %slice3A_296, %slice3A_297, %slice3A_298, %slice3A_299 in 0 : vector<32x128xf32>, vector<32x128xf32>, vector<32x128xf32>, vector<32x128xf32> -> vector<128x128xf32>
    %transpose3A_301 = tpu.transpose %concatenate3A_300, [1, 0] : vector<128x128xf32> -> vector<128x128xf32>
    %swap3A_302 = arith.constant 4224 : index
    %swap3A_303 = arith.constant 0 : index
    %swap3A_304 = vector.load %arg2[%swap3A_302, %swap3A_303] : memref<16384x128xf32, #tpu.memory_space<vmem>>, vector<128x128xf32>
    tpu.vector_store %arg2[%swap3A_302, %swap3A_303], %transpose3A_301 {strides = array<i32>} : memref<16384x128xf32, #tpu.memory_space<vmem>>, vector<128x128xf32>,
    %slice3A_305 = vector.extract_strided_slice %reshape3A {offsets = [0, 17408], sizes = [32, 128], strides = [1, 1]} : vector<32x65536xf32> to vector<32x128xf32>
    %slice3A_306 = vector.extract_strided_slice %reshape3A {offsets = [0, 17536], sizes = [32, 128], strides = [1, 1]} : vector<32x65536xf32> to vector<32x128xf32>
    %slice3A_307 = vector.extract_strided_slice %reshape3A {offsets = [0, 17664], sizes = [32, 128], strides = [1, 1]} : vector<32x65536xf32> to vector<32x128xf32>
    %slice3A_308 = vector.extract_strided_slice %reshape3A {offsets = [0, 17792], sizes = [32, 128], strides = [1, 1]} : vector<32x65536xf32> to vector<32x128xf32>
    %concatenate3A_309 = tpu.concatenate %slice3A_305, %slice3A_306, %slice3A_307, %slice3A_308 in 0 : vector<32x128xf32>, vector<32x128xf32>, vector<32x128xf32>, vector<32x128xf32> -> vector<128x128xf32>
    %transpose3A_310 = tpu.transpose %concatenate3A_309, [1, 0] : vector<128x128xf32> -> vector<128x128xf32>
    %swap3A_311 = arith.constant 4352 : index
    %swap3A_312 = arith.constant 0 : index
    %swap3A_313 = vector.load %arg2[%swap3A_311, %swap3A_312] : memref<16384x128xf32, #tpu.memory_space<vmem>>, vector<128x128xf32>
    tpu.vector_store %arg2[%swap3A_311, %swap3A_312], %transpose3A_310 {strides = array<i32>} : memref<16384x128xf32, #tpu.memory_space<vmem>>, vector<128x128xf32>,
    %slice3A_314 = vector.extract_strided_slice %reshape3A {offsets = [0, 17920], sizes = [32, 128], strides = [1, 1]} : vector<32x65536xf32> to vector<32x128xf32>
    %slice3A_315 = vector.extract_strided_slice %reshape3A {offsets = [0, 18048], sizes = [32, 128], strides = [1, 1]} : vector<32x65536xf32> to vector<32x128xf32>
    %slice3A_316 = vector.extract_strided_slice %reshape3A {offsets = [0, 18176], sizes = [32, 128], strides = [1, 1]} : vector<32x65536xf32> to vector<32x128xf32>
    %slice3A_317 = vector.extract_strided_slice %reshape3A {offsets = [0, 18304], sizes = [32, 128], strides = [1, 1]} : vector<32x65536xf32> to vector<32x128xf32>
    %concatenate3A_318 = tpu.concatenate %slice3A_314, %slice3A_315, %slice3A_316, %slice3A_317 in 0 : vector<32x128xf32>, vector<32x128xf32>, vector<32x128xf32>, vector<32x128xf32> -> vector<128x128xf32>
    %transpose3A_319 = tpu.transpose %concatenate3A_318, [1, 0] : vector<128x128xf32> -> vector<128x128xf32>
    %swap3A_320 = arith.constant 4480 : index
    %swap3A_321 = arith.constant 0 : index
    %swap3A_322 = vector.load %arg2[%swap3A_320, %swap3A_321] : memref<16384x128xf32, #tpu.memory_space<vmem>>, vector<128x128xf32>
    tpu.vector_store %arg2[%swap3A_320, %swap3A_321], %transpose3A_319 {strides = array<i32>} : memref<16384x128xf32, #tpu.memory_space<vmem>>, vector<128x128xf32>,
    %slice3A_323 = vector.extract_strided_slice %reshape3A {offsets = [0, 18432], sizes = [32, 128], strides = [1, 1]} : vector<32x65536xf32> to vector<32x128xf32>
    %slice3A_324 = vector.extract_strided_slice %reshape3A {offsets = [0, 18560], sizes = [32, 128], strides = [1, 1]} : vector<32x65536xf32> to vector<32x128xf32>
    %slice3A_325 = vector.extract_strided_slice %reshape3A {offsets = [0, 18688], sizes = [32, 128], strides = [1, 1]} : vector<32x65536xf32> to vector<32x128xf32>
    %slice3A_326 = vector.extract_strided_slice %reshape3A {offsets = [0, 18816], sizes = [32, 128], strides = [1, 1]} : vector<32x65536xf32> to vector<32x128xf32>
    %concatenate3A_327 = tpu.concatenate %slice3A_323, %slice3A_324, %slice3A_325, %slice3A_326 in 0 : vector<32x128xf32>, vector<32x128xf32>, vector<32x128xf32>, vector<32x128xf32> -> vector<128x128xf32>
    %transpose3A_328 = tpu.transpose %concatenate3A_327, [1, 0] : vector<128x128xf32> -> vector<128x128xf32>
    %swap3A_329 = arith.constant 4608 : index
    %swap3A_330 = arith.constant 0 : index
    %swap3A_331 = vector.load %arg2[%swap3A_329, %swap3A_330] : memref<16384x128xf32, #tpu.memory_space<vmem>>, vector<128x128xf32>
    tpu.vector_store %arg2[%swap3A_329, %swap3A_330], %transpose3A_328 {strides = array<i32>} : memref<16384x128xf32, #tpu.memory_space<vmem>>, vector<128x128xf32>,
    %slice3A_332 = vector.extract_strided_slice %reshape3A {offsets = [0, 18944], sizes = [32, 128], strides = [1, 1]} : vector<32x65536xf32> to vector<32x128xf32>
    %slice3A_333 = vector.extract_strided_slice %reshape3A {offsets = [0, 19072], sizes = [32, 128], strides = [1, 1]} : vector<32x65536xf32> to vector<32x128xf32>
    %slice3A_334 = vector.extract_strided_slice %reshape3A {offsets = [0, 19200], sizes = [32, 128], strides = [1, 1]} : vector<32x65536xf32> to vector<32x128xf32>
    %slice3A_335 = vector.extract_strided_slice %reshape3A {offsets = [0, 19328], sizes = [32, 128], strides = [1, 1]} : vector<32x65536xf32> to vector<32x128xf32>
    %concatenate3A_336 = tpu.concatenate %slice3A_332, %slice3A_333, %slice3A_334, %slice3A_335 in 0 : vector<32x128xf32>, vector<32x128xf32>, vector<32x128xf32>, vector<32x128xf32> -> vector<128x128xf32>
    %transpose3A_337 = tpu.transpose %concatenate3A_336, [1, 0] : vector<128x128xf32> -> vector<128x128xf32>
    %swap3A_338 = arith.constant 4736 : index
    %swap3A_339 = arith.constant 0 : index
    %swap3A_340 = vector.load %arg2[%swap3A_338, %swap3A_339] : memref<16384x128xf32, #tpu.memory_space<vmem>>, vector<128x128xf32>
    tpu.vector_store %arg2[%swap3A_338, %swap3A_339], %transpose3A_337 {strides = array<i32>} : memref<16384x128xf32, #tpu.memory_space<vmem>>, vector<128x128xf32>,
    %slice3A_341 = vector.extract_strided_slice %reshape3A {offsets = [0, 19456], sizes = [32, 128], strides = [1, 1]} : vector<32x65536xf32> to vector<32x128xf32>
    %slice3A_342 = vector.extract_strided_slice %reshape3A {offsets = [0, 19584], sizes = [32, 128], strides = [1, 1]} : vector<32x65536xf32> to vector<32x128xf32>
    %slice3A_343 = vector.extract_strided_slice %reshape3A {offsets = [0, 19712], sizes = [32, 128], strides = [1, 1]} : vector<32x65536xf32> to vector<32x128xf32>
    %slice3A_344 = vector.extract_strided_slice %reshape3A {offsets = [0, 19840], sizes = [32, 128], strides = [1, 1]} : vector<32x65536xf32> to vector<32x128xf32>
    %concatenate3A_345 = tpu.concatenate %slice3A_341, %slice3A_342, %slice3A_343, %slice3A_344 in 0 : vector<32x128xf32>, vector<32x128xf32>, vector<32x128xf32>, vector<32x128xf32> -> vector<128x128xf32>
    %transpose3A_346 = tpu.transpose %concatenate3A_345, [1, 0] : vector<128x128xf32> -> vector<128x128xf32>
    %swap3A_347 = arith.constant 4864 : index
    %swap3A_348 = arith.constant 0 : index
    %swap3A_349 = vector.load %arg2[%swap3A_347, %swap3A_348] : memref<16384x128xf32, #tpu.memory_space<vmem>>, vector<128x128xf32>
    tpu.vector_store %arg2[%swap3A_347, %swap3A_348], %transpose3A_346 {strides = array<i32>} : memref<16384x128xf32, #tpu.memory_space<vmem>>, vector<128x128xf32>,
    %slice3A_350 = vector.extract_strided_slice %reshape3A {offsets = [0, 19968], sizes = [32, 128], strides = [1, 1]} : vector<32x65536xf32> to vector<32x128xf32>
    %slice3A_351 = vector.extract_strided_slice %reshape3A {offsets = [0, 20096], sizes = [32, 128], strides = [1, 1]} : vector<32x65536xf32> to vector<32x128xf32>
    %slice3A_352 = vector.extract_strided_slice %reshape3A {offsets = [0, 20224], sizes = [32, 128], strides = [1, 1]} : vector<32x65536xf32> to vector<32x128xf32>
    %slice3A_353 = vector.extract_strided_slice %reshape3A {offsets = [0, 20352], sizes = [32, 128], strides = [1, 1]} : vector<32x65536xf32> to vector<32x128xf32>
    %concatenate3A_354 = tpu.concatenate %slice3A_350, %slice3A_351, %slice3A_352, %slice3A_353 in 0 : vector<32x128xf32>, vector<32x128xf32>, vector<32x128xf32>, vector<32x128xf32> -> vector<128x128xf32>
    %transpose3A_355 = tpu.transpose %concatenate3A_354, [1, 0] : vector<128x128xf32> -> vector<128x128xf32>
    %swap3A_356 = arith.constant 4992 : index
    %swap3A_357 = arith.constant 0 : index
    %swap3A_358 = vector.load %arg2[%swap3A_356, %swap3A_357] : memref<16384x128xf32, #tpu.memory_space<vmem>>, vector<128x128xf32>
    tpu.vector_store %arg2[%swap3A_356, %swap3A_357], %transpose3A_355 {strides = array<i32>} : memref<16384x128xf32, #tpu.memory_space<vmem>>, vector<128x128xf32>,
    %slice3A_359 = vector.extract_strided_slice %reshape3A {offsets = [0, 20480], sizes = [32, 128], strides = [1, 1]} : vector<32x65536xf32> to vector<32x128xf32>
    %slice3A_360 = vector.extract_strided_slice %reshape3A {offsets = [0, 20608], sizes = [32, 128], strides = [1, 1]} : vector<32x65536xf32> to vector<32x128xf32>
    %slice3A_361 = vector.extract_strided_slice %reshape3A {offsets = [0, 20736], sizes = [32, 128], strides = [1, 1]} : vector<32x65536xf32> to vector<32x128xf32>
    %slice3A_362 = vector.extract_strided_slice %reshape3A {offsets = [0, 20864], sizes = [32, 128], strides = [1, 1]} : vector<32x65536xf32> to vector<32x128xf32>
    %concatenate3A_363 = tpu.concatenate %slice3A_359, %slice3A_360, %slice3A_361, %slice3A_362 in 0 : vector<32x128xf32>, vector<32x128xf32>, vector<32x128xf32>, vector<32x128xf32> -> vector<128x128xf32>
    %transpose3A_364 = tpu.transpose %concatenate3A_363, [1, 0] : vector<128x128xf32> -> vector<128x128xf32>
    %swap3A_365 = arith.constant 5120 : index
    %swap3A_366 = arith.constant 0 : index
    %swap3A_367 = vector.load %arg2[%swap3A_365, %swap3A_366] : memref<16384x128xf32, #tpu.memory_space<vmem>>, vector<128x128xf32>
    tpu.vector_store %arg2[%swap3A_365, %swap3A_366], %transpose3A_364 {strides = array<i32>} : memref<16384x128xf32, #tpu.memory_space<vmem>>, vector<128x128xf32>,
    %slice3A_368 = vector.extract_strided_slice %reshape3A {offsets = [0, 20992], sizes = [32, 128], strides = [1, 1]} : vector<32x65536xf32> to vector<32x128xf32>
    %slice3A_369 = vector.extract_strided_slice %reshape3A {offsets = [0, 21120], sizes = [32, 128], strides = [1, 1]} : vector<32x65536xf32> to vector<32x128xf32>
    %slice3A_370 = vector.extract_strided_slice %reshape3A {offsets = [0, 21248], sizes = [32, 128], strides = [1, 1]} : vector<32x65536xf32> to vector<32x128xf32>
    %slice3A_371 = vector.extract_strided_slice %reshape3A {offsets = [0, 21376], sizes = [32, 128], strides = [1, 1]} : vector<32x65536xf32> to vector<32x128xf32>
    %concatenate3A_372 = tpu.concatenate %slice3A_368, %slice3A_369, %slice3A_370, %slice3A_371 in 0 : vector<32x128xf32>, vector<32x128xf32>, vector<32x128xf32>, vector<32x128xf32> -> vector<128x128xf32>
    %transpose3A_373 = tpu.transpose %concatenate3A_372, [1, 0] : vector<128x128xf32> -> vector<128x128xf32>
    %swap3A_374 = arith.constant 5248 : index
    %swap3A_375 = arith.constant 0 : index
    %swap3A_376 = vector.load %arg2[%swap3A_374, %swap3A_375] : memref<16384x128xf32, #tpu.memory_space<vmem>>, vector<128x128xf32>
    tpu.vector_store %arg2[%swap3A_374, %swap3A_375], %transpose3A_373 {strides = array<i32>} : memref<16384x128xf32, #tpu.memory_space<vmem>>, vector<128x128xf32>,
    %slice3A_377 = vector.extract_strided_slice %reshape3A {offsets = [0, 21504], sizes = [32, 128], strides = [1, 1]} : vector<32x65536xf32> to vector<32x128xf32>
    %slice3A_378 = vector.extract_strided_slice %reshape3A {offsets = [0, 21632], sizes = [32, 128], strides = [1, 1]} : vector<32x65536xf32> to vector<32x128xf32>
    %slice3A_379 = vector.extract_strided_slice %reshape3A {offsets = [0, 21760], sizes = [32, 128], strides = [1, 1]} : vector<32x65536xf32> to vector<32x128xf32>
    %slice3A_380 = vector.extract_strided_slice %reshape3A {offsets = [0, 21888], sizes = [32, 128], strides = [1, 1]} : vector<32x65536xf32> to vector<32x128xf32>
    %concatenate3A_381 = tpu.concatenate %slice3A_377, %slice3A_378, %slice3A_379, %slice3A_380 in 0 : vector<32x128xf32>, vector<32x128xf32>, vector<32x128xf32>, vector<32x128xf32> -> vector<128x128xf32>
    %transpose3A_382 = tpu.transpose %concatenate3A_381, [1, 0] : vector<128x128xf32> -> vector<128x128xf32>
    %swap3A_383 = arith.constant 5376 : index
    %swap3A_384 = arith.constant 0 : index
    %swap3A_385 = vector.load %arg2[%swap3A_383, %swap3A_384] : memref<16384x128xf32, #tpu.memory_space<vmem>>, vector<128x128xf32>
    tpu.vector_store %arg2[%swap3A_383, %swap3A_384], %transpose3A_382 {strides = array<i32>} : memref<16384x128xf32, #tpu.memory_space<vmem>>, vector<128x128xf32>,
    %slice3A_386 = vector.extract_strided_slice %reshape3A {offsets = [0, 22016], sizes = [32, 128], strides = [1, 1]} : vector<32x65536xf32> to vector<32x128xf32>
    %slice3A_387 = vector.extract_strided_slice %reshape3A {offsets = [0, 22144], sizes = [32, 128], strides = [1, 1]} : vector<32x65536xf32> to vector<32x128xf32>
    %slice3A_388 = vector.extract_strided_slice %reshape3A {offsets = [0, 22272], sizes = [32, 128], strides = [1, 1]} : vector<32x65536xf32> to vector<32x128xf32>
    %slice3A_389 = vector.extract_strided_slice %reshape3A {offsets = [0, 22400], sizes = [32, 128], strides = [1, 1]} : vector<32x65536xf32> to vector<32x128xf32>
    %concatenate3A_390 = tpu.concatenate %slice3A_386, %slice3A_387, %slice3A_388, %slice3A_389 in 0 : vector<32x128xf32>, vector<32x128xf32>, vector<32x128xf32>, vector<32x128xf32> -> vector<128x128xf32>
    %transpose3A_391 = tpu.transpose %concatenate3A_390, [1, 0] : vector<128x128xf32> -> vector<128x128xf32>
    %swap3A_392 = arith.constant 5504 : index
    %swap3A_393 = arith.constant 0 : index
    %swap3A_394 = vector.load %arg2[%swap3A_392, %swap3A_393] : memref<16384x128xf32, #tpu.memory_space<vmem>>, vector<128x128xf32>
    tpu.vector_store %arg2[%swap3A_392, %swap3A_393], %transpose3A_391 {strides = array<i32>} : memref<16384x128xf32, #tpu.memory_space<vmem>>, vector<128x128xf32>,
    %slice3A_395 = vector.extract_strided_slice %reshape3A {offsets = [0, 22528], sizes = [32, 128], strides = [1, 1]} : vector<32x65536xf32> to vector<32x128xf32>
    %slice3A_396 = vector.extract_strided_slice %reshape3A {offsets = [0, 22656], sizes = [32, 128], strides = [1, 1]} : vector<32x65536xf32> to vector<32x128xf32>
    %slice3A_397 = vector.extract_strided_slice %reshape3A {offsets = [0, 22784], sizes = [32, 128], strides = [1, 1]} : vector<32x65536xf32> to vector<32x128xf32>
    %slice3A_398 = vector.extract_strided_slice %reshape3A {offsets = [0, 22912], sizes = [32, 128], strides = [1, 1]} : vector<32x65536xf32> to vector<32x128xf32>
    %concatenate3A_399 = tpu.concatenate %slice3A_395, %slice3A_396, %slice3A_397, %slice3A_398 in 0 : vector<32x128xf32>, vector<32x128xf32>, vector<32x128xf32>, vector<32x128xf32> -> vector<128x128xf32>
    %transpose3A_400 = tpu.transpose %concatenate3A_399, [1, 0] : vector<128x128xf32> -> vector<128x128xf32>
    %swap3A_401 = arith.constant 5632 : index
    %swap3A_402 = arith.constant 0 : index
    %swap3A_403 = vector.load %arg2[%swap3A_401, %swap3A_402] : memref<16384x128xf32, #tpu.memory_space<vmem>>, vector<128x128xf32>
    tpu.vector_store %arg2[%swap3A_401, %swap3A_402], %transpose3A_400 {strides = array<i32>} : memref<16384x128xf32, #tpu.memory_space<vmem>>, vector<128x128xf32>,
    %slice3A_404 = vector.extract_strided_slice %reshape3A {offsets = [0, 23040], sizes = [32, 128], strides = [1, 1]} : vector<32x65536xf32> to vector<32x128xf32>
    %slice3A_405 = vector.extract_strided_slice %reshape3A {offsets = [0, 23168], sizes = [32, 128], strides = [1, 1]} : vector<32x65536xf32> to vector<32x128xf32>
    %slice3A_406 = vector.extract_strided_slice %reshape3A {offsets = [0, 23296], sizes = [32, 128], strides = [1, 1]} : vector<32x65536xf32> to vector<32x128xf32>
    %slice3A_407 = vector.extract_strided_slice %reshape3A {offsets = [0, 23424], sizes = [32, 128], strides = [1, 1]} : vector<32x65536xf32> to vector<32x128xf32>
    %concatenate3A_408 = tpu.concatenate %slice3A_404, %slice3A_405, %slice3A_406, %slice3A_407 in 0 : vector<32x128xf32>, vector<32x128xf32>, vector<32x128xf32>, vector<32x128xf32> -> vector<128x128xf32>
    %transpose3A_409 = tpu.transpose %concatenate3A_408, [1, 0] : vector<128x128xf32> -> vector<128x128xf32>
    %swap3A_410 = arith.constant 5760 : index
    %swap3A_411 = arith.constant 0 : index
    %swap3A_412 = vector.load %arg2[%swap3A_410, %swap3A_411] : memref<16384x128xf32, #tpu.memory_space<vmem>>, vector<128x128xf32>
    tpu.vector_store %arg2[%swap3A_410, %swap3A_411], %transpose3A_409 {strides = array<i32>} : memref<16384x128xf32, #tpu.memory_space<vmem>>, vector<128x128xf32>,
    %slice3A_413 = vector.extract_strided_slice %reshape3A {offsets = [0, 23552], sizes = [32, 128], strides = [1, 1]} : vector<32x65536xf32> to vector<32x128xf32>
    %slice3A_414 = vector.extract_strided_slice %reshape3A {offsets = [0, 23680], sizes = [32, 128], strides = [1, 1]} : vector<32x65536xf32> to vector<32x128xf32>
    %slice3A_415 = vector.extract_strided_slice %reshape3A {offsets = [0, 23808], sizes = [32, 128], strides = [1, 1]} : vector<32x65536xf32> to vector<32x128xf32>
    %slice3A_416 = vector.extract_strided_slice %reshape3A {offsets = [0, 23936], sizes = [32, 128], strides = [1, 1]} : vector<32x65536xf32> to vector<32x128xf32>
    %concatenate3A_417 = tpu.concatenate %slice3A_413, %slice3A_414, %slice3A_415, %slice3A_416 in 0 : vector<32x128xf32>, vector<32x128xf32>, vector<32x128xf32>, vector<32x128xf32> -> vector<128x128xf32>
    %transpose3A_418 = tpu.transpose %concatenate3A_417, [1, 0] : vector<128x128xf32> -> vector<128x128xf32>
    %swap3A_419 = arith.constant 5888 : index
    %swap3A_420 = arith.constant 0 : index
    %swap3A_421 = vector.load %arg2[%swap3A_419, %swap3A_420] : memref<16384x128xf32, #tpu.memory_space<vmem>>, vector<128x128xf32>
    tpu.vector_store %arg2[%swap3A_419, %swap3A_420], %transpose3A_418 {strides = array<i32>} : memref<16384x128xf32, #tpu.memory_space<vmem>>, vector<128x128xf32>,
    %slice3A_422 = vector.extract_strided_slice %reshape3A {offsets = [0, 24064], sizes = [32, 128], strides = [1, 1]} : vector<32x65536xf32> to vector<32x128xf32>
    %slice3A_423 = vector.extract_strided_slice %reshape3A {offsets = [0, 24192], sizes = [32, 128], strides = [1, 1]} : vector<32x65536xf32> to vector<32x128xf32>
    %slice3A_424 = vector.extract_strided_slice %reshape3A {offsets = [0, 24320], sizes = [32, 128], strides = [1, 1]} : vector<32x65536xf32> to vector<32x128xf32>
    %slice3A_425 = vector.extract_strided_slice %reshape3A {offsets = [0, 24448], sizes = [32, 128], strides = [1, 1]} : vector<32x65536xf32> to vector<32x128xf32>
    %concatenate3A_426 = tpu.concatenate %slice3A_422, %slice3A_423, %slice3A_424, %slice3A_425 in 0 : vector<32x128xf32>, vector<32x128xf32>, vector<32x128xf32>, vector<32x128xf32> -> vector<128x128xf32>
    %transpose3A_427 = tpu.transpose %concatenate3A_426, [1, 0] : vector<128x128xf32> -> vector<128x128xf32>
    %swap3A_428 = arith.constant 6016 : index
    %swap3A_429 = arith.constant 0 : index
    %swap3A_430 = vector.load %arg2[%swap3A_428, %swap3A_429] : memref<16384x128xf32, #tpu.memory_space<vmem>>, vector<128x128xf32>
    tpu.vector_store %arg2[%swap3A_428, %swap3A_429], %transpose3A_427 {strides = array<i32>} : memref<16384x128xf32, #tpu.memory_space<vmem>>, vector<128x128xf32>,
    %slice3A_431 = vector.extract_strided_slice %reshape3A {offsets = [0, 24576], sizes = [32, 128], strides = [1, 1]} : vector<32x65536xf32> to vector<32x128xf32>
    %slice3A_432 = vector.extract_strided_slice %reshape3A {offsets = [0, 24704], sizes = [32, 128], strides = [1, 1]} : vector<32x65536xf32> to vector<32x128xf32>
    %slice3A_433 = vector.extract_strided_slice %reshape3A {offsets = [0, 24832], sizes = [32, 128], strides = [1, 1]} : vector<32x65536xf32> to vector<32x128xf32>
    %slice3A_434 = vector.extract_strided_slice %reshape3A {offsets = [0, 24960], sizes = [32, 128], strides = [1, 1]} : vector<32x65536xf32> to vector<32x128xf32>
    %concatenate3A_435 = tpu.concatenate %slice3A_431, %slice3A_432, %slice3A_433, %slice3A_434 in 0 : vector<32x128xf32>, vector<32x128xf32>, vector<32x128xf32>, vector<32x128xf32> -> vector<128x128xf32>
    %transpose3A_436 = tpu.transpose %concatenate3A_435, [1, 0] : vector<128x128xf32> -> vector<128x128xf32>
    %swap3A_437 = arith.constant 6144 : index
    %swap3A_438 = arith.constant 0 : index
    %swap3A_439 = vector.load %arg2[%swap3A_437, %swap3A_438] : memref<16384x128xf32, #tpu.memory_space<vmem>>, vector<128x128xf32>
    tpu.vector_store %arg2[%swap3A_437, %swap3A_438], %transpose3A_436 {strides = array<i32>} : memref<16384x128xf32, #tpu.memory_space<vmem>>, vector<128x128xf32>,
    %slice3A_440 = vector.extract_strided_slice %reshape3A {offsets = [0, 25088], sizes = [32, 128], strides = [1, 1]} : vector<32x65536xf32> to vector<32x128xf32>
    %slice3A_441 = vector.extract_strided_slice %reshape3A {offsets = [0, 25216], sizes = [32, 128], strides = [1, 1]} : vector<32x65536xf32> to vector<32x128xf32>
    %slice3A_442 = vector.extract_strided_slice %reshape3A {offsets = [0, 25344], sizes = [32, 128], strides = [1, 1]} : vector<32x65536xf32> to vector<32x128xf32>
    %slice3A_443 = vector.extract_strided_slice %reshape3A {offsets = [0, 25472], sizes = [32, 128], strides = [1, 1]} : vector<32x65536xf32> to vector<32x128xf32>
    %concatenate3A_444 = tpu.concatenate %slice3A_440, %slice3A_441, %slice3A_442, %slice3A_443 in 0 : vector<32x128xf32>, vector<32x128xf32>, vector<32x128xf32>, vector<32x128xf32> -> vector<128x128xf32>
    %transpose3A_445 = tpu.transpose %concatenate3A_444, [1, 0] : vector<128x128xf32> -> vector<128x128xf32>
    %swap3A_446 = arith.constant 6272 : index
    %swap3A_447 = arith.constant 0 : index
    %swap3A_448 = vector.load %arg2[%swap3A_446, %swap3A_447] : memref<16384x128xf32, #tpu.memory_space<vmem>>, vector<128x128xf32>
    tpu.vector_store %arg2[%swap3A_446, %swap3A_447], %transpose3A_445 {strides = array<i32>} : memref<16384x128xf32, #tpu.memory_space<vmem>>, vector<128x128xf32>,
    %slice3A_449 = vector.extract_strided_slice %reshape3A {offsets = [0, 25600], sizes = [32, 128], strides = [1, 1]} : vector<32x65536xf32> to vector<32x128xf32>
    %slice3A_450 = vector.extract_strided_slice %reshape3A {offsets = [0, 25728], sizes = [32, 128], strides = [1, 1]} : vector<32x65536xf32> to vector<32x128xf32>
    %slice3A_451 = vector.extract_strided_slice %reshape3A {offsets = [0, 25856], sizes = [32, 128], strides = [1, 1]} : vector<32x65536xf32> to vector<32x128xf32>
    %slice3A_452 = vector.extract_strided_slice %reshape3A {offsets = [0, 25984], sizes = [32, 128], strides = [1, 1]} : vector<32x65536xf32> to vector<32x128xf32>
    %concatenate3A_453 = tpu.concatenate %slice3A_449, %slice3A_450, %slice3A_451, %slice3A_452 in 0 : vector<32x128xf32>, vector<32x128xf32>, vector<32x128xf32>, vector<32x128xf32> -> vector<128x128xf32>
    %transpose3A_454 = tpu.transpose %concatenate3A_453, [1, 0] : vector<128x128xf32> -> vector<128x128xf32>
    %swap3A_455 = arith.constant 6400 : index
    %swap3A_456 = arith.constant 0 : index
    %swap3A_457 = vector.load %arg2[%swap3A_455, %swap3A_456] : memref<16384x128xf32, #tpu.memory_space<vmem>>, vector<128x128xf32>
    tpu.vector_store %arg2[%swap3A_455, %swap3A_456], %transpose3A_454 {strides = array<i32>} : memref<16384x128xf32, #tpu.memory_space<vmem>>, vector<128x128xf32>,
    %slice3A_458 = vector.extract_strided_slice %reshape3A {offsets = [0, 26112], sizes = [32, 128], strides = [1, 1]} : vector<32x65536xf32> to vector<32x128xf32>
    %slice3A_459 = vector.extract_strided_slice %reshape3A {offsets = [0, 26240], sizes = [32, 128], strides = [1, 1]} : vector<32x65536xf32> to vector<32x128xf32>
    %slice3A_460 = vector.extract_strided_slice %reshape3A {offsets = [0, 26368], sizes = [32, 128], strides = [1, 1]} : vector<32x65536xf32> to vector<32x128xf32>
    %slice3A_461 = vector.extract_strided_slice %reshape3A {offsets = [0, 26496], sizes = [32, 128], strides = [1, 1]} : vector<32x65536xf32> to vector<32x128xf32>
    %concatenate3A_462 = tpu.concatenate %slice3A_458, %slice3A_459, %slice3A_460, %slice3A_461 in 0 : vector<32x128xf32>, vector<32x128xf32>, vector<32x128xf32>, vector<32x128xf32> -> vector<128x128xf32>
    %transpose3A_463 = tpu.transpose %concatenate3A_462, [1, 0] : vector<128x128xf32> -> vector<128x128xf32>
    %swap3A_464 = arith.constant 6528 : index
    %swap3A_465 = arith.constant 0 : index
    %swap3A_466 = vector.load %arg2[%swap3A_464, %swap3A_465] : memref<16384x128xf32, #tpu.memory_space<vmem>>, vector<128x128xf32>
    tpu.vector_store %arg2[%swap3A_464, %swap3A_465], %transpose3A_463 {strides = array<i32>} : memref<16384x128xf32, #tpu.memory_space<vmem>>, vector<128x128xf32>,
    %slice3A_467 = vector.extract_strided_slice %reshape3A {offsets = [0, 26624], sizes = [32, 128], strides = [1, 1]} : vector<32x65536xf32> to vector<32x128xf32>
    %slice3A_468 = vector.extract_strided_slice %reshape3A {offsets = [0, 26752], sizes = [32, 128], strides = [1, 1]} : vector<32x65536xf32> to vector<32x128xf32>
    %slice3A_469 = vector.extract_strided_slice %reshape3A {offsets = [0, 26880], sizes = [32, 128], strides = [1, 1]} : vector<32x65536xf32> to vector<32x128xf32>
    %slice3A_470 = vector.extract_strided_slice %reshape3A {offsets = [0, 27008], sizes = [32, 128], strides = [1, 1]} : vector<32x65536xf32> to vector<32x128xf32>
    %concatenate3A_471 = tpu.concatenate %slice3A_467, %slice3A_468, %slice3A_469, %slice3A_470 in 0 : vector<32x128xf32>, vector<32x128xf32>, vector<32x128xf32>, vector<32x128xf32> -> vector<128x128xf32>
    %transpose3A_472 = tpu.transpose %concatenate3A_471, [1, 0] : vector<128x128xf32> -> vector<128x128xf32>
    %swap3A_473 = arith.constant 6656 : index
    %swap3A_474 = arith.constant 0 : index
    %swap3A_475 = vector.load %arg2[%swap3A_473, %swap3A_474] : memref<16384x128xf32, #tpu.memory_space<vmem>>, vector<128x128xf32>
    tpu.vector_store %arg2[%swap3A_473, %swap3A_474], %transpose3A_472 {strides = array<i32>} : memref<16384x128xf32, #tpu.memory_space<vmem>>, vector<128x128xf32>,
    %slice3A_476 = vector.extract_strided_slice %reshape3A {offsets = [0, 27136], sizes = [32, 128], strides = [1, 1]} : vector<32x65536xf32> to vector<32x128xf32>
    %slice3A_477 = vector.extract_strided_slice %reshape3A {offsets = [0, 27264], sizes = [32, 128], strides = [1, 1]} : vector<32x65536xf32> to vector<32x128xf32>
    %slice3A_478 = vector.extract_strided_slice %reshape3A {offsets = [0, 27392], sizes = [32, 128], strides = [1, 1]} : vector<32x65536xf32> to vector<32x128xf32>
    %slice3A_479 = vector.extract_strided_slice %reshape3A {offsets = [0, 27520], sizes = [32, 128], strides = [1, 1]} : vector<32x65536xf32> to vector<32x128xf32>
    %concatenate3A_480 = tpu.concatenate %slice3A_476, %slice3A_477, %slice3A_478, %slice3A_479 in 0 : vector<32x128xf32>, vector<32x128xf32>, vector<32x128xf32>, vector<32x128xf32> -> vector<128x128xf32>
    %transpose3A_481 = tpu.transpose %concatenate3A_480, [1, 0] : vector<128x128xf32> -> vector<128x128xf32>
    %swap3A_482 = arith.constant 6784 : index
    %swap3A_483 = arith.constant 0 : index
    %swap3A_484 = vector.load %arg2[%swap3A_482, %swap3A_483] : memref<16384x128xf32, #tpu.memory_space<vmem>>, vector<128x128xf32>
    tpu.vector_store %arg2[%swap3A_482, %swap3A_483], %transpose3A_481 {strides = array<i32>} : memref<16384x128xf32, #tpu.memory_space<vmem>>, vector<128x128xf32>,
    %slice3A_485 = vector.extract_strided_slice %reshape3A {offsets = [0, 27648], sizes = [32, 128], strides = [1, 1]} : vector<32x65536xf32> to vector<32x128xf32>
    %slice3A_486 = vector.extract_strided_slice %reshape3A {offsets = [0, 27776], sizes = [32, 128], strides = [1, 1]} : vector<32x65536xf32> to vector<32x128xf32>
    %slice3A_487 = vector.extract_strided_slice %reshape3A {offsets = [0, 27904], sizes = [32, 128], strides = [1, 1]} : vector<32x65536xf32> to vector<32x128xf32>
    %slice3A_488 = vector.extract_strided_slice %reshape3A {offsets = [0, 28032], sizes = [32, 128], strides = [1, 1]} : vector<32x65536xf32> to vector<32x128xf32>
    %concatenate3A_489 = tpu.concatenate %slice3A_485, %slice3A_486, %slice3A_487, %slice3A_488 in 0 : vector<32x128xf32>, vector<32x128xf32>, vector<32x128xf32>, vector<32x128xf32> -> vector<128x128xf32>
    %transpose3A_490 = tpu.transpose %concatenate3A_489, [1, 0] : vector<128x128xf32> -> vector<128x128xf32>
    %swap3A_491 = arith.constant 6912 : index
    %swap3A_492 = arith.constant 0 : index
    %swap3A_493 = vector.load %arg2[%swap3A_491, %swap3A_492] : memref<16384x128xf32, #tpu.memory_space<vmem>>, vector<128x128xf32>
    tpu.vector_store %arg2[%swap3A_491, %swap3A_492], %transpose3A_490 {strides = array<i32>} : memref<16384x128xf32, #tpu.memory_space<vmem>>, vector<128x128xf32>,
    %slice3A_494 = vector.extract_strided_slice %reshape3A {offsets = [0, 28160], sizes = [32, 128], strides = [1, 1]} : vector<32x65536xf32> to vector<32x128xf32>
    %slice3A_495 = vector.extract_strided_slice %reshape3A {offsets = [0, 28288], sizes = [32, 128], strides = [1, 1]} : vector<32x65536xf32> to vector<32x128xf32>
    %slice3A_496 = vector.extract_strided_slice %reshape3A {offsets = [0, 28416], sizes = [32, 128], strides = [1, 1]} : vector<32x65536xf32> to vector<32x128xf32>
    %slice3A_497 = vector.extract_strided_slice %reshape3A {offsets = [0, 28544], sizes = [32, 128], strides = [1, 1]} : vector<32x65536xf32> to vector<32x128xf32>
    %concatenate3A_498 = tpu.concatenate %slice3A_494, %slice3A_495, %slice3A_496, %slice3A_497 in 0 : vector<32x128xf32>, vector<32x128xf32>, vector<32x128xf32>, vector<32x128xf32> -> vector<128x128xf32>
    %transpose3A_499 = tpu.transpose %concatenate3A_498, [1, 0] : vector<128x128xf32> -> vector<128x128xf32>
    %swap3A_500 = arith.constant 7040 : index
    %swap3A_501 = arith.constant 0 : index
    %swap3A_502 = vector.load %arg2[%swap3A_500, %swap3A_501] : memref<16384x128xf32, #tpu.memory_space<vmem>>, vector<128x128xf32>
    tpu.vector_store %arg2[%swap3A_500, %swap3A_501], %transpose3A_499 {strides = array<i32>} : memref<16384x128xf32, #tpu.memory_space<vmem>>, vector<128x128xf32>,
    %slice3A_503 = vector.extract_strided_slice %reshape3A {offsets = [0, 28672], sizes = [32, 128], strides = [1, 1]} : vector<32x65536xf32> to vector<32x128xf32>
    %slice3A_504 = vector.extract_strided_slice %reshape3A {offsets = [0, 28800], sizes = [32, 128], strides = [1, 1]} : vector<32x65536xf32> to vector<32x128xf32>
    %slice3A_505 = vector.extract_strided_slice %reshape3A {offsets = [0, 28928], sizes = [32, 128], strides = [1, 1]} : vector<32x65536xf32> to vector<32x128xf32>
    %slice3A_506 = vector.extract_strided_slice %reshape3A {offsets = [0, 29056], sizes = [32, 128], strides = [1, 1]} : vector<32x65536xf32> to vector<32x128xf32>
    %concatenate3A_507 = tpu.concatenate %slice3A_503, %slice3A_504, %slice3A_505, %slice3A_506 in 0 : vector<32x128xf32>, vector<32x128xf32>, vector<32x128xf32>, vector<32x128xf32> -> vector<128x128xf32>
    %transpose3A_508 = tpu.transpose %concatenate3A_507, [1, 0] : vector<128x128xf32> -> vector<128x128xf32>
    %swap3A_509 = arith.constant 7168 : index
    %swap3A_510 = arith.constant 0 : index
    %swap3A_511 = vector.load %arg2[%swap3A_509, %swap3A_510] : memref<16384x128xf32, #tpu.memory_space<vmem>>, vector<128x128xf32>
    tpu.vector_store %arg2[%swap3A_509, %swap3A_510], %transpose3A_508 {strides = array<i32>} : memref<16384x128xf32, #tpu.memory_space<vmem>>, vector<128x128xf32>,
    %slice3A_512 = vector.extract_strided_slice %reshape3A {offsets = [0, 29184], sizes = [32, 128], strides = [1, 1]} : vector<32x65536xf32> to vector<32x128xf32>
    %slice3A_513 = vector.extract_strided_slice %reshape3A {offsets = [0, 29312], sizes = [32, 128], strides = [1, 1]} : vector<32x65536xf32> to vector<32x128xf32>
    %slice3A_514 = vector.extract_strided_slice %reshape3A {offsets = [0, 29440], sizes = [32, 128], strides = [1, 1]} : vector<32x65536xf32> to vector<32x128xf32>
    %slice3A_515 = vector.extract_strided_slice %reshape3A {offsets = [0, 29568], sizes = [32, 128], strides = [1, 1]} : vector<32x65536xf32> to vector<32x128xf32>
    %concatenate3A_516 = tpu.concatenate %slice3A_512, %slice3A_513, %slice3A_514, %slice3A_515 in 0 : vector<32x128xf32>, vector<32x128xf32>, vector<32x128xf32>, vector<32x128xf32> -> vector<128x128xf32>
    %transpose3A_517 = tpu.transpose %concatenate3A_516, [1, 0] : vector<128x128xf32> -> vector<128x128xf32>
    %swap3A_518 = arith.constant 7296 : index
    %swap3A_519 = arith.constant 0 : index
    %swap3A_520 = vector.load %arg2[%swap3A_518, %swap3A_519] : memref<16384x128xf32, #tpu.memory_space<vmem>>, vector<128x128xf32>
    tpu.vector_store %arg2[%swap3A_518, %swap3A_519], %transpose3A_517 {strides = array<i32>} : memref<16384x128xf32, #tpu.memory_space<vmem>>, vector<128x128xf32>,
    %slice3A_521 = vector.extract_strided_slice %reshape3A {offsets = [0, 29696], sizes = [32, 128], strides = [1, 1]} : vector<32x65536xf32> to vector<32x128xf32>
    %slice3A_522 = vector.extract_strided_slice %reshape3A {offsets = [0, 29824], sizes = [32, 128], strides = [1, 1]} : vector<32x65536xf32> to vector<32x128xf32>
    %slice3A_523 = vector.extract_strided_slice %reshape3A {offsets = [0, 29952], sizes = [32, 128], strides = [1, 1]} : vector<32x65536xf32> to vector<32x128xf32>
    %slice3A_524 = vector.extract_strided_slice %reshape3A {offsets = [0, 30080], sizes = [32, 128], strides = [1, 1]} : vector<32x65536xf32> to vector<32x128xf32>
    %concatenate3A_525 = tpu.concatenate %slice3A_521, %slice3A_522, %slice3A_523, %slice3A_524 in 0 : vector<32x128xf32>, vector<32x128xf32>, vector<32x128xf32>, vector<32x128xf32> -> vector<128x128xf32>
    %transpose3A_526 = tpu.transpose %concatenate3A_525, [1, 0] : vector<128x128xf32> -> vector<128x128xf32>
    %swap3A_527 = arith.constant 7424 : index
    %swap3A_528 = arith.constant 0 : index
    %swap3A_529 = vector.load %arg2[%swap3A_527, %swap3A_528] : memref<16384x128xf32, #tpu.memory_space<vmem>>, vector<128x128xf32>
    tpu.vector_store %arg2[%swap3A_527, %swap3A_528], %transpose3A_526 {strides = array<i32>} : memref<16384x128xf32, #tpu.memory_space<vmem>>, vector<128x128xf32>,
    %slice3A_530 = vector.extract_strided_slice %reshape3A {offsets = [0, 30208], sizes = [32, 128], strides = [1, 1]} : vector<32x65536xf32> to vector<32x128xf32>
    %slice3A_531 = vector.extract_strided_slice %reshape3A {offsets = [0, 30336], sizes = [32, 128], strides = [1, 1]} : vector<32x65536xf32> to vector<32x128xf32>
    %slice3A_532 = vector.extract_strided_slice %reshape3A {offsets = [0, 30464], sizes = [32, 128], strides = [1, 1]} : vector<32x65536xf32> to vector<32x128xf32>
    %slice3A_533 = vector.extract_strided_slice %reshape3A {offsets = [0, 30592], sizes = [32, 128], strides = [1, 1]} : vector<32x65536xf32> to vector<32x128xf32>
    %concatenate3A_534 = tpu.concatenate %slice3A_530, %slice3A_531, %slice3A_532, %slice3A_533 in 0 : vector<32x128xf32>, vector<32x128xf32>, vector<32x128xf32>, vector<32x128xf32> -> vector<128x128xf32>
    %transpose3A_535 = tpu.transpose %concatenate3A_534, [1, 0] : vector<128x128xf32> -> vector<128x128xf32>
    %swap3A_536 = arith.constant 7552 : index
    %swap3A_537 = arith.constant 0 : index
    %swap3A_538 = vector.load %arg2[%swap3A_536, %swap3A_537] : memref<16384x128xf32, #tpu.memory_space<vmem>>, vector<128x128xf32>
    tpu.vector_store %arg2[%swap3A_536, %swap3A_537], %transpose3A_535 {strides = array<i32>} : memref<16384x128xf32, #tpu.memory_space<vmem>>, vector<128x128xf32>,
    %slice3A_539 = vector.extract_strided_slice %reshape3A {offsets = [0, 30720], sizes = [32, 128], strides = [1, 1]} : vector<32x65536xf32> to vector<32x128xf32>
    %slice3A_540 = vector.extract_strided_slice %reshape3A {offsets = [0, 30848], sizes = [32, 128], strides = [1, 1]} : vector<32x65536xf32> to vector<32x128xf32>
    %slice3A_541 = vector.extract_strided_slice %reshape3A {offsets = [0, 30976], sizes = [32, 128], strides = [1, 1]} : vector<32x65536xf32> to vector<32x128xf32>
    %slice3A_542 = vector.extract_strided_slice %reshape3A {offsets = [0, 31104], sizes = [32, 128], strides = [1, 1]} : vector<32x65536xf32> to vector<32x128xf32>
    %concatenate3A_543 = tpu.concatenate %slice3A_539, %slice3A_540, %slice3A_541, %slice3A_542 in 0 : vector<32x128xf32>, vector<32x128xf32>, vector<32x128xf32>, vector<32x128xf32> -> vector<128x128xf32>
    %transpose3A_544 = tpu.transpose %concatenate3A_543, [1, 0] : vector<128x128xf32> -> vector<128x128xf32>
    %swap3A_545 = arith.constant 7680 : index
    %swap3A_546 = arith.constant 0 : index
    %swap3A_547 = vector.load %arg2[%swap3A_545, %swap3A_546] : memref<16384x128xf32, #tpu.memory_space<vmem>>, vector<128x128xf32>
    tpu.vector_store %arg2[%swap3A_545, %swap3A_546], %transpose3A_544 {strides = array<i32>} : memref<16384x128xf32, #tpu.memory_space<vmem>>, vector<128x128xf32>,
    %slice3A_548 = vector.extract_strided_slice %reshape3A {offsets = [0, 31232], sizes = [32, 128], strides = [1, 1]} : vector<32x65536xf32> to vector<32x128xf32>
    %slice3A_549 = vector.extract_strided_slice %reshape3A {offsets = [0, 31360], sizes = [32, 128], strides = [1, 1]} : vector<32x65536xf32> to vector<32x128xf32>
    %slice3A_550 = vector.extract_strided_slice %reshape3A {offsets = [0, 31488], sizes = [32, 128], strides = [1, 1]} : vector<32x65536xf32> to vector<32x128xf32>
    %slice3A_551 = vector.extract_strided_slice %reshape3A {offsets = [0, 31616], sizes = [32, 128], strides = [1, 1]} : vector<32x65536xf32> to vector<32x128xf32>
    %concatenate3A_552 = tpu.concatenate %slice3A_548, %slice3A_549, %slice3A_550, %slice3A_551 in 0 : vector<32x128xf32>, vector<32x128xf32>, vector<32x128xf32>, vector<32x128xf32> -> vector<128x128xf32>
    %transpose3A_553 = tpu.transpose %concatenate3A_552, [1, 0] : vector<128x128xf32> -> vector<128x128xf32>
    %swap3A_554 = arith.constant 7808 : index
    %swap3A_555 = arith.constant 0 : index
    %swap3A_556 = vector.load %arg2[%swap3A_554, %swap3A_555] : memref<16384x128xf32, #tpu.memory_space<vmem>>, vector<128x128xf32>
    tpu.vector_store %arg2[%swap3A_554, %swap3A_555], %transpose3A_553 {strides = array<i32>} : memref<16384x128xf32, #tpu.memory_space<vmem>>, vector<128x128xf32>,
    %slice3A_557 = vector.extract_strided_slice %reshape3A {offsets = [0, 31744], sizes = [32, 128], strides = [1, 1]} : vector<32x65536xf32> to vector<32x128xf32>
    %slice3A_558 = vector.extract_strided_slice %reshape3A {offsets = [0, 31872], sizes = [32, 128], strides = [1, 1]} : vector<32x65536xf32> to vector<32x128xf32>
    %slice3A_559 = vector.extract_strided_slice %reshape3A {offsets = [0, 32000], sizes = [32, 128], strides = [1, 1]} : vector<32x65536xf32> to vector<32x128xf32>
    %slice3A_560 = vector.extract_strided_slice %reshape3A {offsets = [0, 32128], sizes = [32, 128], strides = [1, 1]} : vector<32x65536xf32> to vector<32x128xf32>
    %concatenate3A_561 = tpu.concatenate %slice3A_557, %slice3A_558, %slice3A_559, %slice3A_560 in 0 : vector<32x128xf32>, vector<32x128xf32>, vector<32x128xf32>, vector<32x128xf32> -> vector<128x128xf32>
    %transpose3A_562 = tpu.transpose %concatenate3A_561, [1, 0] : vector<128x128xf32> -> vector<128x128xf32>
    %swap3A_563 = arith.constant 7936 : index
    %swap3A_564 = arith.constant 0 : index
    %swap3A_565 = vector.load %arg2[%swap3A_563, %swap3A_564] : memref<16384x128xf32, #tpu.memory_space<vmem>>, vector<128x128xf32>
    tpu.vector_store %arg2[%swap3A_563, %swap3A_564], %transpose3A_562 {strides = array<i32>} : memref<16384x128xf32, #tpu.memory_space<vmem>>, vector<128x128xf32>,
    %slice3A_566 = vector.extract_strided_slice %reshape3A {offsets = [0, 32256], sizes = [32, 128], strides = [1, 1]} : vector<32x65536xf32> to vector<32x128xf32>
    %slice3A_567 = vector.extract_strided_slice %reshape3A {offsets = [0, 32384], sizes = [32, 128], strides = [1, 1]} : vector<32x65536xf32> to vector<32x128xf32>
    %slice3A_568 = vector.extract_strided_slice %reshape3A {offsets = [0, 32512], sizes = [32, 128], strides = [1, 1]} : vector<32x65536xf32> to vector<32x128xf32>
    %slice3A_569 = vector.extract_strided_slice %reshape3A {offsets = [0, 32640], sizes = [32, 128], strides = [1, 1]} : vector<32x65536xf32> to vector<32x128xf32>
    %concatenate3A_570 = tpu.concatenate %slice3A_566, %slice3A_567, %slice3A_568, %slice3A_569 in 0 : vector<32x128xf32>, vector<32x128xf32>, vector<32x128xf32>, vector<32x128xf32> -> vector<128x128xf32>
    %transpose3A_571 = tpu.transpose %concatenate3A_570, [1, 0] : vector<128x128xf32> -> vector<128x128xf32>
    %swap3A_572 = arith.constant 8064 : index
    %swap3A_573 = arith.constant 0 : index
    %swap3A_574 = vector.load %arg2[%swap3A_572, %swap3A_573] : memref<16384x128xf32, #tpu.memory_space<vmem>>, vector<128x128xf32>
    tpu.vector_store %arg2[%swap3A_572, %swap3A_573], %transpose3A_571 {strides = array<i32>} : memref<16384x128xf32, #tpu.memory_space<vmem>>, vector<128x128xf32>,
    %slice3A_575 = vector.extract_strided_slice %reshape3A {offsets = [0, 32768], sizes = [32, 128], strides = [1, 1]} : vector<32x65536xf32> to vector<32x128xf32>
    %slice3A_576 = vector.extract_strided_slice %reshape3A {offsets = [0, 32896], sizes = [32, 128], strides = [1, 1]} : vector<32x65536xf32> to vector<32x128xf32>
    %slice3A_577 = vector.extract_strided_slice %reshape3A {offsets = [0, 33024], sizes = [32, 128], strides = [1, 1]} : vector<32x65536xf32> to vector<32x128xf32>
    %slice3A_578 = vector.extract_strided_slice %reshape3A {offsets = [0, 33152], sizes = [32, 128], strides = [1, 1]} : vector<32x65536xf32> to vector<32x128xf32>
    %concatenate3A_579 = tpu.concatenate %slice3A_575, %slice3A_576, %slice3A_577, %slice3A_578 in 0 : vector<32x128xf32>, vector<32x128xf32>, vector<32x128xf32>, vector<32x128xf32> -> vector<128x128xf32>
    %transpose3A_580 = tpu.transpose %concatenate3A_579, [1, 0] : vector<128x128xf32> -> vector<128x128xf32>
    %swap3A_581 = arith.constant 8192 : index
    %swap3A_582 = arith.constant 0 : index
    %swap3A_583 = vector.load %arg2[%swap3A_581, %swap3A_582] : memref<16384x128xf32, #tpu.memory_space<vmem>>, vector<128x128xf32>
    tpu.vector_store %arg2[%swap3A_581, %swap3A_582], %transpose3A_580 {strides = array<i32>} : memref<16384x128xf32, #tpu.memory_space<vmem>>, vector<128x128xf32>,
    %slice3A_584 = vector.extract_strided_slice %reshape3A {offsets = [0, 33280], sizes = [32, 128], strides = [1, 1]} : vector<32x65536xf32> to vector<32x128xf32>
    %slice3A_585 = vector.extract_strided_slice %reshape3A {offsets = [0, 33408], sizes = [32, 128], strides = [1, 1]} : vector<32x65536xf32> to vector<32x128xf32>
    %slice3A_586 = vector.extract_strided_slice %reshape3A {offsets = [0, 33536], sizes = [32, 128], strides = [1, 1]} : vector<32x65536xf32> to vector<32x128xf32>
    %slice3A_587 = vector.extract_strided_slice %reshape3A {offsets = [0, 33664], sizes = [32, 128], strides = [1, 1]} : vector<32x65536xf32> to vector<32x128xf32>
    %concatenate3A_588 = tpu.concatenate %slice3A_584, %slice3A_585, %slice3A_586, %slice3A_587 in 0 : vector<32x128xf32>, vector<32x128xf32>, vector<32x128xf32>, vector<32x128xf32> -> vector<128x128xf32>
    %transpose3A_589 = tpu.transpose %concatenate3A_588, [1, 0] : vector<128x128xf32> -> vector<128x128xf32>
    %swap3A_590 = arith.constant 8320 : index
    %swap3A_591 = arith.constant 0 : index
    %swap3A_592 = vector.load %arg2[%swap3A_590, %swap3A_591] : memref<16384x128xf32, #tpu.memory_space<vmem>>, vector<128x128xf32>
    tpu.vector_store %arg2[%swap3A_590, %swap3A_591], %transpose3A_589 {strides = array<i32>} : memref<16384x128xf32, #tpu.memory_space<vmem>>, vector<128x128xf32>,
    %slice3A_593 = vector.extract_strided_slice %reshape3A {offsets = [0, 33792], sizes = [32, 128], strides = [1, 1]} : vector<32x65536xf32> to vector<32x128xf32>
    %slice3A_594 = vector.extract_strided_slice %reshape3A {offsets = [0, 33920], sizes = [32, 128], strides = [1, 1]} : vector<32x65536xf32> to vector<32x128xf32>
    %slice3A_595 = vector.extract_strided_slice %reshape3A {offsets = [0, 34048], sizes = [32, 128], strides = [1, 1]} : vector<32x65536xf32> to vector<32x128xf32>
    %slice3A_596 = vector.extract_strided_slice %reshape3A {offsets = [0, 34176], sizes = [32, 128], strides = [1, 1]} : vector<32x65536xf32> to vector<32x128xf32>
    %concatenate3A_597 = tpu.concatenate %slice3A_593, %slice3A_594, %slice3A_595, %slice3A_596 in 0 : vector<32x128xf32>, vector<32x128xf32>, vector<32x128xf32>, vector<32x128xf32> -> vector<128x128xf32>
    %transpose3A_598 = tpu.transpose %concatenate3A_597, [1, 0] : vector<128x128xf32> -> vector<128x128xf32>
    %swap3A_599 = arith.constant 8448 : index
    %swap3A_600 = arith.constant 0 : index
    %swap3A_601 = vector.load %arg2[%swap3A_599, %swap3A_600] : memref<16384x128xf32, #tpu.memory_space<vmem>>, vector<128x128xf32>
    tpu.vector_store %arg2[%swap3A_599, %swap3A_600], %transpose3A_598 {strides = array<i32>} : memref<16384x128xf32, #tpu.memory_space<vmem>>, vector<128x128xf32>,
    %slice3A_602 = vector.extract_strided_slice %reshape3A {offsets = [0, 34304], sizes = [32, 128], strides = [1, 1]} : vector<32x65536xf32> to vector<32x128xf32>
    %slice3A_603 = vector.extract_strided_slice %reshape3A {offsets = [0, 34432], sizes = [32, 128], strides = [1, 1]} : vector<32x65536xf32> to vector<32x128xf32>
    %slice3A_604 = vector.extract_strided_slice %reshape3A {offsets = [0, 34560], sizes = [32, 128], strides = [1, 1]} : vector<32x65536xf32> to vector<32x128xf32>
    %slice3A_605 = vector.extract_strided_slice %reshape3A {offsets = [0, 34688], sizes = [32, 128], strides = [1, 1]} : vector<32x65536xf32> to vector<32x128xf32>
    %concatenate3A_606 = tpu.concatenate %slice3A_602, %slice3A_603, %slice3A_604, %slice3A_605 in 0 : vector<32x128xf32>, vector<32x128xf32>, vector<32x128xf32>, vector<32x128xf32> -> vector<128x128xf32>
    %transpose3A_607 = tpu.transpose %concatenate3A_606, [1, 0] : vector<128x128xf32> -> vector<128x128xf32>
    %swap3A_608 = arith.constant 8576 : index
    %swap3A_609 = arith.constant 0 : index
    %swap3A_610 = vector.load %arg2[%swap3A_608, %swap3A_609] : memref<16384x128xf32, #tpu.memory_space<vmem>>, vector<128x128xf32>
    tpu.vector_store %arg2[%swap3A_608, %swap3A_609], %transpose3A_607 {strides = array<i32>} : memref<16384x128xf32, #tpu.memory_space<vmem>>, vector<128x128xf32>,
    %slice3A_611 = vector.extract_strided_slice %reshape3A {offsets = [0, 34816], sizes = [32, 128], strides = [1, 1]} : vector<32x65536xf32> to vector<32x128xf32>
    %slice3A_612 = vector.extract_strided_slice %reshape3A {offsets = [0, 34944], sizes = [32, 128], strides = [1, 1]} : vector<32x65536xf32> to vector<32x128xf32>
    %slice3A_613 = vector.extract_strided_slice %reshape3A {offsets = [0, 35072], sizes = [32, 128], strides = [1, 1]} : vector<32x65536xf32> to vector<32x128xf32>
    %slice3A_614 = vector.extract_strided_slice %reshape3A {offsets = [0, 35200], sizes = [32, 128], strides = [1, 1]} : vector<32x65536xf32> to vector<32x128xf32>
    %concatenate3A_615 = tpu.concatenate %slice3A_611, %slice3A_612, %slice3A_613, %slice3A_614 in 0 : vector<32x128xf32>, vector<32x128xf32>, vector<32x128xf32>, vector<32x128xf32> -> vector<128x128xf32>
    %transpose3A_616 = tpu.transpose %concatenate3A_615, [1, 0] : vector<128x128xf32> -> vector<128x128xf32>
    %swap3A_617 = arith.constant 8704 : index
    %swap3A_618 = arith.constant 0 : index
    %swap3A_619 = vector.load %arg2[%swap3A_617, %swap3A_618] : memref<16384x128xf32, #tpu.memory_space<vmem>>, vector<128x128xf32>
    tpu.vector_store %arg2[%swap3A_617, %swap3A_618], %transpose3A_616 {strides = array<i32>} : memref<16384x128xf32, #tpu.memory_space<vmem>>, vector<128x128xf32>,
    %slice3A_620 = vector.extract_strided_slice %reshape3A {offsets = [0, 35328], sizes = [32, 128], strides = [1, 1]} : vector<32x65536xf32> to vector<32x128xf32>
    %slice3A_621 = vector.extract_strided_slice %reshape3A {offsets = [0, 35456], sizes = [32, 128], strides = [1, 1]} : vector<32x65536xf32> to vector<32x128xf32>
    %slice3A_622 = vector.extract_strided_slice %reshape3A {offsets = [0, 35584], sizes = [32, 128], strides = [1, 1]} : vector<32x65536xf32> to vector<32x128xf32>
    %slice3A_623 = vector.extract_strided_slice %reshape3A {offsets = [0, 35712], sizes = [32, 128], strides = [1, 1]} : vector<32x65536xf32> to vector<32x128xf32>
    %concatenate3A_624 = tpu.concatenate %slice3A_620, %slice3A_621, %slice3A_622, %slice3A_623 in 0 : vector<32x128xf32>, vector<32x128xf32>, vector<32x128xf32>, vector<32x128xf32> -> vector<128x128xf32>
    %transpose3A_625 = tpu.transpose %concatenate3A_624, [1, 0] : vector<128x128xf32> -> vector<128x128xf32>
    %swap3A_626 = arith.constant 8832 : index
    %swap3A_627 = arith.constant 0 : index
    %swap3A_628 = vector.load %arg2[%swap3A_626, %swap3A_627] : memref<16384x128xf32, #tpu.memory_space<vmem>>, vector<128x128xf32>
    tpu.vector_store %arg2[%swap3A_626, %swap3A_627], %transpose3A_625 {strides = array<i32>} : memref<16384x128xf32, #tpu.memory_space<vmem>>, vector<128x128xf32>,
    %slice3A_629 = vector.extract_strided_slice %reshape3A {offsets = [0, 35840], sizes = [32, 128], strides = [1, 1]} : vector<32x65536xf32> to vector<32x128xf32>
    %slice3A_630 = vector.extract_strided_slice %reshape3A {offsets = [0, 35968], sizes = [32, 128], strides = [1, 1]} : vector<32x65536xf32> to vector<32x128xf32>
    %slice3A_631 = vector.extract_strided_slice %reshape3A {offsets = [0, 36096], sizes = [32, 128], strides = [1, 1]} : vector<32x65536xf32> to vector<32x128xf32>
    %slice3A_632 = vector.extract_strided_slice %reshape3A {offsets = [0, 36224], sizes = [32, 128], strides = [1, 1]} : vector<32x65536xf32> to vector<32x128xf32>
    %concatenate3A_633 = tpu.concatenate %slice3A_629, %slice3A_630, %slice3A_631, %slice3A_632 in 0 : vector<32x128xf32>, vector<32x128xf32>, vector<32x128xf32>, vector<32x128xf32> -> vector<128x128xf32>
    %transpose3A_634 = tpu.transpose %concatenate3A_633, [1, 0] : vector<128x128xf32> -> vector<128x128xf32>
    %swap3A_635 = arith.constant 8960 : index
    %swap3A_636 = arith.constant 0 : index
    %swap3A_637 = vector.load %arg2[%swap3A_635, %swap3A_636] : memref<16384x128xf32, #tpu.memory_space<vmem>>, vector<128x128xf32>
    tpu.vector_store %arg2[%swap3A_635, %swap3A_636], %transpose3A_634 {strides = array<i32>} : memref<16384x128xf32, #tpu.memory_space<vmem>>, vector<128x128xf32>,
    %slice3A_638 = vector.extract_strided_slice %reshape3A {offsets = [0, 36352], sizes = [32, 128], strides = [1, 1]} : vector<32x65536xf32> to vector<32x128xf32>
    %slice3A_639 = vector.extract_strided_slice %reshape3A {offsets = [0, 36480], sizes = [32, 128], strides = [1, 1]} : vector<32x65536xf32> to vector<32x128xf32>
    %slice3A_640 = vector.extract_strided_slice %reshape3A {offsets = [0, 36608], sizes = [32, 128], strides = [1, 1]} : vector<32x65536xf32> to vector<32x128xf32>
    %slice3A_641 = vector.extract_strided_slice %reshape3A {offsets = [0, 36736], sizes = [32, 128], strides = [1, 1]} : vector<32x65536xf32> to vector<32x128xf32>
    %concatenate3A_642 = tpu.concatenate %slice3A_638, %slice3A_639, %slice3A_640, %slice3A_641 in 0 : vector<32x128xf32>, vector<32x128xf32>, vector<32x128xf32>, vector<32x128xf32> -> vector<128x128xf32>
    %transpose3A_643 = tpu.transpose %concatenate3A_642, [1, 0] : vector<128x128xf32> -> vector<128x128xf32>
    %swap3A_644 = arith.constant 9088 : index
    %swap3A_645 = arith.constant 0 : index
    %swap3A_646 = vector.load %arg2[%swap3A_644, %swap3A_645] : memref<16384x128xf32, #tpu.memory_space<vmem>>, vector<128x128xf32>
    tpu.vector_store %arg2[%swap3A_644, %swap3A_645], %transpose3A_643 {strides = array<i32>} : memref<16384x128xf32, #tpu.memory_space<vmem>>, vector<128x128xf32>,
    %slice3A_647 = vector.extract_strided_slice %reshape3A {offsets = [0, 36864], sizes = [32, 128], strides = [1, 1]} : vector<32x65536xf32> to vector<32x128xf32>
    %slice3A_648 = vector.extract_strided_slice %reshape3A {offsets = [0, 36992], sizes = [32, 128], strides = [1, 1]} : vector<32x65536xf32> to vector<32x128xf32>
    %slice3A_649 = vector.extract_strided_slice %reshape3A {offsets = [0, 37120], sizes = [32, 128], strides = [1, 1]} : vector<32x65536xf32> to vector<32x128xf32>
    %slice3A_650 = vector.extract_strided_slice %reshape3A {offsets = [0, 37248], sizes = [32, 128], strides = [1, 1]} : vector<32x65536xf32> to vector<32x128xf32>
    %concatenate3A_651 = tpu.concatenate %slice3A_647, %slice3A_648, %slice3A_649, %slice3A_650 in 0 : vector<32x128xf32>, vector<32x128xf32>, vector<32x128xf32>, vector<32x128xf32> -> vector<128x128xf32>
    %transpose3A_652 = tpu.transpose %concatenate3A_651, [1, 0] : vector<128x128xf32> -> vector<128x128xf32>
    %swap3A_653 = arith.constant 9216 : index
    %swap3A_654 = arith.constant 0 : index
    %swap3A_655 = vector.load %arg2[%swap3A_653, %swap3A_654] : memref<16384x128xf32, #tpu.memory_space<vmem>>, vector<128x128xf32>
    tpu.vector_store %arg2[%swap3A_653, %swap3A_654], %transpose3A_652 {strides = array<i32>} : memref<16384x128xf32, #tpu.memory_space<vmem>>, vector<128x128xf32>,
    %slice3A_656 = vector.extract_strided_slice %reshape3A {offsets = [0, 37376], sizes = [32, 128], strides = [1, 1]} : vector<32x65536xf32> to vector<32x128xf32>
    %slice3A_657 = vector.extract_strided_slice %reshape3A {offsets = [0, 37504], sizes = [32, 128], strides = [1, 1]} : vector<32x65536xf32> to vector<32x128xf32>
    %slice3A_658 = vector.extract_strided_slice %reshape3A {offsets = [0, 37632], sizes = [32, 128], strides = [1, 1]} : vector<32x65536xf32> to vector<32x128xf32>
    %slice3A_659 = vector.extract_strided_slice %reshape3A {offsets = [0, 37760], sizes = [32, 128], strides = [1, 1]} : vector<32x65536xf32> to vector<32x128xf32>
    %concatenate3A_660 = tpu.concatenate %slice3A_656, %slice3A_657, %slice3A_658, %slice3A_659 in 0 : vector<32x128xf32>, vector<32x128xf32>, vector<32x128xf32>, vector<32x128xf32> -> vector<128x128xf32>
    %transpose3A_661 = tpu.transpose %concatenate3A_660, [1, 0] : vector<128x128xf32> -> vector<128x128xf32>
    %swap3A_662 = arith.constant 9344 : index
    %swap3A_663 = arith.constant 0 : index
    %swap3A_664 = vector.load %arg2[%swap3A_662, %swap3A_663] : memref<16384x128xf32, #tpu.memory_space<vmem>>, vector<128x128xf32>
    tpu.vector_store %arg2[%swap3A_662, %swap3A_663], %transpose3A_661 {strides = array<i32>} : memref<16384x128xf32, #tpu.memory_space<vmem>>, vector<128x128xf32>,
    %slice3A_665 = vector.extract_strided_slice %reshape3A {offsets = [0, 37888], sizes = [32, 128], strides = [1, 1]} : vector<32x65536xf32> to vector<32x128xf32>
    %slice3A_666 = vector.extract_strided_slice %reshape3A {offsets = [0, 38016], sizes = [32, 128], strides = [1, 1]} : vector<32x65536xf32> to vector<32x128xf32>
    %slice3A_667 = vector.extract_strided_slice %reshape3A {offsets = [0, 38144], sizes = [32, 128], strides = [1, 1]} : vector<32x65536xf32> to vector<32x128xf32>
    %slice3A_668 = vector.extract_strided_slice %reshape3A {offsets = [0, 38272], sizes = [32, 128], strides = [1, 1]} : vector<32x65536xf32> to vector<32x128xf32>
    %concatenate3A_669 = tpu.concatenate %slice3A_665, %slice3A_666, %slice3A_667, %slice3A_668 in 0 : vector<32x128xf32>, vector<32x128xf32>, vector<32x128xf32>, vector<32x128xf32> -> vector<128x128xf32>
    %transpose3A_670 = tpu.transpose %concatenate3A_669, [1, 0] : vector<128x128xf32> -> vector<128x128xf32>
    %swap3A_671 = arith.constant 9472 : index
    %swap3A_672 = arith.constant 0 : index
    %swap3A_673 = vector.load %arg2[%swap3A_671, %swap3A_672] : memref<16384x128xf32, #tpu.memory_space<vmem>>, vector<128x128xf32>
    tpu.vector_store %arg2[%swap3A_671, %swap3A_672], %transpose3A_670 {strides = array<i32>} : memref<16384x128xf32, #tpu.memory_space<vmem>>, vector<128x128xf32>,
    %slice3A_674 = vector.extract_strided_slice %reshape3A {offsets = [0, 38400], sizes = [32, 128], strides = [1, 1]} : vector<32x65536xf32> to vector<32x128xf32>
    %slice3A_675 = vector.extract_strided_slice %reshape3A {offsets = [0, 38528], sizes = [32, 128], strides = [1, 1]} : vector<32x65536xf32> to vector<32x128xf32>
    %slice3A_676 = vector.extract_strided_slice %reshape3A {offsets = [0, 38656], sizes = [32, 128], strides = [1, 1]} : vector<32x65536xf32> to vector<32x128xf32>
    %slice3A_677 = vector.extract_strided_slice %reshape3A {offsets = [0, 38784], sizes = [32, 128], strides = [1, 1]} : vector<32x65536xf32> to vector<32x128xf32>
    %concatenate3A_678 = tpu.concatenate %slice3A_674, %slice3A_675, %slice3A_676, %slice3A_677 in 0 : vector<32x128xf32>, vector<32x128xf32>, vector<32x128xf32>, vector<32x128xf32> -> vector<128x128xf32>
    %transpose3A_679 = tpu.transpose %concatenate3A_678, [1, 0] : vector<128x128xf32> -> vector<128x128xf32>
    %swap3A_680 = arith.constant 9600 : index
    %swap3A_681 = arith.constant 0 : index
    %swap3A_682 = vector.load %arg2[%swap3A_680, %swap3A_681] : memref<16384x128xf32, #tpu.memory_space<vmem>>, vector<128x128xf32>
    tpu.vector_store %arg2[%swap3A_680, %swap3A_681], %transpose3A_679 {strides = array<i32>} : memref<16384x128xf32, #tpu.memory_space<vmem>>, vector<128x128xf32>,
    %slice3A_683 = vector.extract_strided_slice %reshape3A {offsets = [0, 38912], sizes = [32, 128], strides = [1, 1]} : vector<32x65536xf32> to vector<32x128xf32>
    %slice3A_684 = vector.extract_strided_slice %reshape3A {offsets = [0, 39040], sizes = [32, 128], strides = [1, 1]} : vector<32x65536xf32> to vector<32x128xf32>
    %slice3A_685 = vector.extract_strided_slice %reshape3A {offsets = [0, 39168], sizes = [32, 128], strides = [1, 1]} : vector<32x65536xf32> to vector<32x128xf32>
    %slice3A_686 = vector.extract_strided_slice %reshape3A {offsets = [0, 39296], sizes = [32, 128], strides = [1, 1]} : vector<32x65536xf32> to vector<32x128xf32>
    %concatenate3A_687 = tpu.concatenate %slice3A_683, %slice3A_684, %slice3A_685, %slice3A_686 in 0 : vector<32x128xf32>, vector<32x128xf32>, vector<32x128xf32>, vector<32x128xf32> -> vector<128x128xf32>
    %transpose3A_688 = tpu.transpose %concatenate3A_687, [1, 0] : vector<128x128xf32> -> vector<128x128xf32>
    %swap3A_689 = arith.constant 9728 : index
    %swap3A_690 = arith.constant 0 : index
    %swap3A_691 = vector.load %arg2[%swap3A_689, %swap3A_690] : memref<16384x128xf32, #tpu.memory_space<vmem>>, vector<128x128xf32>
    tpu.vector_store %arg2[%swap3A_689, %swap3A_690], %transpose3A_688 {strides = array<i32>} : memref<16384x128xf32, #tpu.memory_space<vmem>>, vector<128x128xf32>,
    %slice3A_692 = vector.extract_strided_slice %reshape3A {offsets = [0, 39424], sizes = [32, 128], strides = [1, 1]} : vector<32x65536xf32> to vector<32x128xf32>
    %slice3A_693 = vector.extract_strided_slice %reshape3A {offsets = [0, 39552], sizes = [32, 128], strides = [1, 1]} : vector<32x65536xf32> to vector<32x128xf32>
    %slice3A_694 = vector.extract_strided_slice %reshape3A {offsets = [0, 39680], sizes = [32, 128], strides = [1, 1]} : vector<32x65536xf32> to vector<32x128xf32>
    %slice3A_695 = vector.extract_strided_slice %reshape3A {offsets = [0, 39808], sizes = [32, 128], strides = [1, 1]} : vector<32x65536xf32> to vector<32x128xf32>
    %concatenate3A_696 = tpu.concatenate %slice3A_692, %slice3A_693, %slice3A_694, %slice3A_695 in 0 : vector<32x128xf32>, vector<32x128xf32>, vector<32x128xf32>, vector<32x128xf32> -> vector<128x128xf32>
    %transpose3A_697 = tpu.transpose %concatenate3A_696, [1, 0] : vector<128x128xf32> -> vector<128x128xf32>
    %swap3A_698 = arith.constant 9856 : index
    %swap3A_699 = arith.constant 0 : index
    %swap3A_700 = vector.load %arg2[%swap3A_698, %swap3A_699] : memref<16384x128xf32, #tpu.memory_space<vmem>>, vector<128x128xf32>
    tpu.vector_store %arg2[%swap3A_698, %swap3A_699], %transpose3A_697 {strides = array<i32>} : memref<16384x128xf32, #tpu.memory_space<vmem>>, vector<128x128xf32>,
    %slice3A_701 = vector.extract_strided_slice %reshape3A {offsets = [0, 39936], sizes = [32, 128], strides = [1, 1]} : vector<32x65536xf32> to vector<32x128xf32>
    %slice3A_702 = vector.extract_strided_slice %reshape3A {offsets = [0, 40064], sizes = [32, 128], strides = [1, 1]} : vector<32x65536xf32> to vector<32x128xf32>
    %slice3A_703 = vector.extract_strided_slice %reshape3A {offsets = [0, 40192], sizes = [32, 128], strides = [1, 1]} : vector<32x65536xf32> to vector<32x128xf32>
    %slice3A_704 = vector.extract_strided_slice %reshape3A {offsets = [0, 40320], sizes = [32, 128], strides = [1, 1]} : vector<32x65536xf32> to vector<32x128xf32>
    %concatenate3A_705 = tpu.concatenate %slice3A_701, %slice3A_702, %slice3A_703, %slice3A_704 in 0 : vector<32x128xf32>, vector<32x128xf32>, vector<32x128xf32>, vector<32x128xf32> -> vector<128x128xf32>
    %transpose3A_706 = tpu.transpose %concatenate3A_705, [1, 0] : vector<128x128xf32> -> vector<128x128xf32>
    %swap3A_707 = arith.constant 9984 : index
    %swap3A_708 = arith.constant 0 : index
    %swap3A_709 = vector.load %arg2[%swap3A_707, %swap3A_708] : memref<16384x128xf32, #tpu.memory_space<vmem>>, vector<128x128xf32>
    tpu.vector_store %arg2[%swap3A_707, %swap3A_708], %transpose3A_706 {strides = array<i32>} : memref<16384x128xf32, #tpu.memory_space<vmem>>, vector<128x128xf32>,
    %slice3A_710 = vector.extract_strided_slice %reshape3A {offsets = [0, 40448], sizes = [32, 128], strides = [1, 1]} : vector<32x65536xf32> to vector<32x128xf32>
    %slice3A_711 = vector.extract_strided_slice %reshape3A {offsets = [0, 40576], sizes = [32, 128], strides = [1, 1]} : vector<32x65536xf32> to vector<32x128xf32>
    %slice3A_712 = vector.extract_strided_slice %reshape3A {offsets = [0, 40704], sizes = [32, 128], strides = [1, 1]} : vector<32x65536xf32> to vector<32x128xf32>
    %slice3A_713 = vector.extract_strided_slice %reshape3A {offsets = [0, 40832], sizes = [32, 128], strides = [1, 1]} : vector<32x65536xf32> to vector<32x128xf32>
    %concatenate3A_714 = tpu.concatenate %slice3A_710, %slice3A_711, %slice3A_712, %slice3A_713 in 0 : vector<32x128xf32>, vector<32x128xf32>, vector<32x128xf32>, vector<32x128xf32> -> vector<128x128xf32>
    %transpose3A_715 = tpu.transpose %concatenate3A_714, [1, 0] : vector<128x128xf32> -> vector<128x128xf32>
    %swap3A_716 = arith.constant 10112 : index
    %swap3A_717 = arith.constant 0 : index
    %swap3A_718 = vector.load %arg2[%swap3A_716, %swap3A_717] : memref<16384x128xf32, #tpu.memory_space<vmem>>, vector<128x128xf32>
    tpu.vector_store %arg2[%swap3A_716, %swap3A_717], %transpose3A_715 {strides = array<i32>} : memref<16384x128xf32, #tpu.memory_space<vmem>>, vector<128x128xf32>,
    %slice3A_719 = vector.extract_strided_slice %reshape3A {offsets = [0, 40960], sizes = [32, 128], strides = [1, 1]} : vector<32x65536xf32> to vector<32x128xf32>
    %slice3A_720 = vector.extract_strided_slice %reshape3A {offsets = [0, 41088], sizes = [32, 128], strides = [1, 1]} : vector<32x65536xf32> to vector<32x128xf32>
    %slice3A_721 = vector.extract_strided_slice %reshape3A {offsets = [0, 41216], sizes = [32, 128], strides = [1, 1]} : vector<32x65536xf32> to vector<32x128xf32>
    %slice3A_722 = vector.extract_strided_slice %reshape3A {offsets = [0, 41344], sizes = [32, 128], strides = [1, 1]} : vector<32x65536xf32> to vector<32x128xf32>
    %concatenate3A_723 = tpu.concatenate %slice3A_719, %slice3A_720, %slice3A_721, %slice3A_722 in 0 : vector<32x128xf32>, vector<32x128xf32>, vector<32x128xf32>, vector<32x128xf32> -> vector<128x128xf32>
    %transpose3A_724 = tpu.transpose %concatenate3A_723, [1, 0] : vector<128x128xf32> -> vector<128x128xf32>
    %swap3A_725 = arith.constant 10240 : index
    %swap3A_726 = arith.constant 0 : index
    %swap3A_727 = vector.load %arg2[%swap3A_725, %swap3A_726] : memref<16384x128xf32, #tpu.memory_space<vmem>>, vector<128x128xf32>
    tpu.vector_store %arg2[%swap3A_725, %swap3A_726], %transpose3A_724 {strides = array<i32>} : memref<16384x128xf32, #tpu.memory_space<vmem>>, vector<128x128xf32>,
    %slice3A_728 = vector.extract_strided_slice %reshape3A {offsets = [0, 41472], sizes = [32, 128], strides = [1, 1]} : vector<32x65536xf32> to vector<32x128xf32>
    %slice3A_729 = vector.extract_strided_slice %reshape3A {offsets = [0, 41600], sizes = [32, 128], strides = [1, 1]} : vector<32x65536xf32> to vector<32x128xf32>
    %slice3A_730 = vector.extract_strided_slice %reshape3A {offsets = [0, 41728], sizes = [32, 128], strides = [1, 1]} : vector<32x65536xf32> to vector<32x128xf32>
    %slice3A_731 = vector.extract_strided_slice %reshape3A {offsets = [0, 41856], sizes = [32, 128], strides = [1, 1]} : vector<32x65536xf32> to vector<32x128xf32>
    %concatenate3A_732 = tpu.concatenate %slice3A_728, %slice3A_729, %slice3A_730, %slice3A_731 in 0 : vector<32x128xf32>, vector<32x128xf32>, vector<32x128xf32>, vector<32x128xf32> -> vector<128x128xf32>
    %transpose3A_733 = tpu.transpose %concatenate3A_732, [1, 0] : vector<128x128xf32> -> vector<128x128xf32>
    %swap3A_734 = arith.constant 10368 : index
    %swap3A_735 = arith.constant 0 : index
    %swap3A_736 = vector.load %arg2[%swap3A_734, %swap3A_735] : memref<16384x128xf32, #tpu.memory_space<vmem>>, vector<128x128xf32>
    tpu.vector_store %arg2[%swap3A_734, %swap3A_735], %transpose3A_733 {strides = array<i32>} : memref<16384x128xf32, #tpu.memory_space<vmem>>, vector<128x128xf32>,
    %slice3A_737 = vector.extract_strided_slice %reshape3A {offsets = [0, 41984], sizes = [32, 128], strides = [1, 1]} : vector<32x65536xf32> to vector<32x128xf32>
    %slice3A_738 = vector.extract_strided_slice %reshape3A {offsets = [0, 42112], sizes = [32, 128], strides = [1, 1]} : vector<32x65536xf32> to vector<32x128xf32>
    %slice3A_739 = vector.extract_strided_slice %reshape3A {offsets = [0, 42240], sizes = [32, 128], strides = [1, 1]} : vector<32x65536xf32> to vector<32x128xf32>
    %slice3A_740 = vector.extract_strided_slice %reshape3A {offsets = [0, 42368], sizes = [32, 128], strides = [1, 1]} : vector<32x65536xf32> to vector<32x128xf32>
    %concatenate3A_741 = tpu.concatenate %slice3A_737, %slice3A_738, %slice3A_739, %slice3A_740 in 0 : vector<32x128xf32>, vector<32x128xf32>, vector<32x128xf32>, vector<32x128xf32> -> vector<128x128xf32>
    %transpose3A_742 = tpu.transpose %concatenate3A_741, [1, 0] : vector<128x128xf32> -> vector<128x128xf32>
    %swap3A_743 = arith.constant 10496 : index
    %swap3A_744 = arith.constant 0 : index
    %swap3A_745 = vector.load %arg2[%swap3A_743, %swap3A_744] : memref<16384x128xf32, #tpu.memory_space<vmem>>, vector<128x128xf32>
    tpu.vector_store %arg2[%swap3A_743, %swap3A_744], %transpose3A_742 {strides = array<i32>} : memref<16384x128xf32, #tpu.memory_space<vmem>>, vector<128x128xf32>,
    %slice3A_746 = vector.extract_strided_slice %reshape3A {offsets = [0, 42496], sizes = [32, 128], strides = [1, 1]} : vector<32x65536xf32> to vector<32x128xf32>
    %slice3A_747 = vector.extract_strided_slice %reshape3A {offsets = [0, 42624], sizes = [32, 128], strides = [1, 1]} : vector<32x65536xf32> to vector<32x128xf32>
    %slice3A_748 = vector.extract_strided_slice %reshape3A {offsets = [0, 42752], sizes = [32, 128], strides = [1, 1]} : vector<32x65536xf32> to vector<32x128xf32>
    %slice3A_749 = vector.extract_strided_slice %reshape3A {offsets = [0, 42880], sizes = [32, 128], strides = [1, 1]} : vector<32x65536xf32> to vector<32x128xf32>
    %concatenate3A_750 = tpu.concatenate %slice3A_746, %slice3A_747, %slice3A_748, %slice3A_749 in 0 : vector<32x128xf32>, vector<32x128xf32>, vector<32x128xf32>, vector<32x128xf32> -> vector<128x128xf32>
    %transpose3A_751 = tpu.transpose %concatenate3A_750, [1, 0] : vector<128x128xf32> -> vector<128x128xf32>
    %swap3A_752 = arith.constant 10624 : index
    %swap3A_753 = arith.constant 0 : index
    %swap3A_754 = vector.load %arg2[%swap3A_752, %swap3A_753] : memref<16384x128xf32, #tpu.memory_space<vmem>>, vector<128x128xf32>
    tpu.vector_store %arg2[%swap3A_752, %swap3A_753], %transpose3A_751 {strides = array<i32>} : memref<16384x128xf32, #tpu.memory_space<vmem>>, vector<128x128xf32>,
    %slice3A_755 = vector.extract_strided_slice %reshape3A {offsets = [0, 43008], sizes = [32, 128], strides = [1, 1]} : vector<32x65536xf32> to vector<32x128xf32>
    %slice3A_756 = vector.extract_strided_slice %reshape3A {offsets = [0, 43136], sizes = [32, 128], strides = [1, 1]} : vector<32x65536xf32> to vector<32x128xf32>
    %slice3A_757 = vector.extract_strided_slice %reshape3A {offsets = [0, 43264], sizes = [32, 128], strides = [1, 1]} : vector<32x65536xf32> to vector<32x128xf32>
    %slice3A_758 = vector.extract_strided_slice %reshape3A {offsets = [0, 43392], sizes = [32, 128], strides = [1, 1]} : vector<32x65536xf32> to vector<32x128xf32>
    %concatenate3A_759 = tpu.concatenate %slice3A_755, %slice3A_756, %slice3A_757, %slice3A_758 in 0 : vector<32x128xf32>, vector<32x128xf32>, vector<32x128xf32>, vector<32x128xf32> -> vector<128x128xf32>
    %transpose3A_760 = tpu.transpose %concatenate3A_759, [1, 0] : vector<128x128xf32> -> vector<128x128xf32>
    %swap3A_761 = arith.constant 10752 : index
    %swap3A_762 = arith.constant 0 : index
    %swap3A_763 = vector.load %arg2[%swap3A_761, %swap3A_762] : memref<16384x128xf32, #tpu.memory_space<vmem>>, vector<128x128xf32>
    tpu.vector_store %arg2[%swap3A_761, %swap3A_762], %transpose3A_760 {strides = array<i32>} : memref<16384x128xf32, #tpu.memory_space<vmem>>, vector<128x128xf32>,
    %slice3A_764 = vector.extract_strided_slice %reshape3A {offsets = [0, 43520], sizes = [32, 128], strides = [1, 1]} : vector<32x65536xf32> to vector<32x128xf32>
    %slice3A_765 = vector.extract_strided_slice %reshape3A {offsets = [0, 43648], sizes = [32, 128], strides = [1, 1]} : vector<32x65536xf32> to vector<32x128xf32>
    %slice3A_766 = vector.extract_strided_slice %reshape3A {offsets = [0, 43776], sizes = [32, 128], strides = [1, 1]} : vector<32x65536xf32> to vector<32x128xf32>
    %slice3A_767 = vector.extract_strided_slice %reshape3A {offsets = [0, 43904], sizes = [32, 128], strides = [1, 1]} : vector<32x65536xf32> to vector<32x128xf32>
    %concatenate3A_768 = tpu.concatenate %slice3A_764, %slice3A_765, %slice3A_766, %slice3A_767 in 0 : vector<32x128xf32>, vector<32x128xf32>, vector<32x128xf32>, vector<32x128xf32> -> vector<128x128xf32>
    %transpose3A_769 = tpu.transpose %concatenate3A_768, [1, 0] : vector<128x128xf32> -> vector<128x128xf32>
    %swap3A_770 = arith.constant 10880 : index
    %swap3A_771 = arith.constant 0 : index
    %swap3A_772 = vector.load %arg2[%swap3A_770, %swap3A_771] : memref<16384x128xf32, #tpu.memory_space<vmem>>, vector<128x128xf32>
    tpu.vector_store %arg2[%swap3A_770, %swap3A_771], %transpose3A_769 {strides = array<i32>} : memref<16384x128xf32, #tpu.memory_space<vmem>>, vector<128x128xf32>,
    %slice3A_773 = vector.extract_strided_slice %reshape3A {offsets = [0, 44032], sizes = [32, 128], strides = [1, 1]} : vector<32x65536xf32> to vector<32x128xf32>
    %slice3A_774 = vector.extract_strided_slice %reshape3A {offsets = [0, 44160], sizes = [32, 128], strides = [1, 1]} : vector<32x65536xf32> to vector<32x128xf32>
    %slice3A_775 = vector.extract_strided_slice %reshape3A {offsets = [0, 44288], sizes = [32, 128], strides = [1, 1]} : vector<32x65536xf32> to vector<32x128xf32>
    %slice3A_776 = vector.extract_strided_slice %reshape3A {offsets = [0, 44416], sizes = [32, 128], strides = [1, 1]} : vector<32x65536xf32> to vector<32x128xf32>
    %concatenate3A_777 = tpu.concatenate %slice3A_773, %slice3A_774, %slice3A_775, %slice3A_776 in 0 : vector<32x128xf32>, vector<32x128xf32>, vector<32x128xf32>, vector<32x128xf32> -> vector<128x128xf32>
    %transpose3A_778 = tpu.transpose %concatenate3A_777, [1, 0] : vector<128x128xf32> -> vector<128x128xf32>
    %swap3A_779 = arith.constant 11008 : index
    %swap3A_780 = arith.constant 0 : index
    %swap3A_781 = vector.load %arg2[%swap3A_779, %swap3A_780] : memref<16384x128xf32, #tpu.memory_space<vmem>>, vector<128x128xf32>
    tpu.vector_store %arg2[%swap3A_779, %swap3A_780], %transpose3A_778 {strides = array<i32>} : memref<16384x128xf32, #tpu.memory_space<vmem>>, vector<128x128xf32>,
    %slice3A_782 = vector.extract_strided_slice %reshape3A {offsets = [0, 44544], sizes = [32, 128], strides = [1, 1]} : vector<32x65536xf32> to vector<32x128xf32>
    %slice3A_783 = vector.extract_strided_slice %reshape3A {offsets = [0, 44672], sizes = [32, 128], strides = [1, 1]} : vector<32x65536xf32> to vector<32x128xf32>
    %slice3A_784 = vector.extract_strided_slice %reshape3A {offsets = [0, 44800], sizes = [32, 128], strides = [1, 1]} : vector<32x65536xf32> to vector<32x128xf32>
    %slice3A_785 = vector.extract_strided_slice %reshape3A {offsets = [0, 44928], sizes = [32, 128], strides = [1, 1]} : vector<32x65536xf32> to vector<32x128xf32>
    %concatenate3A_786 = tpu.concatenate %slice3A_782, %slice3A_783, %slice3A_784, %slice3A_785 in 0 : vector<32x128xf32>, vector<32x128xf32>, vector<32x128xf32>, vector<32x128xf32> -> vector<128x128xf32>
    %transpose3A_787 = tpu.transpose %concatenate3A_786, [1, 0] : vector<128x128xf32> -> vector<128x128xf32>
    %swap3A_788 = arith.constant 11136 : index
    %swap3A_789 = arith.constant 0 : index
    %swap3A_790 = vector.load %arg2[%swap3A_788, %swap3A_789] : memref<16384x128xf32, #tpu.memory_space<vmem>>, vector<128x128xf32>
    tpu.vector_store %arg2[%swap3A_788, %swap3A_789], %transpose3A_787 {strides = array<i32>} : memref<16384x128xf32, #tpu.memory_space<vmem>>, vector<128x128xf32>,
    %slice3A_791 = vector.extract_strided_slice %reshape3A {offsets = [0, 45056], sizes = [32, 128], strides = [1, 1]} : vector<32x65536xf32> to vector<32x128xf32>
    %slice3A_792 = vector.extract_strided_slice %reshape3A {offsets = [0, 45184], sizes = [32, 128], strides = [1, 1]} : vector<32x65536xf32> to vector<32x128xf32>
    %slice3A_793 = vector.extract_strided_slice %reshape3A {offsets = [0, 45312], sizes = [32, 128], strides = [1, 1]} : vector<32x65536xf32> to vector<32x128xf32>
    %slice3A_794 = vector.extract_strided_slice %reshape3A {offsets = [0, 45440], sizes = [32, 128], strides = [1, 1]} : vector<32x65536xf32> to vector<32x128xf32>
    %concatenate3A_795 = tpu.concatenate %slice3A_791, %slice3A_792, %slice3A_793, %slice3A_794 in 0 : vector<32x128xf32>, vector<32x128xf32>, vector<32x128xf32>, vector<32x128xf32> -> vector<128x128xf32>
    %transpose3A_796 = tpu.transpose %concatenate3A_795, [1, 0] : vector<128x128xf32> -> vector<128x128xf32>
    %swap3A_797 = arith.constant 11264 : index
    %swap3A_798 = arith.constant 0 : index
    %swap3A_799 = vector.load %arg2[%swap3A_797, %swap3A_798] : memref<16384x128xf32, #tpu.memory_space<vmem>>, vector<128x128xf32>
    tpu.vector_store %arg2[%swap3A_797, %swap3A_798], %transpose3A_796 {strides = array<i32>} : memref<16384x128xf32, #tpu.memory_space<vmem>>, vector<128x128xf32>,
    %slice3A_800 = vector.extract_strided_slice %reshape3A {offsets = [0, 45568], sizes = [32, 128], strides = [1, 1]} : vector<32x65536xf32> to vector<32x128xf32>
    %slice3A_801 = vector.extract_strided_slice %reshape3A {offsets = [0, 45696], sizes = [32, 128], strides = [1, 1]} : vector<32x65536xf32> to vector<32x128xf32>
    %slice3A_802 = vector.extract_strided_slice %reshape3A {offsets = [0, 45824], sizes = [32, 128], strides = [1, 1]} : vector<32x65536xf32> to vector<32x128xf32>
    %slice3A_803 = vector.extract_strided_slice %reshape3A {offsets = [0, 45952], sizes = [32, 128], strides = [1, 1]} : vector<32x65536xf32> to vector<32x128xf32>
    %concatenate3A_804 = tpu.concatenate %slice3A_800, %slice3A_801, %slice3A_802, %slice3A_803 in 0 : vector<32x128xf32>, vector<32x128xf32>, vector<32x128xf32>, vector<32x128xf32> -> vector<128x128xf32>
    %transpose3A_805 = tpu.transpose %concatenate3A_804, [1, 0] : vector<128x128xf32> -> vector<128x128xf32>
    %swap3A_806 = arith.constant 11392 : index
    %swap3A_807 = arith.constant 0 : index
    %swap3A_808 = vector.load %arg2[%swap3A_806, %swap3A_807] : memref<16384x128xf32, #tpu.memory_space<vmem>>, vector<128x128xf32>
    tpu.vector_store %arg2[%swap3A_806, %swap3A_807], %transpose3A_805 {strides = array<i32>} : memref<16384x128xf32, #tpu.memory_space<vmem>>, vector<128x128xf32>,
    %slice3A_809 = vector.extract_strided_slice %reshape3A {offsets = [0, 46080], sizes = [32, 128], strides = [1, 1]} : vector<32x65536xf32> to vector<32x128xf32>
    %slice3A_810 = vector.extract_strided_slice %reshape3A {offsets = [0, 46208], sizes = [32, 128], strides = [1, 1]} : vector<32x65536xf32> to vector<32x128xf32>
    %slice3A_811 = vector.extract_strided_slice %reshape3A {offsets = [0, 46336], sizes = [32, 128], strides = [1, 1]} : vector<32x65536xf32> to vector<32x128xf32>
    %slice3A_812 = vector.extract_strided_slice %reshape3A {offsets = [0, 46464], sizes = [32, 128], strides = [1, 1]} : vector<32x65536xf32> to vector<32x128xf32>
    %concatenate3A_813 = tpu.concatenate %slice3A_809, %slice3A_810, %slice3A_811, %slice3A_812 in 0 : vector<32x128xf32>, vector<32x128xf32>, vector<32x128xf32>, vector<32x128xf32> -> vector<128x128xf32>
    %transpose3A_814 = tpu.transpose %concatenate3A_813, [1, 0] : vector<128x128xf32> -> vector<128x128xf32>
    %swap3A_815 = arith.constant 11520 : index
    %swap3A_816 = arith.constant 0 : index
    %swap3A_817 = vector.load %arg2[%swap3A_815, %swap3A_816] : memref<16384x128xf32, #tpu.memory_space<vmem>>, vector<128x128xf32>
    tpu.vector_store %arg2[%swap3A_815, %swap3A_816], %transpose3A_814 {strides = array<i32>} : memref<16384x128xf32, #tpu.memory_space<vmem>>, vector<128x128xf32>,
    %slice3A_818 = vector.extract_strided_slice %reshape3A {offsets = [0, 46592], sizes = [32, 128], strides = [1, 1]} : vector<32x65536xf32> to vector<32x128xf32>
    %slice3A_819 = vector.extract_strided_slice %reshape3A {offsets = [0, 46720], sizes = [32, 128], strides = [1, 1]} : vector<32x65536xf32> to vector<32x128xf32>
    %slice3A_820 = vector.extract_strided_slice %reshape3A {offsets = [0, 46848], sizes = [32, 128], strides = [1, 1]} : vector<32x65536xf32> to vector<32x128xf32>
    %slice3A_821 = vector.extract_strided_slice %reshape3A {offsets = [0, 46976], sizes = [32, 128], strides = [1, 1]} : vector<32x65536xf32> to vector<32x128xf32>
    %concatenate3A_822 = tpu.concatenate %slice3A_818, %slice3A_819, %slice3A_820, %slice3A_821 in 0 : vector<32x128xf32>, vector<32x128xf32>, vector<32x128xf32>, vector<32x128xf32> -> vector<128x128xf32>
    %transpose3A_823 = tpu.transpose %concatenate3A_822, [1, 0] : vector<128x128xf32> -> vector<128x128xf32>
    %swap3A_824 = arith.constant 11648 : index
    %swap3A_825 = arith.constant 0 : index
    %swap3A_826 = vector.load %arg2[%swap3A_824, %swap3A_825] : memref<16384x128xf32, #tpu.memory_space<vmem>>, vector<128x128xf32>
    tpu.vector_store %arg2[%swap3A_824, %swap3A_825], %transpose3A_823 {strides = array<i32>} : memref<16384x128xf32, #tpu.memory_space<vmem>>, vector<128x128xf32>,
    %slice3A_827 = vector.extract_strided_slice %reshape3A {offsets = [0, 47104], sizes = [32, 128], strides = [1, 1]} : vector<32x65536xf32> to vector<32x128xf32>
    %slice3A_828 = vector.extract_strided_slice %reshape3A {offsets = [0, 47232], sizes = [32, 128], strides = [1, 1]} : vector<32x65536xf32> to vector<32x128xf32>
    %slice3A_829 = vector.extract_strided_slice %reshape3A {offsets = [0, 47360], sizes = [32, 128], strides = [1, 1]} : vector<32x65536xf32> to vector<32x128xf32>
    %slice3A_830 = vector.extract_strided_slice %reshape3A {offsets = [0, 47488], sizes = [32, 128], strides = [1, 1]} : vector<32x65536xf32> to vector<32x128xf32>
    %concatenate3A_831 = tpu.concatenate %slice3A_827, %slice3A_828, %slice3A_829, %slice3A_830 in 0 : vector<32x128xf32>, vector<32x128xf32>, vector<32x128xf32>, vector<32x128xf32> -> vector<128x128xf32>
    %transpose3A_832 = tpu.transpose %concatenate3A_831, [1, 0] : vector<128x128xf32> -> vector<128x128xf32>
    %swap3A_833 = arith.constant 11776 : index
    %swap3A_834 = arith.constant 0 : index
    %swap3A_835 = vector.load %arg2[%swap3A_833, %swap3A_834] : memref<16384x128xf32, #tpu.memory_space<vmem>>, vector<128x128xf32>
    tpu.vector_store %arg2[%swap3A_833, %swap3A_834], %transpose3A_832 {strides = array<i32>} : memref<16384x128xf32, #tpu.memory_space<vmem>>, vector<128x128xf32>,
    %slice3A_836 = vector.extract_strided_slice %reshape3A {offsets = [0, 47616], sizes = [32, 128], strides = [1, 1]} : vector<32x65536xf32> to vector<32x128xf32>
    %slice3A_837 = vector.extract_strided_slice %reshape3A {offsets = [0, 47744], sizes = [32, 128], strides = [1, 1]} : vector<32x65536xf32> to vector<32x128xf32>
    %slice3A_838 = vector.extract_strided_slice %reshape3A {offsets = [0, 47872], sizes = [32, 128], strides = [1, 1]} : vector<32x65536xf32> to vector<32x128xf32>
    %slice3A_839 = vector.extract_strided_slice %reshape3A {offsets = [0, 48000], sizes = [32, 128], strides = [1, 1]} : vector<32x65536xf32> to vector<32x128xf32>
    %concatenate3A_840 = tpu.concatenate %slice3A_836, %slice3A_837, %slice3A_838, %slice3A_839 in 0 : vector<32x128xf32>, vector<32x128xf32>, vector<32x128xf32>, vector<32x128xf32> -> vector<128x128xf32>
    %transpose3A_841 = tpu.transpose %concatenate3A_840, [1, 0] : vector<128x128xf32> -> vector<128x128xf32>
    %swap3A_842 = arith.constant 11904 : index
    %swap3A_843 = arith.constant 0 : index
    %swap3A_844 = vector.load %arg2[%swap3A_842, %swap3A_843] : memref<16384x128xf32, #tpu.memory_space<vmem>>, vector<128x128xf32>
    tpu.vector_store %arg2[%swap3A_842, %swap3A_843], %transpose3A_841 {strides = array<i32>} : memref<16384x128xf32, #tpu.memory_space<vmem>>, vector<128x128xf32>,
    %slice3A_845 = vector.extract_strided_slice %reshape3A {offsets = [0, 48128], sizes = [32, 128], strides = [1, 1]} : vector<32x65536xf32> to vector<32x128xf32>
    %slice3A_846 = vector.extract_strided_slice %reshape3A {offsets = [0, 48256], sizes = [32, 128], strides = [1, 1]} : vector<32x65536xf32> to vector<32x128xf32>
    %slice3A_847 = vector.extract_strided_slice %reshape3A {offsets = [0, 48384], sizes = [32, 128], strides = [1, 1]} : vector<32x65536xf32> to vector<32x128xf32>
    %slice3A_848 = vector.extract_strided_slice %reshape3A {offsets = [0, 48512], sizes = [32, 128], strides = [1, 1]} : vector<32x65536xf32> to vector<32x128xf32>
    %concatenate3A_849 = tpu.concatenate %slice3A_845, %slice3A_846, %slice3A_847, %slice3A_848 in 0 : vector<32x128xf32>, vector<32x128xf32>, vector<32x128xf32>, vector<32x128xf32> -> vector<128x128xf32>
    %transpose3A_850 = tpu.transpose %concatenate3A_849, [1, 0] : vector<128x128xf32> -> vector<128x128xf32>
    %swap3A_851 = arith.constant 12032 : index
    %swap3A_852 = arith.constant 0 : index
    %swap3A_853 = vector.load %arg2[%swap3A_851, %swap3A_852] : memref<16384x128xf32, #tpu.memory_space<vmem>>, vector<128x128xf32>
    tpu.vector_store %arg2[%swap3A_851, %swap3A_852], %transpose3A_850 {strides = array<i32>} : memref<16384x128xf32, #tpu.memory_space<vmem>>, vector<128x128xf32>,
    %slice3A_854 = vector.extract_strided_slice %reshape3A {offsets = [0, 48640], sizes = [32, 128], strides = [1, 1]} : vector<32x65536xf32> to vector<32x128xf32>
    %slice3A_855 = vector.extract_strided_slice %reshape3A {offsets = [0, 48768], sizes = [32, 128], strides = [1, 1]} : vector<32x65536xf32> to vector<32x128xf32>
    %slice3A_856 = vector.extract_strided_slice %reshape3A {offsets = [0, 48896], sizes = [32, 128], strides = [1, 1]} : vector<32x65536xf32> to vector<32x128xf32>
    %slice3A_857 = vector.extract_strided_slice %reshape3A {offsets = [0, 49024], sizes = [32, 128], strides = [1, 1]} : vector<32x65536xf32> to vector<32x128xf32>
    %concatenate3A_858 = tpu.concatenate %slice3A_854, %slice3A_855, %slice3A_856, %slice3A_857 in 0 : vector<32x128xf32>, vector<32x128xf32>, vector<32x128xf32>, vector<32x128xf32> -> vector<128x128xf32>
    %transpose3A_859 = tpu.transpose %concatenate3A_858, [1, 0] : vector<128x128xf32> -> vector<128x128xf32>
    %swap3A_860 = arith.constant 12160 : index
    %swap3A_861 = arith.constant 0 : index
    %swap3A_862 = vector.load %arg2[%swap3A_860, %swap3A_861] : memref<16384x128xf32, #tpu.memory_space<vmem>>, vector<128x128xf32>
    tpu.vector_store %arg2[%swap3A_860, %swap3A_861], %transpose3A_859 {strides = array<i32>} : memref<16384x128xf32, #tpu.memory_space<vmem>>, vector<128x128xf32>,
    %slice3A_863 = vector.extract_strided_slice %reshape3A {offsets = [0, 49152], sizes = [32, 128], strides = [1, 1]} : vector<32x65536xf32> to vector<32x128xf32>
    %slice3A_864 = vector.extract_strided_slice %reshape3A {offsets = [0, 49280], sizes = [32, 128], strides = [1, 1]} : vector<32x65536xf32> to vector<32x128xf32>
    %slice3A_865 = vector.extract_strided_slice %reshape3A {offsets = [0, 49408], sizes = [32, 128], strides = [1, 1]} : vector<32x65536xf32> to vector<32x128xf32>
    %slice3A_866 = vector.extract_strided_slice %reshape3A {offsets = [0, 49536], sizes = [32, 128], strides = [1, 1]} : vector<32x65536xf32> to vector<32x128xf32>
    %concatenate3A_867 = tpu.concatenate %slice3A_863, %slice3A_864, %slice3A_865, %slice3A_866 in 0 : vector<32x128xf32>, vector<32x128xf32>, vector<32x128xf32>, vector<32x128xf32> -> vector<128x128xf32>
    %transpose3A_868 = tpu.transpose %concatenate3A_867, [1, 0] : vector<128x128xf32> -> vector<128x128xf32>
    %swap3A_869 = arith.constant 12288 : index
    %swap3A_870 = arith.constant 0 : index
    %swap3A_871 = vector.load %arg2[%swap3A_869, %swap3A_870] : memref<16384x128xf32, #tpu.memory_space<vmem>>, vector<128x128xf32>
    tpu.vector_store %arg2[%swap3A_869, %swap3A_870], %transpose3A_868 {strides = array<i32>} : memref<16384x128xf32, #tpu.memory_space<vmem>>, vector<128x128xf32>,
    %slice3A_872 = vector.extract_strided_slice %reshape3A {offsets = [0, 49664], sizes = [32, 128], strides = [1, 1]} : vector<32x65536xf32> to vector<32x128xf32>
    %slice3A_873 = vector.extract_strided_slice %reshape3A {offsets = [0, 49792], sizes = [32, 128], strides = [1, 1]} : vector<32x65536xf32> to vector<32x128xf32>
    %slice3A_874 = vector.extract_strided_slice %reshape3A {offsets = [0, 49920], sizes = [32, 128], strides = [1, 1]} : vector<32x65536xf32> to vector<32x128xf32>
    %slice3A_875 = vector.extract_strided_slice %reshape3A {offsets = [0, 50048], sizes = [32, 128], strides = [1, 1]} : vector<32x65536xf32> to vector<32x128xf32>
    %concatenate3A_876 = tpu.concatenate %slice3A_872, %slice3A_873, %slice3A_874, %slice3A_875 in 0 : vector<32x128xf32>, vector<32x128xf32>, vector<32x128xf32>, vector<32x128xf32> -> vector<128x128xf32>
    %transpose3A_877 = tpu.transpose %concatenate3A_876, [1, 0] : vector<128x128xf32> -> vector<128x128xf32>
    %swap3A_878 = arith.constant 12416 : index
    %swap3A_879 = arith.constant 0 : index
    %swap3A_880 = vector.load %arg2[%swap3A_878, %swap3A_879] : memref<16384x128xf32, #tpu.memory_space<vmem>>, vector<128x128xf32>
    tpu.vector_store %arg2[%swap3A_878, %swap3A_879], %transpose3A_877 {strides = array<i32>} : memref<16384x128xf32, #tpu.memory_space<vmem>>, vector<128x128xf32>,
    %slice3A_881 = vector.extract_strided_slice %reshape3A {offsets = [0, 50176], sizes = [32, 128], strides = [1, 1]} : vector<32x65536xf32> to vector<32x128xf32>
    %slice3A_882 = vector.extract_strided_slice %reshape3A {offsets = [0, 50304], sizes = [32, 128], strides = [1, 1]} : vector<32x65536xf32> to vector<32x128xf32>
    %slice3A_883 = vector.extract_strided_slice %reshape3A {offsets = [0, 50432], sizes = [32, 128], strides = [1, 1]} : vector<32x65536xf32> to vector<32x128xf32>
    %slice3A_884 = vector.extract_strided_slice %reshape3A {offsets = [0, 50560], sizes = [32, 128], strides = [1, 1]} : vector<32x65536xf32> to vector<32x128xf32>
    %concatenate3A_885 = tpu.concatenate %slice3A_881, %slice3A_882, %slice3A_883, %slice3A_884 in 0 : vector<32x128xf32>, vector<32x128xf32>, vector<32x128xf32>, vector<32x128xf32> -> vector<128x128xf32>
    %transpose3A_886 = tpu.transpose %concatenate3A_885, [1, 0] : vector<128x128xf32> -> vector<128x128xf32>
    %swap3A_887 = arith.constant 12544 : index
    %swap3A_888 = arith.constant 0 : index
    %swap3A_889 = vector.load %arg2[%swap3A_887, %swap3A_888] : memref<16384x128xf32, #tpu.memory_space<vmem>>, vector<128x128xf32>
    tpu.vector_store %arg2[%swap3A_887, %swap3A_888], %transpose3A_886 {strides = array<i32>} : memref<16384x128xf32, #tpu.memory_space<vmem>>, vector<128x128xf32>,
    %slice3A_890 = vector.extract_strided_slice %reshape3A {offsets = [0, 50688], sizes = [32, 128], strides = [1, 1]} : vector<32x65536xf32> to vector<32x128xf32>
    %slice3A_891 = vector.extract_strided_slice %reshape3A {offsets = [0, 50816], sizes = [32, 128], strides = [1, 1]} : vector<32x65536xf32> to vector<32x128xf32>
    %slice3A_892 = vector.extract_strided_slice %reshape3A {offsets = [0, 50944], sizes = [32, 128], strides = [1, 1]} : vector<32x65536xf32> to vector<32x128xf32>
    %slice3A_893 = vector.extract_strided_slice %reshape3A {offsets = [0, 51072], sizes = [32, 128], strides = [1, 1]} : vector<32x65536xf32> to vector<32x128xf32>
    %concatenate3A_894 = tpu.concatenate %slice3A_890, %slice3A_891, %slice3A_892, %slice3A_893 in 0 : vector<32x128xf32>, vector<32x128xf32>, vector<32x128xf32>, vector<32x128xf32> -> vector<128x128xf32>
    %transpose3A_895 = tpu.transpose %concatenate3A_894, [1, 0] : vector<128x128xf32> -> vector<128x128xf32>
    %swap3A_896 = arith.constant 12672 : index
    %swap3A_897 = arith.constant 0 : index
    %swap3A_898 = vector.load %arg2[%swap3A_896, %swap3A_897] : memref<16384x128xf32, #tpu.memory_space<vmem>>, vector<128x128xf32>
    tpu.vector_store %arg2[%swap3A_896, %swap3A_897], %transpose3A_895 {strides = array<i32>} : memref<16384x128xf32, #tpu.memory_space<vmem>>, vector<128x128xf32>,
    %slice3A_899 = vector.extract_strided_slice %reshape3A {offsets = [0, 51200], sizes = [32, 128], strides = [1, 1]} : vector<32x65536xf32> to vector<32x128xf32>
    %slice3A_900 = vector.extract_strided_slice %reshape3A {offsets = [0, 51328], sizes = [32, 128], strides = [1, 1]} : vector<32x65536xf32> to vector<32x128xf32>
    %slice3A_901 = vector.extract_strided_slice %reshape3A {offsets = [0, 51456], sizes = [32, 128], strides = [1, 1]} : vector<32x65536xf32> to vector<32x128xf32>
    %slice3A_902 = vector.extract_strided_slice %reshape3A {offsets = [0, 51584], sizes = [32, 128], strides = [1, 1]} : vector<32x65536xf32> to vector<32x128xf32>
    %concatenate3A_903 = tpu.concatenate %slice3A_899, %slice3A_900, %slice3A_901, %slice3A_902 in 0 : vector<32x128xf32>, vector<32x128xf32>, vector<32x128xf32>, vector<32x128xf32> -> vector<128x128xf32>
    %transpose3A_904 = tpu.transpose %concatenate3A_903, [1, 0] : vector<128x128xf32> -> vector<128x128xf32>
    %swap3A_905 = arith.constant 12800 : index
    %swap3A_906 = arith.constant 0 : index
    %swap3A_907 = vector.load %arg2[%swap3A_905, %swap3A_906] : memref<16384x128xf32, #tpu.memory_space<vmem>>, vector<128x128xf32>
    tpu.vector_store %arg2[%swap3A_905, %swap3A_906], %transpose3A_904 {strides = array<i32>} : memref<16384x128xf32, #tpu.memory_space<vmem>>, vector<128x128xf32>,
    %slice3A_908 = vector.extract_strided_slice %reshape3A {offsets = [0, 51712], sizes = [32, 128], strides = [1, 1]} : vector<32x65536xf32> to vector<32x128xf32>
    %slice3A_909 = vector.extract_strided_slice %reshape3A {offsets = [0, 51840], sizes = [32, 128], strides = [1, 1]} : vector<32x65536xf32> to vector<32x128xf32>
    %slice3A_910 = vector.extract_strided_slice %reshape3A {offsets = [0, 51968], sizes = [32, 128], strides = [1, 1]} : vector<32x65536xf32> to vector<32x128xf32>
    %slice3A_911 = vector.extract_strided_slice %reshape3A {offsets = [0, 52096], sizes = [32, 128], strides = [1, 1]} : vector<32x65536xf32> to vector<32x128xf32>
    %concatenate3A_912 = tpu.concatenate %slice3A_908, %slice3A_909, %slice3A_910, %slice3A_911 in 0 : vector<32x128xf32>, vector<32x128xf32>, vector<32x128xf32>, vector<32x128xf32> -> vector<128x128xf32>
    %transpose3A_913 = tpu.transpose %concatenate3A_912, [1, 0] : vector<128x128xf32> -> vector<128x128xf32>
    %swap3A_914 = arith.constant 12928 : index
    %swap3A_915 = arith.constant 0 : index
    %swap3A_916 = vector.load %arg2[%swap3A_914, %swap3A_915] : memref<16384x128xf32, #tpu.memory_space<vmem>>, vector<128x128xf32>
    tpu.vector_store %arg2[%swap3A_914, %swap3A_915], %transpose3A_913 {strides = array<i32>} : memref<16384x128xf32, #tpu.memory_space<vmem>>, vector<128x128xf32>,
    %slice3A_917 = vector.extract_strided_slice %reshape3A {offsets = [0, 52224], sizes = [32, 128], strides = [1, 1]} : vector<32x65536xf32> to vector<32x128xf32>
    %slice3A_918 = vector.extract_strided_slice %reshape3A {offsets = [0, 52352], sizes = [32, 128], strides = [1, 1]} : vector<32x65536xf32> to vector<32x128xf32>
    %slice3A_919 = vector.extract_strided_slice %reshape3A {offsets = [0, 52480], sizes = [32, 128], strides = [1, 1]} : vector<32x65536xf32> to vector<32x128xf32>
    %slice3A_920 = vector.extract_strided_slice %reshape3A {offsets = [0, 52608], sizes = [32, 128], strides = [1, 1]} : vector<32x65536xf32> to vector<32x128xf32>
    %concatenate3A_921 = tpu.concatenate %slice3A_917, %slice3A_918, %slice3A_919, %slice3A_920 in 0 : vector<32x128xf32>, vector<32x128xf32>, vector<32x128xf32>, vector<32x128xf32> -> vector<128x128xf32>
    %transpose3A_922 = tpu.transpose %concatenate3A_921, [1, 0] : vector<128x128xf32> -> vector<128x128xf32>
    %swap3A_923 = arith.constant 13056 : index
    %swap3A_924 = arith.constant 0 : index
    %swap3A_925 = vector.load %arg2[%swap3A_923, %swap3A_924] : memref<16384x128xf32, #tpu.memory_space<vmem>>, vector<128x128xf32>
    tpu.vector_store %arg2[%swap3A_923, %swap3A_924], %transpose3A_922 {strides = array<i32>} : memref<16384x128xf32, #tpu.memory_space<vmem>>, vector<128x128xf32>,
    %slice3A_926 = vector.extract_strided_slice %reshape3A {offsets = [0, 52736], sizes = [32, 128], strides = [1, 1]} : vector<32x65536xf32> to vector<32x128xf32>
    %slice3A_927 = vector.extract_strided_slice %reshape3A {offsets = [0, 52864], sizes = [32, 128], strides = [1, 1]} : vector<32x65536xf32> to vector<32x128xf32>
    %slice3A_928 = vector.extract_strided_slice %reshape3A {offsets = [0, 52992], sizes = [32, 128], strides = [1, 1]} : vector<32x65536xf32> to vector<32x128xf32>
    %slice3A_929 = vector.extract_strided_slice %reshape3A {offsets = [0, 53120], sizes = [32, 128], strides = [1, 1]} : vector<32x65536xf32> to vector<32x128xf32>
    %concatenate3A_930 = tpu.concatenate %slice3A_926, %slice3A_927, %slice3A_928, %slice3A_929 in 0 : vector<32x128xf32>, vector<32x128xf32>, vector<32x128xf32>, vector<32x128xf32> -> vector<128x128xf32>
    %transpose3A_931 = tpu.transpose %concatenate3A_930, [1, 0] : vector<128x128xf32> -> vector<128x128xf32>
    %swap3A_932 = arith.constant 13184 : index
    %swap3A_933 = arith.constant 0 : index
    %swap3A_934 = vector.load %arg2[%swap3A_932, %swap3A_933] : memref<16384x128xf32, #tpu.memory_space<vmem>>, vector<128x128xf32>
    tpu.vector_store %arg2[%swap3A_932, %swap3A_933], %transpose3A_931 {strides = array<i32>} : memref<16384x128xf32, #tpu.memory_space<vmem>>, vector<128x128xf32>,
    %slice3A_935 = vector.extract_strided_slice %reshape3A {offsets = [0, 53248], sizes = [32, 128], strides = [1, 1]} : vector<32x65536xf32> to vector<32x128xf32>
    %slice3A_936 = vector.extract_strided_slice %reshape3A {offsets = [0, 53376], sizes = [32, 128], strides = [1, 1]} : vector<32x65536xf32> to vector<32x128xf32>
    %slice3A_937 = vector.extract_strided_slice %reshape3A {offsets = [0, 53504], sizes = [32, 128], strides = [1, 1]} : vector<32x65536xf32> to vector<32x128xf32>
    %slice3A_938 = vector.extract_strided_slice %reshape3A {offsets = [0, 53632], sizes = [32, 128], strides = [1, 1]} : vector<32x65536xf32> to vector<32x128xf32>
    %concatenate3A_939 = tpu.concatenate %slice3A_935, %slice3A_936, %slice3A_937, %slice3A_938 in 0 : vector<32x128xf32>, vector<32x128xf32>, vector<32x128xf32>, vector<32x128xf32> -> vector<128x128xf32>
    %transpose3A_940 = tpu.transpose %concatenate3A_939, [1, 0] : vector<128x128xf32> -> vector<128x128xf32>
    %swap3A_941 = arith.constant 13312 : index
    %swap3A_942 = arith.constant 0 : index
    %swap3A_943 = vector.load %arg2[%swap3A_941, %swap3A_942] : memref<16384x128xf32, #tpu.memory_space<vmem>>, vector<128x128xf32>
    tpu.vector_store %arg2[%swap3A_941, %swap3A_942], %transpose3A_940 {strides = array<i32>} : memref<16384x128xf32, #tpu.memory_space<vmem>>, vector<128x128xf32>,
    %slice3A_944 = vector.extract_strided_slice %reshape3A {offsets = [0, 53760], sizes = [32, 128], strides = [1, 1]} : vector<32x65536xf32> to vector<32x128xf32>
    %slice3A_945 = vector.extract_strided_slice %reshape3A {offsets = [0, 53888], sizes = [32, 128], strides = [1, 1]} : vector<32x65536xf32> to vector<32x128xf32>
    %slice3A_946 = vector.extract_strided_slice %reshape3A {offsets = [0, 54016], sizes = [32, 128], strides = [1, 1]} : vector<32x65536xf32> to vector<32x128xf32>
    %slice3A_947 = vector.extract_strided_slice %reshape3A {offsets = [0, 54144], sizes = [32, 128], strides = [1, 1]} : vector<32x65536xf32> to vector<32x128xf32>
    %concatenate3A_948 = tpu.concatenate %slice3A_944, %slice3A_945, %slice3A_946, %slice3A_947 in 0 : vector<32x128xf32>, vector<32x128xf32>, vector<32x128xf32>, vector<32x128xf32> -> vector<128x128xf32>
    %transpose3A_949 = tpu.transpose %concatenate3A_948, [1, 0] : vector<128x128xf32> -> vector<128x128xf32>
    %swap3A_950 = arith.constant 13440 : index
    %swap3A_951 = arith.constant 0 : index
    %swap3A_952 = vector.load %arg2[%swap3A_950, %swap3A_951] : memref<16384x128xf32, #tpu.memory_space<vmem>>, vector<128x128xf32>
    tpu.vector_store %arg2[%swap3A_950, %swap3A_951], %transpose3A_949 {strides = array<i32>} : memref<16384x128xf32, #tpu.memory_space<vmem>>, vector<128x128xf32>,
    %slice3A_953 = vector.extract_strided_slice %reshape3A {offsets = [0, 54272], sizes = [32, 128], strides = [1, 1]} : vector<32x65536xf32> to vector<32x128xf32>
    %slice3A_954 = vector.extract_strided_slice %reshape3A {offsets = [0, 54400], sizes = [32, 128], strides = [1, 1]} : vector<32x65536xf32> to vector<32x128xf32>
    %slice3A_955 = vector.extract_strided_slice %reshape3A {offsets = [0, 54528], sizes = [32, 128], strides = [1, 1]} : vector<32x65536xf32> to vector<32x128xf32>
    %slice3A_956 = vector.extract_strided_slice %reshape3A {offsets = [0, 54656], sizes = [32, 128], strides = [1, 1]} : vector<32x65536xf32> to vector<32x128xf32>
    %concatenate3A_957 = tpu.concatenate %slice3A_953, %slice3A_954, %slice3A_955, %slice3A_956 in 0 : vector<32x128xf32>, vector<32x128xf32>, vector<32x128xf32>, vector<32x128xf32> -> vector<128x128xf32>
    %transpose3A_958 = tpu.transpose %concatenate3A_957, [1, 0] : vector<128x128xf32> -> vector<128x128xf32>
    %swap3A_959 = arith.constant 13568 : index
    %swap3A_960 = arith.constant 0 : index
    %swap3A_961 = vector.load %arg2[%swap3A_959, %swap3A_960] : memref<16384x128xf32, #tpu.memory_space<vmem>>, vector<128x128xf32>
    tpu.vector_store %arg2[%swap3A_959, %swap3A_960], %transpose3A_958 {strides = array<i32>} : memref<16384x128xf32, #tpu.memory_space<vmem>>, vector<128x128xf32>,
    %slice3A_962 = vector.extract_strided_slice %reshape3A {offsets = [0, 54784], sizes = [32, 128], strides = [1, 1]} : vector<32x65536xf32> to vector<32x128xf32>
    %slice3A_963 = vector.extract_strided_slice %reshape3A {offsets = [0, 54912], sizes = [32, 128], strides = [1, 1]} : vector<32x65536xf32> to vector<32x128xf32>
    %slice3A_964 = vector.extract_strided_slice %reshape3A {offsets = [0, 55040], sizes = [32, 128], strides = [1, 1]} : vector<32x65536xf32> to vector<32x128xf32>
    %slice3A_965 = vector.extract_strided_slice %reshape3A {offsets = [0, 55168], sizes = [32, 128], strides = [1, 1]} : vector<32x65536xf32> to vector<32x128xf32>
    %concatenate3A_966 = tpu.concatenate %slice3A_962, %slice3A_963, %slice3A_964, %slice3A_965 in 0 : vector<32x128xf32>, vector<32x128xf32>, vector<32x128xf32>, vector<32x128xf32> -> vector<128x128xf32>
    %transpose3A_967 = tpu.transpose %concatenate3A_966, [1, 0] : vector<128x128xf32> -> vector<128x128xf32>
    %swap3A_968 = arith.constant 13696 : index
    %swap3A_969 = arith.constant 0 : index
    %swap3A_970 = vector.load %arg2[%swap3A_968, %swap3A_969] : memref<16384x128xf32, #tpu.memory_space<vmem>>, vector<128x128xf32>
    tpu.vector_store %arg2[%swap3A_968, %swap3A_969], %transpose3A_967 {strides = array<i32>} : memref<16384x128xf32, #tpu.memory_space<vmem>>, vector<128x128xf32>,
    %slice3A_971 = vector.extract_strided_slice %reshape3A {offsets = [0, 55296], sizes = [32, 128], strides = [1, 1]} : vector<32x65536xf32> to vector<32x128xf32>
    %slice3A_972 = vector.extract_strided_slice %reshape3A {offsets = [0, 55424], sizes = [32, 128], strides = [1, 1]} : vector<32x65536xf32> to vector<32x128xf32>
    %slice3A_973 = vector.extract_strided_slice %reshape3A {offsets = [0, 55552], sizes = [32, 128], strides = [1, 1]} : vector<32x65536xf32> to vector<32x128xf32>
    %slice3A_974 = vector.extract_strided_slice %reshape3A {offsets = [0, 55680], sizes = [32, 128], strides = [1, 1]} : vector<32x65536xf32> to vector<32x128xf32>
    %concatenate3A_975 = tpu.concatenate %slice3A_971, %slice3A_972, %slice3A_973, %slice3A_974 in 0 : vector<32x128xf32>, vector<32x128xf32>, vector<32x128xf32>, vector<32x128xf32> -> vector<128x128xf32>
    %transpose3A_976 = tpu.transpose %concatenate3A_975, [1, 0] : vector<128x128xf32> -> vector<128x128xf32>
    %swap3A_977 = arith.constant 13824 : index
    %swap3A_978 = arith.constant 0 : index
    %swap3A_979 = vector.load %arg2[%swap3A_977, %swap3A_978] : memref<16384x128xf32, #tpu.memory_space<vmem>>, vector<128x128xf32>
    tpu.vector_store %arg2[%swap3A_977, %swap3A_978], %transpose3A_976 {strides = array<i32>} : memref<16384x128xf32, #tpu.memory_space<vmem>>, vector<128x128xf32>,
    %slice3A_980 = vector.extract_strided_slice %reshape3A {offsets = [0, 55808], sizes = [32, 128], strides = [1, 1]} : vector<32x65536xf32> to vector<32x128xf32>
    %slice3A_981 = vector.extract_strided_slice %reshape3A {offsets = [0, 55936], sizes = [32, 128], strides = [1, 1]} : vector<32x65536xf32> to vector<32x128xf32>
    %slice3A_982 = vector.extract_strided_slice %reshape3A {offsets = [0, 56064], sizes = [32, 128], strides = [1, 1]} : vector<32x65536xf32> to vector<32x128xf32>
    %slice3A_983 = vector.extract_strided_slice %reshape3A {offsets = [0, 56192], sizes = [32, 128], strides = [1, 1]} : vector<32x65536xf32> to vector<32x128xf32>
    %concatenate3A_984 = tpu.concatenate %slice3A_980, %slice3A_981, %slice3A_982, %slice3A_983 in 0 : vector<32x128xf32>, vector<32x128xf32>, vector<32x128xf32>, vector<32x128xf32> -> vector<128x128xf32>
    %transpose3A_985 = tpu.transpose %concatenate3A_984, [1, 0] : vector<128x128xf32> -> vector<128x128xf32>
    %swap3A_986 = arith.constant 13952 : index
    %swap3A_987 = arith.constant 0 : index
    %swap3A_988 = vector.load %arg2[%swap3A_986, %swap3A_987] : memref<16384x128xf32, #tpu.memory_space<vmem>>, vector<128x128xf32>
    tpu.vector_store %arg2[%swap3A_986, %swap3A_987], %transpose3A_985 {strides = array<i32>} : memref<16384x128xf32, #tpu.memory_space<vmem>>, vector<128x128xf32>,
    %slice3A_989 = vector.extract_strided_slice %reshape3A {offsets = [0, 56320], sizes = [32, 128], strides = [1, 1]} : vector<32x65536xf32> to vector<32x128xf32>
    %slice3A_990 = vector.extract_strided_slice %reshape3A {offsets = [0, 56448], sizes = [32, 128], strides = [1, 1]} : vector<32x65536xf32> to vector<32x128xf32>
    %slice3A_991 = vector.extract_strided_slice %reshape3A {offsets = [0, 56576], sizes = [32, 128], strides = [1, 1]} : vector<32x65536xf32> to vector<32x128xf32>
    %slice3A_992 = vector.extract_strided_slice %reshape3A {offsets = [0, 56704], sizes = [32, 128], strides = [1, 1]} : vector<32x65536xf32> to vector<32x128xf32>
    %concatenate3A_993 = tpu.concatenate %slice3A_989, %slice3A_990, %slice3A_991, %slice3A_992 in 0 : vector<32x128xf32>, vector<32x128xf32>, vector<32x128xf32>, vector<32x128xf32> -> vector<128x128xf32>
    %transpose3A_994 = tpu.transpose %concatenate3A_993, [1, 0] : vector<128x128xf32> -> vector<128x128xf32>
    %swap3A_995 = arith.constant 14080 : index
    %swap3A_996 = arith.constant 0 : index
    %swap3A_997 = vector.load %arg2[%swap3A_995, %swap3A_996] : memref<16384x128xf32, #tpu.memory_space<vmem>>, vector<128x128xf32>
    tpu.vector_store %arg2[%swap3A_995, %swap3A_996], %transpose3A_994 {strides = array<i32>} : memref<16384x128xf32, #tpu.memory_space<vmem>>, vector<128x128xf32>,
    %slice3A_998 = vector.extract_strided_slice %reshape3A {offsets = [0, 56832], sizes = [32, 128], strides = [1, 1]} : vector<32x65536xf32> to vector<32x128xf32>
    %slice3A_999 = vector.extract_strided_slice %reshape3A {offsets = [0, 56960], sizes = [32, 128], strides = [1, 1]} : vector<32x65536xf32> to vector<32x128xf32>
    %slice3A_1000 = vector.extract_strided_slice %reshape3A {offsets = [0, 57088], sizes = [32, 128], strides = [1, 1]} : vector<32x65536xf32> to vector<32x128xf32>
    %slice3A_1001 = vector.extract_strided_slice %reshape3A {offsets = [0, 57216], sizes = [32, 128], strides = [1, 1]} : vector<32x65536xf32> to vector<32x128xf32>
    %concatenate3A_1002 = tpu.concatenate %slice3A_998, %slice3A_999, %slice3A_1000, %slice3A_1001 in 0 : vector<32x128xf32>, vector<32x128xf32>, vector<32x128xf32>, vector<32x128xf32> -> vector<128x128xf32>
    %transpose3A_1003 = tpu.transpose %concatenate3A_1002, [1, 0] : vector<128x128xf32> -> vector<128x128xf32>
    %swap3A_1004 = arith.constant 14208 : index
    %swap3A_1005 = arith.constant 0 : index
    %swap3A_1006 = vector.load %arg2[%swap3A_1004, %swap3A_1005] : memref<16384x128xf32, #tpu.memory_space<vmem>>, vector<128x128xf32>
    tpu.vector_store %arg2[%swap3A_1004, %swap3A_1005], %transpose3A_1003 {strides = array<i32>} : memref<16384x128xf32, #tpu.memory_space<vmem>>, vector<128x128xf32>,
    %slice3A_1007 = vector.extract_strided_slice %reshape3A {offsets = [0, 57344], sizes = [32, 128], strides = [1, 1]} : vector<32x65536xf32> to vector<32x128xf32>
    %slice3A_1008 = vector.extract_strided_slice %reshape3A {offsets = [0, 57472], sizes = [32, 128], strides = [1, 1]} : vector<32x65536xf32> to vector<32x128xf32>
    %slice3A_1009 = vector.extract_strided_slice %reshape3A {offsets = [0, 57600], sizes = [32, 128], strides = [1, 1]} : vector<32x65536xf32> to vector<32x128xf32>
    %slice3A_1010 = vector.extract_strided_slice %reshape3A {offsets = [0, 57728], sizes = [32, 128], strides = [1, 1]} : vector<32x65536xf32> to vector<32x128xf32>
    %concatenate3A_1011 = tpu.concatenate %slice3A_1007, %slice3A_1008, %slice3A_1009, %slice3A_1010 in 0 : vector<32x128xf32>, vector<32x128xf32>, vector<32x128xf32>, vector<32x128xf32> -> vector<128x128xf32>
    %transpose3A_1012 = tpu.transpose %concatenate3A_1011, [1, 0] : vector<128x128xf32> -> vector<128x128xf32>
    %swap3A_1013 = arith.constant 14336 : index
    %swap3A_1014 = arith.constant 0 : index
    %swap3A_1015 = vector.load %arg2[%swap3A_1013, %swap3A_1014] : memref<16384x128xf32, #tpu.memory_space<vmem>>, vector<128x128xf32>
    tpu.vector_store %arg2[%swap3A_1013, %swap3A_1014], %transpose3A_1012 {strides = array<i32>} : memref<16384x128xf32, #tpu.memory_space<vmem>>, vector<128x128xf32>,
    %slice3A_1016 = vector.extract_strided_slice %reshape3A {offsets = [0, 57856], sizes = [32, 128], strides = [1, 1]} : vector<32x65536xf32> to vector<32x128xf32>
    %slice3A_1017 = vector.extract_strided_slice %reshape3A {offsets = [0, 57984], sizes = [32, 128], strides = [1, 1]} : vector<32x65536xf32> to vector<32x128xf32>
    %slice3A_1018 = vector.extract_strided_slice %reshape3A {offsets = [0, 58112], sizes = [32, 128], strides = [1, 1]} : vector<32x65536xf32> to vector<32x128xf32>
    %slice3A_1019 = vector.extract_strided_slice %reshape3A {offsets = [0, 58240], sizes = [32, 128], strides = [1, 1]} : vector<32x65536xf32> to vector<32x128xf32>
    %concatenate3A_1020 = tpu.concatenate %slice3A_1016, %slice3A_1017, %slice3A_1018, %slice3A_1019 in 0 : vector<32x128xf32>, vector<32x128xf32>, vector<32x128xf32>, vector<32x128xf32> -> vector<128x128xf32>
    %transpose3A_1021 = tpu.transpose %concatenate3A_1020, [1, 0] : vector<128x128xf32> -> vector<128x128xf32>
    %swap3A_1022 = arith.constant 14464 : index
    %swap3A_1023 = arith.constant 0 : index
    %swap3A_1024 = vector.load %arg2[%swap3A_1022, %swap3A_1023] : memref<16384x128xf32, #tpu.memory_space<vmem>>, vector<128x128xf32>
    tpu.vector_store %arg2[%swap3A_1022, %swap3A_1023], %transpose3A_1021 {strides = array<i32>} : memref<16384x128xf32, #tpu.memory_space<vmem>>, vector<128x128xf32>,
    %slice3A_1025 = vector.extract_strided_slice %reshape3A {offsets = [0, 58368], sizes = [32, 128], strides = [1, 1]} : vector<32x65536xf32> to vector<32x128xf32>
    %slice3A_1026 = vector.extract_strided_slice %reshape3A {offsets = [0, 58496], sizes = [32, 128], strides = [1, 1]} : vector<32x65536xf32> to vector<32x128xf32>
    %slice3A_1027 = vector.extract_strided_slice %reshape3A {offsets = [0, 58624], sizes = [32, 128], strides = [1, 1]} : vector<32x65536xf32> to vector<32x128xf32>
    %slice3A_1028 = vector.extract_strided_slice %reshape3A {offsets = [0, 58752], sizes = [32, 128], strides = [1, 1]} : vector<32x65536xf32> to vector<32x128xf32>
    %concatenate3A_1029 = tpu.concatenate %slice3A_1025, %slice3A_1026, %slice3A_1027, %slice3A_1028 in 0 : vector<32x128xf32>, vector<32x128xf32>, vector<32x128xf32>, vector<32x128xf32> -> vector<128x128xf32>
    %transpose3A_1030 = tpu.transpose %concatenate3A_1029, [1, 0] : vector<128x128xf32> -> vector<128x128xf32>
    %swap3A_1031 = arith.constant 14592 : index
    %swap3A_1032 = arith.constant 0 : index
    %swap3A_1033 = vector.load %arg2[%swap3A_1031, %swap3A_1032] : memref<16384x128xf32, #tpu.memory_space<vmem>>, vector<128x128xf32>
    tpu.vector_store %arg2[%swap3A_1031, %swap3A_1032], %transpose3A_1030 {strides = array<i32>} : memref<16384x128xf32, #tpu.memory_space<vmem>>, vector<128x128xf32>,
    %slice3A_1034 = vector.extract_strided_slice %reshape3A {offsets = [0, 58880], sizes = [32, 128], strides = [1, 1]} : vector<32x65536xf32> to vector<32x128xf32>
    %slice3A_1035 = vector.extract_strided_slice %reshape3A {offsets = [0, 59008], sizes = [32, 128], strides = [1, 1]} : vector<32x65536xf32> to vector<32x128xf32>
    %slice3A_1036 = vector.extract_strided_slice %reshape3A {offsets = [0, 59136], sizes = [32, 128], strides = [1, 1]} : vector<32x65536xf32> to vector<32x128xf32>
    %slice3A_1037 = vector.extract_strided_slice %reshape3A {offsets = [0, 59264], sizes = [32, 128], strides = [1, 1]} : vector<32x65536xf32> to vector<32x128xf32>
    %concatenate3A_1038 = tpu.concatenate %slice3A_1034, %slice3A_1035, %slice3A_1036, %slice3A_1037 in 0 : vector<32x128xf32>, vector<32x128xf32>, vector<32x128xf32>, vector<32x128xf32> -> vector<128x128xf32>
    %transpose3A_1039 = tpu.transpose %concatenate3A_1038, [1, 0] : vector<128x128xf32> -> vector<128x128xf32>
    %swap3A_1040 = arith.constant 14720 : index
    %swap3A_1041 = arith.constant 0 : index
    %swap3A_1042 = vector.load %arg2[%swap3A_1040, %swap3A_1041] : memref<16384x128xf32, #tpu.memory_space<vmem>>, vector<128x128xf32>
    tpu.vector_store %arg2[%swap3A_1040, %swap3A_1041], %transpose3A_1039 {strides = array<i32>} : memref<16384x128xf32, #tpu.memory_space<vmem>>, vector<128x128xf32>,
    %slice3A_1043 = vector.extract_strided_slice %reshape3A {offsets = [0, 59392], sizes = [32, 128], strides = [1, 1]} : vector<32x65536xf32> to vector<32x128xf32>
    %slice3A_1044 = vector.extract_strided_slice %reshape3A {offsets = [0, 59520], sizes = [32, 128], strides = [1, 1]} : vector<32x65536xf32> to vector<32x128xf32>
    %slice3A_1045 = vector.extract_strided_slice %reshape3A {offsets = [0, 59648], sizes = [32, 128], strides = [1, 1]} : vector<32x65536xf32> to vector<32x128xf32>
    %slice3A_1046 = vector.extract_strided_slice %reshape3A {offsets = [0, 59776], sizes = [32, 128], strides = [1, 1]} : vector<32x65536xf32> to vector<32x128xf32>
    %concatenate3A_1047 = tpu.concatenate %slice3A_1043, %slice3A_1044, %slice3A_1045, %slice3A_1046 in 0 : vector<32x128xf32>, vector<32x128xf32>, vector<32x128xf32>, vector<32x128xf32> -> vector<128x128xf32>
    %transpose3A_1048 = tpu.transpose %concatenate3A_1047, [1, 0] : vector<128x128xf32> -> vector<128x128xf32>
    %swap3A_1049 = arith.constant 14848 : index
    %swap3A_1050 = arith.constant 0 : index
    %swap3A_1051 = vector.load %arg2[%swap3A_1049, %swap3A_1050] : memref<16384x128xf32, #tpu.memory_space<vmem>>, vector<128x128xf32>
    tpu.vector_store %arg2[%swap3A_1049, %swap3A_1050], %transpose3A_1048 {strides = array<i32>} : memref<16384x128xf32, #tpu.memory_space<vmem>>, vector<128x128xf32>,
    %slice3A_1052 = vector.extract_strided_slice %reshape3A {offsets = [0, 59904], sizes = [32, 128], strides = [1, 1]} : vector<32x65536xf32> to vector<32x128xf32>
    %slice3A_1053 = vector.extract_strided_slice %reshape3A {offsets = [0, 60032], sizes = [32, 128], strides = [1, 1]} : vector<32x65536xf32> to vector<32x128xf32>
    %slice3A_1054 = vector.extract_strided_slice %reshape3A {offsets = [0, 60160], sizes = [32, 128], strides = [1, 1]} : vector<32x65536xf32> to vector<32x128xf32>
    %slice3A_1055 = vector.extract_strided_slice %reshape3A {offsets = [0, 60288], sizes = [32, 128], strides = [1, 1]} : vector<32x65536xf32> to vector<32x128xf32>
    %concatenate3A_1056 = tpu.concatenate %slice3A_1052, %slice3A_1053, %slice3A_1054, %slice3A_1055 in 0 : vector<32x128xf32>, vector<32x128xf32>, vector<32x128xf32>, vector<32x128xf32> -> vector<128x128xf32>
    %transpose3A_1057 = tpu.transpose %concatenate3A_1056, [1, 0] : vector<128x128xf32> -> vector<128x128xf32>
    %swap3A_1058 = arith.constant 14976 : index
    %swap3A_1059 = arith.constant 0 : index
    %swap3A_1060 = vector.load %arg2[%swap3A_1058, %swap3A_1059] : memref<16384x128xf32, #tpu.memory_space<vmem>>, vector<128x128xf32>
    tpu.vector_store %arg2[%swap3A_1058, %swap3A_1059], %transpose3A_1057 {strides = array<i32>} : memref<16384x128xf32, #tpu.memory_space<vmem>>, vector<128x128xf32>,
    %slice3A_1061 = vector.extract_strided_slice %reshape3A {offsets = [0, 60416], sizes = [32, 128], strides = [1, 1]} : vector<32x65536xf32> to vector<32x128xf32>
    %slice3A_1062 = vector.extract_strided_slice %reshape3A {offsets = [0, 60544], sizes = [32, 128], strides = [1, 1]} : vector<32x65536xf32> to vector<32x128xf32>
    %slice3A_1063 = vector.extract_strided_slice %reshape3A {offsets = [0, 60672], sizes = [32, 128], strides = [1, 1]} : vector<32x65536xf32> to vector<32x128xf32>
    %slice3A_1064 = vector.extract_strided_slice %reshape3A {offsets = [0, 60800], sizes = [32, 128], strides = [1, 1]} : vector<32x65536xf32> to vector<32x128xf32>
    %concatenate3A_1065 = tpu.concatenate %slice3A_1061, %slice3A_1062, %slice3A_1063, %slice3A_1064 in 0 : vector<32x128xf32>, vector<32x128xf32>, vector<32x128xf32>, vector<32x128xf32> -> vector<128x128xf32>
    %transpose3A_1066 = tpu.transpose %concatenate3A_1065, [1, 0] : vector<128x128xf32> -> vector<128x128xf32>
    %swap3A_1067 = arith.constant 15104 : index
    %swap3A_1068 = arith.constant 0 : index
    %swap3A_1069 = vector.load %arg2[%swap3A_1067, %swap3A_1068] : memref<16384x128xf32, #tpu.memory_space<vmem>>, vector<128x128xf32>
    tpu.vector_store %arg2[%swap3A_1067, %swap3A_1068], %transpose3A_1066 {strides = array<i32>} : memref<16384x128xf32, #tpu.memory_space<vmem>>, vector<128x128xf32>,
    %slice3A_1070 = vector.extract_strided_slice %reshape3A {offsets = [0, 60928], sizes = [32, 128], strides = [1, 1]} : vector<32x65536xf32> to vector<32x128xf32>
    %slice3A_1071 = vector.extract_strided_slice %reshape3A {offsets = [0, 61056], sizes = [32, 128], strides = [1, 1]} : vector<32x65536xf32> to vector<32x128xf32>
    %slice3A_1072 = vector.extract_strided_slice %reshape3A {offsets = [0, 61184], sizes = [32, 128], strides = [1, 1]} : vector<32x65536xf32> to vector<32x128xf32>
    %slice3A_1073 = vector.extract_strided_slice %reshape3A {offsets = [0, 61312], sizes = [32, 128], strides = [1, 1]} : vector<32x65536xf32> to vector<32x128xf32>
    %concatenate3A_1074 = tpu.concatenate %slice3A_1070, %slice3A_1071, %slice3A_1072, %slice3A_1073 in 0 : vector<32x128xf32>, vector<32x128xf32>, vector<32x128xf32>, vector<32x128xf32> -> vector<128x128xf32>
    %transpose3A_1075 = tpu.transpose %concatenate3A_1074, [1, 0] : vector<128x128xf32> -> vector<128x128xf32>
    %swap3A_1076 = arith.constant 15232 : index
    %swap3A_1077 = arith.constant 0 : index
    %swap3A_1078 = vector.load %arg2[%swap3A_1076, %swap3A_1077] : memref<16384x128xf32, #tpu.memory_space<vmem>>, vector<128x128xf32>
    tpu.vector_store %arg2[%swap3A_1076, %swap3A_1077], %transpose3A_1075 {strides = array<i32>} : memref<16384x128xf32, #tpu.memory_space<vmem>>, vector<128x128xf32>,
    %slice3A_1079 = vector.extract_strided_slice %reshape3A {offsets = [0, 61440], sizes = [32, 128], strides = [1, 1]} : vector<32x65536xf32> to vector<32x128xf32>
    %slice3A_1080 = vector.extract_strided_slice %reshape3A {offsets = [0, 61568], sizes = [32, 128], strides = [1, 1]} : vector<32x65536xf32> to vector<32x128xf32>
    %slice3A_1081 = vector.extract_strided_slice %reshape3A {offsets = [0, 61696], sizes = [32, 128], strides = [1, 1]} : vector<32x65536xf32> to vector<32x128xf32>
    %slice3A_1082 = vector.extract_strided_slice %reshape3A {offsets = [0, 61824], sizes = [32, 128], strides = [1, 1]} : vector<32x65536xf32> to vector<32x128xf32>
    %concatenate3A_1083 = tpu.concatenate %slice3A_1079, %slice3A_1080, %slice3A_1081, %slice3A_1082 in 0 : vector<32x128xf32>, vector<32x128xf32>, vector<32x128xf32>, vector<32x128xf32> -> vector<128x128xf32>
    %transpose3A_1084 = tpu.transpose %concatenate3A_1083, [1, 0] : vector<128x128xf32> -> vector<128x128xf32>
    %swap3A_1085 = arith.constant 15360 : index
    %swap3A_1086 = arith.constant 0 : index
    %swap3A_1087 = vector.load %arg2[%swap3A_1085, %swap3A_1086] : memref<16384x128xf32, #tpu.memory_space<vmem>>, vector<128x128xf32>
    tpu.vector_store %arg2[%swap3A_1085, %swap3A_1086], %transpose3A_1084 {strides = array<i32>} : memref<16384x128xf32, #tpu.memory_space<vmem>>, vector<128x128xf32>,
    %slice3A_1088 = vector.extract_strided_slice %reshape3A {offsets = [0, 61952], sizes = [32, 128], strides = [1, 1]} : vector<32x65536xf32> to vector<32x128xf32>
    %slice3A_1089 = vector.extract_strided_slice %reshape3A {offsets = [0, 62080], sizes = [32, 128], strides = [1, 1]} : vector<32x65536xf32> to vector<32x128xf32>
    %slice3A_1090 = vector.extract_strided_slice %reshape3A {offsets = [0, 62208], sizes = [32, 128], strides = [1, 1]} : vector<32x65536xf32> to vector<32x128xf32>
    %slice3A_1091 = vector.extract_strided_slice %reshape3A {offsets = [0, 62336], sizes = [32, 128], strides = [1, 1]} : vector<32x65536xf32> to vector<32x128xf32>
    %concatenate3A_1092 = tpu.concatenate %slice3A_1088, %slice3A_1089, %slice3A_1090, %slice3A_1091 in 0 : vector<32x128xf32>, vector<32x128xf32>, vector<32x128xf32>, vector<32x128xf32> -> vector<128x128xf32>
    %transpose3A_1093 = tpu.transpose %concatenate3A_1092, [1, 0] : vector<128x128xf32> -> vector<128x128xf32>
    %swap3A_1094 = arith.constant 15488 : index
    %swap3A_1095 = arith.constant 0 : index
    %swap3A_1096 = vector.load %arg2[%swap3A_1094, %swap3A_1095] : memref<16384x128xf32, #tpu.memory_space<vmem>>, vector<128x128xf32>
    tpu.vector_store %arg2[%swap3A_1094, %swap3A_1095], %transpose3A_1093 {strides = array<i32>} : memref<16384x128xf32, #tpu.memory_space<vmem>>, vector<128x128xf32>,
    %slice3A_1097 = vector.extract_strided_slice %reshape3A {offsets = [0, 62464], sizes = [32, 128], strides = [1, 1]} : vector<32x65536xf32> to vector<32x128xf32>
    %slice3A_1098 = vector.extract_strided_slice %reshape3A {offsets = [0, 62592], sizes = [32, 128], strides = [1, 1]} : vector<32x65536xf32> to vector<32x128xf32>
    %slice3A_1099 = vector.extract_strided_slice %reshape3A {offsets = [0, 62720], sizes = [32, 128], strides = [1, 1]} : vector<32x65536xf32> to vector<32x128xf32>
    %slice3A_1100 = vector.extract_strided_slice %reshape3A {offsets = [0, 62848], sizes = [32, 128], strides = [1, 1]} : vector<32x65536xf32> to vector<32x128xf32>
    %concatenate3A_1101 = tpu.concatenate %slice3A_1097, %slice3A_1098, %slice3A_1099, %slice3A_1100 in 0 : vector<32x128xf32>, vector<32x128xf32>, vector<32x128xf32>, vector<32x128xf32> -> vector<128x128xf32>
    %transpose3A_1102 = tpu.transpose %concatenate3A_1101, [1, 0] : vector<128x128xf32> -> vector<128x128xf32>
    %swap3A_1103 = arith.constant 15616 : index
    %swap3A_1104 = arith.constant 0 : index
    %swap3A_1105 = vector.load %arg2[%swap3A_1103, %swap3A_1104] : memref<16384x128xf32, #tpu.memory_space<vmem>>, vector<128x128xf32>
    tpu.vector_store %arg2[%swap3A_1103, %swap3A_1104], %transpose3A_1102 {strides = array<i32>} : memref<16384x128xf32, #tpu.memory_space<vmem>>, vector<128x128xf32>,
    %slice3A_1106 = vector.extract_strided_slice %reshape3A {offsets = [0, 62976], sizes = [32, 128], strides = [1, 1]} : vector<32x65536xf32> to vector<32x128xf32>
    %slice3A_1107 = vector.extract_strided_slice %reshape3A {offsets = [0, 63104], sizes = [32, 128], strides = [1, 1]} : vector<32x65536xf32> to vector<32x128xf32>
    %slice3A_1108 = vector.extract_strided_slice %reshape3A {offsets = [0, 63232], sizes = [32, 128], strides = [1, 1]} : vector<32x65536xf32> to vector<32x128xf32>
    %slice3A_1109 = vector.extract_strided_slice %reshape3A {offsets = [0, 63360], sizes = [32, 128], strides = [1, 1]} : vector<32x65536xf32> to vector<32x128xf32>
    %concatenate3A_1110 = tpu.concatenate %slice3A_1106, %slice3A_1107, %slice3A_1108, %slice3A_1109 in 0 : vector<32x128xf32>, vector<32x128xf32>, vector<32x128xf32>, vector<32x128xf32> -> vector<128x128xf32>
    %transpose3A_1111 = tpu.transpose %concatenate3A_1110, [1, 0] : vector<128x128xf32> -> vector<128x128xf32>
    %swap3A_1112 = arith.constant 15744 : index
    %swap3A_1113 = arith.constant 0 : index
    %swap3A_1114 = vector.load %arg2[%swap3A_1112, %swap3A_1113] : memref<16384x128xf32, #tpu.memory_space<vmem>>, vector<128x128xf32>
    tpu.vector_store %arg2[%swap3A_1112, %swap3A_1113], %transpose3A_1111 {strides = array<i32>} : memref<16384x128xf32, #tpu.memory_space<vmem>>, vector<128x128xf32>,
    %slice3A_1115 = vector.extract_strided_slice %reshape3A {offsets = [0, 63488], sizes = [32, 128], strides = [1, 1]} : vector<32x65536xf32> to vector<32x128xf32>
    %slice3A_1116 = vector.extract_strided_slice %reshape3A {offsets = [0, 63616], sizes = [32, 128], strides = [1, 1]} : vector<32x65536xf32> to vector<32x128xf32>
    %slice3A_1117 = vector.extract_strided_slice %reshape3A {offsets = [0, 63744], sizes = [32, 128], strides = [1, 1]} : vector<32x65536xf32> to vector<32x128xf32>
    %slice3A_1118 = vector.extract_strided_slice %reshape3A {offsets = [0, 63872], sizes = [32, 128], strides = [1, 1]} : vector<32x65536xf32> to vector<32x128xf32>
    %concatenate3A_1119 = tpu.concatenate %slice3A_1115, %slice3A_1116, %slice3A_1117, %slice3A_1118 in 0 : vector<32x128xf32>, vector<32x128xf32>, vector<32x128xf32>, vector<32x128xf32> -> vector<128x128xf32>
    %transpose3A_1120 = tpu.transpose %concatenate3A_1119, [1, 0] : vector<128x128xf32> -> vector<128x128xf32>
    %swap3A_1121 = arith.constant 15872 : index
    %swap3A_1122 = arith.constant 0 : index
    %swap3A_1123 = vector.load %arg2[%swap3A_1121, %swap3A_1122] : memref<16384x128xf32, #tpu.memory_space<vmem>>, vector<128x128xf32>
    tpu.vector_store %arg2[%swap3A_1121, %swap3A_1122], %transpose3A_1120 {strides = array<i32>} : memref<16384x128xf32, #tpu.memory_space<vmem>>, vector<128x128xf32>,
    %slice3A_1124 = vector.extract_strided_slice %reshape3A {offsets = [0, 64000], sizes = [32, 128], strides = [1, 1]} : vector<32x65536xf32> to vector<32x128xf32>
    %slice3A_1125 = vector.extract_strided_slice %reshape3A {offsets = [0, 64128], sizes = [32, 128], strides = [1, 1]} : vector<32x65536xf32> to vector<32x128xf32>
    %slice3A_1126 = vector.extract_strided_slice %reshape3A {offsets = [0, 64256], sizes = [32, 128], strides = [1, 1]} : vector<32x65536xf32> to vector<32x128xf32>
    %slice3A_1127 = vector.extract_strided_slice %reshape3A {offsets = [0, 64384], sizes = [32, 128], strides = [1, 1]} : vector<32x65536xf32> to vector<32x128xf32>
    %concatenate3A_1128 = tpu.concatenate %slice3A_1124, %slice3A_1125, %slice3A_1126, %slice3A_1127 in 0 : vector<32x128xf32>, vector<32x128xf32>, vector<32x128xf32>, vector<32x128xf32> -> vector<128x128xf32>
    %transpose3A_1129 = tpu.transpose %concatenate3A_1128, [1, 0] : vector<128x128xf32> -> vector<128x128xf32>
    %swap3A_1130 = arith.constant 16000 : index
    %swap3A_1131 = arith.constant 0 : index
    %swap3A_1132 = vector.load %arg2[%swap3A_1130, %swap3A_1131] : memref<16384x128xf32, #tpu.memory_space<vmem>>, vector<128x128xf32>
    tpu.vector_store %arg2[%swap3A_1130, %swap3A_1131], %transpose3A_1129 {strides = array<i32>} : memref<16384x128xf32, #tpu.memory_space<vmem>>, vector<128x128xf32>,
    %slice3A_1133 = vector.extract_strided_slice %reshape3A {offsets = [0, 64512], sizes = [32, 128], strides = [1, 1]} : vector<32x65536xf32> to vector<32x128xf32>
    %slice3A_1134 = vector.extract_strided_slice %reshape3A {offsets = [0, 64640], sizes = [32, 128], strides = [1, 1]} : vector<32x65536xf32> to vector<32x128xf32>
    %slice3A_1135 = vector.extract_strided_slice %reshape3A {offsets = [0, 64768], sizes = [32, 128], strides = [1, 1]} : vector<32x65536xf32> to vector<32x128xf32>
    %slice3A_1136 = vector.extract_strided_slice %reshape3A {offsets = [0, 64896], sizes = [32, 128], strides = [1, 1]} : vector<32x65536xf32> to vector<32x128xf32>
    %concatenate3A_1137 = tpu.concatenate %slice3A_1133, %slice3A_1134, %slice3A_1135, %slice3A_1136 in 0 : vector<32x128xf32>, vector<32x128xf32>, vector<32x128xf32>, vector<32x128xf32> -> vector<128x128xf32>
    %transpose3A_1138 = tpu.transpose %concatenate3A_1137, [1, 0] : vector<128x128xf32> -> vector<128x128xf32>
    %swap3A_1139 = arith.constant 16128 : index
    %swap3A_1140 = arith.constant 0 : index
    %swap3A_1141 = vector.load %arg2[%swap3A_1139, %swap3A_1140] : memref<16384x128xf32, #tpu.memory_space<vmem>>, vector<128x128xf32>
    tpu.vector_store %arg2[%swap3A_1139, %swap3A_1140], %transpose3A_1138 {strides = array<i32>} : memref<16384x128xf32, #tpu.memory_space<vmem>>, vector<128x128xf32>,
    %slice3A_1142 = vector.extract_strided_slice %reshape3A {offsets = [0, 65024], sizes = [32, 128], strides = [1, 1]} : vector<32x65536xf32> to vector<32x128xf32>
    %slice3A_1143 = vector.extract_strided_slice %reshape3A {offsets = [0, 65152], sizes = [32, 128], strides = [1, 1]} : vector<32x65536xf32> to vector<32x128xf32>
    %slice3A_1144 = vector.extract_strided_slice %reshape3A {offsets = [0, 65280], sizes = [32, 128], strides = [1, 1]} : vector<32x65536xf32> to vector<32x128xf32>
    %slice3A_1145 = vector.extract_strided_slice %reshape3A {offsets = [0, 65408], sizes = [32, 128], strides = [1, 1]} : vector<32x65536xf32> to vector<32x128xf32>
    %concatenate3A_1146 = tpu.concatenate %slice3A_1142, %slice3A_1143, %slice3A_1144, %slice3A_1145 in 0 : vector<32x128xf32>, vector<32x128xf32>, vector<32x128xf32>, vector<32x128xf32> -> vector<128x128xf32>
    %transpose3A_1147 = tpu.transpose %concatenate3A_1146, [1, 0] : vector<128x128xf32> -> vector<128x128xf32>
    %swap3A_1148 = arith.constant 16256 : index
    %swap3A_1149 = arith.constant 0 : index
    %swap3A_1150 = vector.load %arg2[%swap3A_1148, %swap3A_1149] : memref<16384x128xf32, #tpu.memory_space<vmem>>, vector<128x128xf32>
    tpu.vector_store %arg2[%swap3A_1148, %swap3A_1149], %transpose3A_1147 {strides = array<i32>} : memref<16384x128xf32, #tpu.memory_space<vmem>>, vector<128x128xf32>,
    return
  }
  func.func @transform_0(%arg0: i32) -> (i32, i32, i32) {
    %c0_i32 = arith.constant 0 : i32
    %c0_i32_0 = arith.constant 0 : i32
    %c0_i32_1 = arith.constant 0 : i32
    return %c0_i32, %c0_i32_0, %arg0 : i32, i32, i32
  }
  func.func @transform_1(%arg0: i32) -> (i32, i32) {
    %c0_i32 = arith.constant 0 : i32
    %c0_i32_0 = arith.constant 0 : i32
    return %arg0, %c0_i32 : i32, i32
  }
}

</mosaic_0001>

<sc_bundles>
// kernel: kernel.4.cloned.1.call-start
scs
__scs_entry_jumppad:
0x0: {  	(pc) =	sbr.rel $0x88, $3  }
0x1: {  	(tag) =	ssettag $0x0;
	lr =	simm.s32 $0x1  }
0x2: {  	[smem:$0x3F9E] =	sst lr;
	_ =	strace $0xD0000000  }
0x3: {  	_ = 	snop  }
0x4: {  	_ = 	snop  }
0x5: {  	_ = 	snop  }
0x6: {  	_ = 	snop  }
0x7: {  	_ = 	snop  }
__scs_overlays_trampoline_lowered:
0x8: {  	[smem:$0x3FAD] =	sst s0  }
0x9: {  	[smem:$0x3FAE] =	sst s1  }
0xa: {  	[smem:$0x3FAF] =	sst s2  }
0xb: {  	[smem:$0x3FB0] =	sst s3  }
0xc: {  	[smem:$0x3FB1] =	sst s4  }
0xd: {  	[smem:$0x3FB2] =	sst s5  }
0xe: {  	[smem:$0x3FB3] =	sst s6  }
0xf: {  	[smem:$0x3FB4] =	sst s7  }
0x10: {  	[smem:$0x3FB5] =	sst s8  }
0x11: {  	[smem:$0x3FB6] =	sst s9;
	s0 =	simm.s32 @!p0 $0x0  }
0x12: {  	s1 =	sld [smem:$0x3F9C];
	s0 =	simm.s32 @p0 $0x1  }
0x13: {  	[smem:$0x3FB7] =	sst s0;
	s0 =	simm.s32 @!p1 $0x0  }
0x14: {  	s2 =	sld [smem:$0x3F9B];
	s0 =	simm.s32 @p1 $0x1  }
0x15: {  	[smem:$0x3FB8] =	sst s0;
	s0 =	simm.s32 @!p2 $0x0  }
0x16: {  	s3 =	sld [smem:$0x3FDB];
	s0 =	simm.s32 @p2 $0x1  }
0x17: {  	s4 =	simm.s32 $0x1BF5;
	[smem:$0x3FBA] =	sst s0  }
0x18: {  	s0 =	sld [smem:$0x3F9D];
	_ =	swait.ge [sflag:s4], $0x0  }
0x19: {  	s7 =	sld [smem:$0x3F9E]  }
0x1a: {  	s8 =	sadd.s32 $0xFFFFE003, lr  }
0x1b: {  	s9 =	sadd.s32 $0xFFFFFEF7, lr;
	s5 =	simm.s32 $0xFFFFFFFF;
	p2 =	slt.u32 s8, $0xFFFFF086  }
0x1c: {  	p1 =	slt.u32 s9, $0xF7A;
	s5 =	simm.s32 @!p2 $0x0  }
0x1d: {  	s5 =	simm.s32 @p1 $0x1;
	p0 =	seq.s32 s7, s2  }
0x1e: {  	s7 =	smul.u32 @!p0 $0xF7A, s2;
	p2 =	seq.s32 @!p0 s5, $0x0  }
0x1f: {  	s9 =	smul.u32 $0xF7A, s1;
	s8 =	simm.s32 @!p0 $0x1BF5;
	p2 =	por !p2, p0  }
0x20: {  	[sflag:s8] =	ssyncset.s32 @!p0 $0xFFFFF086;
	s6 =	sadd.s32 @!p0 s3, s7;
	s7 =	simm.s32 @!p0 $0x108  }
0x21: {  	s3 =	sadd.s32 s3, s9;
	s6 =	sadd.s32 @!p0 $0x88, s6;
	s7 =	simm.s32 @p2 $0x1082  }
0x22: {  	[simem:s7], [sflag:s8] =	dma.local @!p0 [hbm:s6], $0xF7A  }
0x23: {  	s9 =	sor.u32 $0xD0000000, s2;
	s6 =	simm.s32 $0x108;
	_ =	swait.ge @!p0 [sflag:s8], $0x0  }
0x24: {  	s3 =	sadd.s32 $0x88, s3;
	s6 =	simm.s32 @!p1 $0x1082;
	[sflag:s4] =	ssyncset.s32 $0xFFFFF086  }
0x25: {  	[simem:s6], [sflag:s4] =	dma.local [hbm:s3], $0xF7A  }
0x26: {  	[smem:$0x3F9E] =	sst s1;
	(tag) =	ssettag s2;
	_ =	strace s9  }
0x27: {  	s1 =	sld [smem:$0x3FAE]  }
0x28: {  	s2 =	sld [smem:$0x3FAF]  }
0x29: {  	s4 =	sld [smem:$0x3FB1]  }
0x2a: {  	p0 =	seq.s32 s5, $0x0;
	s5 =	sld [smem:$0x3FB2]  }
0x2b: {  	s6 =	sld [smem:$0x3FB3]  }
0x2c: {  	s7 =	sld [smem:$0x3FB4]  }
0x2d: {  	s3 =	simm.s32 $0x108;
	s8 =	sld [smem:$0x3FB5]  }
0x2e: {  	s3 =	simm.s32 @!p0 $0x1082;
	s9 =	sld [smem:$0x3FB6]  }
0x2f: {  	lr =	sadd.s32 s0, s3;
	s0 =	sld [smem:$0x3FAD]  }
0x30: {  	s3 =	sld [smem:$0x3FB0]  }
0x31: {  	[smem:$0x3FB9] =	sst s10  }
0x32: {  	s10 =	sld [smem:$0x3FB7];
	_ =	sdelay $0x3  }
0x33: {  	p0 =	seq.s32 s10, $0x1;
	s10 =	sld [smem:$0x3FB9];
	_ =	sdelay $0x3  }
0x34: {  	[smem:$0x3FB9] =	sst s10  }
0x35: {  	s10 =	sld [smem:$0x3FB8];
	_ =	sdelay $0x3  }
0x36: {  	p1 =	seq.s32 s10, $0x1;
	s10 =	sld [smem:$0x3FB9];
	_ =	sdelay $0x3  }
0x37: {  	[smem:$0x3FB9] =	sst s10  }
0x38: {  	s10 =	sld [smem:$0x3FBA]  }
0x39: {  	_ = 	snop;
	(pc) =	sbr.ind lr, $3  }
0x3a: {  	_ = 	snop  }
0x3b: {  	_ = 	snop  }
0x3c: {  	p2 =	seq.s32 s10, $0x1;
	s10 =	sld [smem:$0x3FB9]  }
0x3d: {  	_ =	shalt  }
0x3e: {  	_ =	shalt  }
0x3f: {  	_ =	shalt  }
0x40: {  	_ =	shalt  }
0x41: {  	_ =	shalt  }
0x42: {  	_ =	shalt  }
0x43: {  	_ =	shalt  }
0x44: {  	_ =	shalt  }
0x45: {  	_ =	shalt  }
0x46: {  	_ =	shalt  }
0x47: {  	_ =	shalt  }
0x48: {  	_ =	shalt  }
0x49: {  	_ =	shalt  }
0x4a: {  	_ =	shalt  }
0x4b: {  	_ =	shalt  }
0x4c: {  	_ =	shalt  }
0x4d: {  	_ =	shalt  }
0x4e: {  	_ =	shalt  }
0x4f: {  	_ =	shalt  }
0x50: {  	_ =	shalt  }
0x51: {  	_ =	shalt  }
0x52: {  	_ =	shalt  }
0x53: {  	_ =	shalt  }
0x54: {  	_ =	shalt  }
0x55: {  	_ =	shalt  }
0x56: {  	_ =	shalt  }
0x57: {  	_ =	shalt  }
0x58: {  	_ =	shalt  }
0x59: {  	_ =	shalt  }
0x5a: {  	_ =	shalt  }
0x5b: {  	_ =	shalt  }
0x5c: {  	_ =	shalt  }
0x5d: {  	_ =	shalt  }
0x5e: {  	_ =	shalt  }
0x5f: {  	_ =	shalt  }
0x60: {  	_ =	shalt  }
0x61: {  	_ =	shalt  }
0x62: {  	_ =	shalt  }
0x63: {  	_ =	shalt  }
0x64: {  	_ =	shalt  }
0x65: {  	_ =	shalt  }
0x66: {  	_ =	shalt  }
0x67: {  	_ =	shalt  }
0x68: {  	_ =	shalt  }
0x69: {  	_ =	shalt  }
0x6a: {  	_ =	shalt  }
0x6b: {  	_ =	shalt  }
0x6c: {  	_ =	shalt  }
0x6d: {  	_ =	shalt  }
0x6e: {  	_ =	shalt  }
0x6f: {  	_ =	shalt  }
0x70: {  	_ =	shalt  }
0x71: {  	_ =	shalt  }
0x72: {  	_ =	shalt  }
0x73: {  	_ =	shalt  }
0x74: {  	_ =	shalt  }
0x75: {  	_ =	shalt  }
0x76: {  	_ =	shalt  }
0x77: {  	_ =	shalt  }
0x78: {  	_ =	shalt  }
0x79: {  	_ =	shalt  }
0x7a: {  	_ =	shalt  }
0x7b: {  	_ =	shalt  }
0x7c: {  	_ =	shalt  }
0x7d: {  	_ =	shalt  }
0x7e: {  	_ =	shalt  }
0x7f: {  	_ =	shalt  }
0x80: {  	_ =	shalt  }
0x81: {  	_ =	shalt  }
0x82: {  	_ =	shalt  }
0x83: {  	_ =	shalt  }
0x84: {  	_ =	shalt  }
0x85: {  	_ =	shalt  }
0x86: {  	_ =	shalt  }
0x87: {  	_ =	shalt  }
.Lfunc_end0:
.L_simem_size_0:
called_computation_lowered:
.L_overlay_start_0:
0x88: {  	s2 =	sld [smem:$0x3FD9]  }
0x89: {  	s3 =	sld [smem:$0x3FFE];
	_ =	sdelay $0x1  }
0x8a: {  	s1 =	srdreg.scid  }
0x8b: {  	s0 =	sand.u32 $0x1, s1  }
0x8c: {  	s14 =	sshll.u32 s0, $0xA;
	s2 =	sadd.s32 s3, s2  }
0x8d: {  	s2 =	sadd.s32 s2, s14  }
0x8e: {  	[smem:$0x3FC5] =	sst s2  }
0x8f: {  	_ = 	snop  }
0x90: {  	s2 =	sld [smem:$0x3FD0];
	_ =	sdelay $0x2  }
0x91: {  	s15 =	simm.s32 $0xA;
	s4 =	simm.s32 $0x10  }
0x92: {  	[smem:s4], [sflag:s15] =	dma.local [hbm:s2], $0x1  }
0x93: {  	_ =	swait.eq [sflag:s15], $0x1  }
0x94: {  	[sflag:s15] =	ssyncset.done $0x0  }
0x95: {  	[sflag:s15] =	ssyncadd.s32 $0xFFFFFFFF  }
0x96: {  	s16 =	sld [smem:$0x10];
	(tm) =	ssettm $0x1  }
0x97: {  	s17 =	sld [smem:$0x3FFB];
	_ =	sdelay $0x3  }
0x98: {  	_ =	strace s17  }
0x99: {  	s3 =	sld [smem:$0x3FFC];
	_ =	sdelay $0x3  }
0x9a: {  	_ =	strace s3  }
0x9b: {  	s3 =	sld [smem:$0x3FFD];
	_ =	sdelay $0x3  }
0x9c: {  	_ =	strace s3  }
0x9d: {  	_ =	strace $0x8FFFFFFF  }
0x9e: {  	s18 =	sld [smem:$0x3FDB];
	_ =	sdelay $0x1  }
0x9f: {  	s19 =	simm.s32 $_scs_section_size  }
0xa0: {  	s5 =	simm.s32 $_size__tile_overlayer_lowered;
	s6 =	simm.s32 $_tile_overlayer_lowered  }
0xa1: {  	s22 =	simm.s32 $0x1BFF;
	s21 =	sshll.u32 s6, $0x1;
	s3 =	sadd.s32 s19, s18  }
0xa2: {  	s7 =	simm.s32 $0x0;
	s20 =	sshll.u32 s5, $0x1;
	s5 =	sadd.s32 s21, s3  }
0xa3: {  	[timem:s7], [sflag:s22] =	dma.local [hbm:s5], s20  }
0xa4: {  	_ =	swait.ge [sflag:s22], s20  }
0xa5: {  	s4 =	ssub.s32 $0x0, s20;
	[sflag:s22] =	ssyncset.done $0x0  }
0xa6: {  	[sflag:s22] =	ssyncadd.s32 s4;
	_ =	sdelay $0x1  }
0xa7: {  	s23 =	simm.s32 $0x1B8B  }
0xa8: {  	_ =	swait.ge [sflag:s23], $0x1  }
0xa9: {  	[sflag:s23] =	ssyncset.done $0x0  }
0xaa: {  	s25 =	simm.s32 $0x1B8E;
	s24 =	sld [smem:$0x3FFE];
	[sflag:s23] =	ssyncadd.s32 $0xFFFFFFFF  }
0xab: {  	s26 =	simm.s32 $execute0_lowered;
	[smem:$0x3FD2] =	sst s25  }
0xac: {  	s5 =	sshll.u32 s26, $0x1;
	_ =	strace $0x80000046;
	[dreg:$0x1] =	wrdreg $0xFFFFFFFF  }
0xad: {  	s28 =	simm.s32 $_size_execute0_lowered;
	s3 =	sadd.s32 s3, s5;
	[dreg:$0x0] =	wrdreg $0x0  }
0xae: {  	s5 =	sshll.u32 s28, $0x1;
	[dreg:$0x2] =	wrdreg s3  }
0xaf: {  	[dreg:$0x3] =	wrdreg s5  }
0xb0: {  	[dreg:$0x4] =	wrdreg $0xC0  }
0xb1: {  	_ =	task [dreg:s7], $0x5FFFF  }
0xb2: {  	[dreg:$0x1] =	wrdreg $0xFFFFFFFF  }
0xb3: {  	[dreg:$0x0] =	wrdreg $0x60  }
0xb4: {  	[dreg:$0x2] =	wrdreg s24  }
0xb5: {  	[dreg:$0x3] =	wrdreg s16  }
0xb6: {  	[dreg:$0x4] =	wrdreg $0x9  }
0xb7: {  	_ =	task.clear_ibuf [dreg:s7], $0x5FFFF;
	_ =	strace $0x90000046  }
0xb8: {  	s29 =	simm.s32 $0x9;
	_ =	strace $0x80000048  }
0xb9: {  	_ =	swait.ge [sflag:s29], $0x1  }
0xba: {  	[sflag:s29] =	ssyncadd.s32 $0xFFFFFFFF  }
0xbb: {  	_ =	strace $0x90000048  }
0xbc: {  	_ =	sfence  }
0xbd: {  	s30 =	sld [smem:$0x0];
	_ =	sdelay $0x2  }
0xbe: {  	s31 =	sshll.u32 s1, $0xD;
	s1 =	sshrl.u32 s1, $0x2  }
0xbf: {  	s3 =	sand.u32 $0x4000, s31;
	s1 =	sadd.s32 s1, s30  }
0xc0: {  	s0 =	sor.u32 s3, s0;
	s1 =	sshll.u32 s1, $0x11  }
0xc1: {  	s0 =	sor.u32 s1, s0  }
0xc2: {  	s0 =	sadd.s32 $0x8F2B, s0  }
0xc3: {  	[sflag:s0] =	ssyncadd.remote.s32 $0x1  }
0xc4: {  	_ =	sfence.sel $0xFFFF  }
0xc5: {  	[dreg:$0x0] =	wrdreg $0xFFFFFFFF;
	(pc) =	sbr.abs _section_cstart, $3  }
0xc6: {  	[dreg:$0x1] =	wrdreg $0xFFFFFFFF  }
0xc7: {  	_ =	task.clear_ibuf [dreg:s7], $0x2FFFF;
	_ =	strace $0x9FFFFFFF  }
0xc8: {  	(tm) =	ssettm $0x7FFFFFFF  }
0xc9: {  	_ =	shalt  }
tec
execute0_lowered:
.L_overlay_start_1:
0x0: {  	(tag) =	ssettag $0x1  }
0x1: {  	s2 =	stileid.u32;
	s3 =	rddreg [dreg:$0x0]  }
0x2: {  	s4 =	rddreg [dreg:$0x1];
	s20 =	sshll.u32 s2, $0x1;
	s2 =	simm.s32 $0x0  }
0x3: {  	s21 =	simm.s32 $0x1D00;
	[smem:$0x7FF] =	sst s2  }
0x4: {  	s22 =	simm.s32 $0x100;
	_ =	strace $0x80000047;
	[dreg:$0x5] =	wrdreg s21  }
0x5: {  	s23 =	simm.s32 $0x2D00;
	[dreg:$0x6] =	wrdreg s22  }
0x6: {  	s24 =	simm.s32 $0x180;
	[dreg:$0x7] =	wrdreg s23  }
0x7: {  	s25 =	simm.s32 $0x3D00;
	[dreg:$0x8] =	wrdreg s24  }
0x8: {  	s26 =	simm.s32 $0x200;
	[dreg:$0x9] =	wrdreg s25  }
0x9: {  	s6 =	simm.s32 $0x5D00;
	[dreg:$0xa] =	wrdreg s26  }
0xa: {  	s7 =	simm.s32 $0x300;
	[dreg:$0xd] =	wrdreg s6  }
0xb: {  	s8 =	simm.s32 $0x6D00;
	[dreg:$0xe] =	wrdreg s7  }
0xc: {  	s9 =	simm.s32 $0x380;
	[dreg:$0xf] =	wrdreg s8  }
0xd: {  	s10 =	simm.s32 $0x7D00;
	[dreg:$0x10] =	wrdreg s9  }
0xe: {  	s11 =	simm.s32 $0x400;
	[dreg:$0x11] =	wrdreg s10  }
0xf: {  	s12 =	simm.s32 $0x8D00;
	[dreg:$0x12] =	wrdreg s11  }
0x10: {  	s13 =	simm.s32 $0x480;
	[dreg:$0x13] =	wrdreg s12  }
0x11: {  	s14 =	simm.s32 $0x9D00;
	[dreg:$0x14] =	wrdreg s13  }
0x12: {  	s15 =	simm.s32 $0x500;
	[dreg:$0x15] =	wrdreg s14  }
0x13: {  	s16 =	simm.s32 $0xAD00;
	[dreg:$0x16] =	wrdreg s15  }
0x14: {  	s17 =	simm.s32 $0x580;
	[dreg:$0x17] =	wrdreg s16  }
0x15: {  	s0 =	srdreg.scid;
	s18 =	simm.s32 $0xBD00;
	[dreg:$0x18] =	wrdreg s17  }
0x16: {  	s19 =	simm.s32 $0x600;
	s1 =	sand.u32 $0x1, s0;
	[dreg:$0x19] =	wrdreg s18  }
0x17: {  	s0 =	sor.u32 s1, s20;
	s20 =	simm.s32 $0xCD00;
	[dreg:$0x1a] =	wrdreg s19  }
0x18: {  	s5 =	smul.u32 $0x1A0, s0;
	[dreg:$0x1b] =	wrdreg s20;
	s21 =	simm.s32 $0x680  }
0x19: {  	s0 =	smul.u32 $0x3400, s0;
	s22 =	simm.s32 $0xDD00;
	[dreg:$0x1c] =	wrdreg s21  }
0x1a: {  	s23 =	simm.s32 $0x700;
	[dreg:$0x1d] =	wrdreg s22  }
0x1b: {  	[dreg:$0x1e] =	wrdreg s23;
	s0 =	sadd.s32 s4, s0  }
0x1c: {  	s5 =	sadd.s32 s5, s3;
	s4 =	simm.s32 $0x4D00;
	[dreg:$0x4] =	wrdreg s0  }
0x1d: {  	s5 =	sadd.s32 $0x400000, s5;
	[dreg:$0xb] =	wrdreg s4  }
0x1e: {  	[dreg:$0x3] =	wrdreg s5;
	s5 =	simm.s32 $0x280  }
0x1f: {  	[dreg:$0xc] =	wrdreg s5  }
0x20: {  	s4 =	simm.s32 $0x2;
	s5 =	rddreg [dreg:$0x3]  }
0x21: {  	[tilespmem:s2], [sflag:$0x2] =	stream.linear.gather [hbm4b:s5+s2], $0xD00, $0x38;
	[tilespmem:$0x1AD00] =	vst v63  }
0x22: {  	_ =	swait.ge [sflag:s4], $0xD00  }
0x23: {  	s0 =	rddreg [dreg:$0x1d]  }
0x24: {  	s7 =	rddreg [dreg:$0x1b]  }
0x25: {  	s8 =	rddreg [dreg:$0x19]  }
0x26: {  	s9 =	rddreg [dreg:$0x17]  }
0x27: {  	s10 =	rddreg [dreg:$0x15]  }
0x28: {  	s11 =	rddreg [dreg:$0x13]  }
0x29: {  	s12 =	rddreg [dreg:$0x11]  }
0x2a: {  	s13 =	rddreg [dreg:$0xf]  }
0x2b: {  	s14 =	rddreg [dreg:$0xd]  }
0x2c: {  	s15 =	rddreg [dreg:$0xb]  }
0x2d: {  	s6 =	simm.s32 $0x80;
	s16 =	rddreg [dreg:$0x6];
	[sflag:s4] =	ssyncset.done $0x0  }
0x2e: {  	s5 =	simm.s32 $0xD00;
	s17 =	rddreg [dreg:$0x5];
	[sflag:s4] =	ssyncadd.s32 $0xFFFFF300  }
0x2f: {  	[tilespmem:s5], [sflag:$0x1] =	stream.indirect.gather [hbm4b:s3+s6], $0x20, s2, s6, $0xb8;
	[tilespmem:$0x1AD00] =	vst v63  }
0x30: {  	s18 =	rddreg [dreg:$0x7]  }
0x31: {  	[tilespmem:s17], [sflag:$0x1] =	stream.indirect.gather [hbm4b:s3+s6], $0x20, s6, s6, $0xb8;
	[tilespmem:$0x1AD00] =	vst v63  }
0x32: {  	s19 =	rddreg [dreg:$0x9]  }
0x33: {  	[tilespmem:s18], [sflag:$0x1] =	stream.indirect.gather [hbm4b:s3+s6], $0x20, s16, s6, $0xb8;
	[tilespmem:$0x1AD00] =	vst v63  }
0x34: {  	s24 =	rddreg [dreg:$0x8]  }
0x35: {  	[tilespmem:s19], [sflag:$0x1] =	stream.indirect.gather [hbm4b:s3+s6], $0x20, s24, s6, $0xb8;
	[tilespmem:$0x1AD00] =	vst v63  }
0x36: {  	s25 =	rddreg [dreg:$0xa]  }
0x37: {  	[tilespmem:s15], [sflag:$0x1] =	stream.indirect.gather [hbm4b:s3+s6], $0x20, s25, s6, $0xb8;
	[tilespmem:$0x1AD00] =	vst v63  }
0x38: {  	s26 =	rddreg [dreg:$0xc]  }
0x39: {  	[tilespmem:s14], [sflag:$0x1] =	stream.indirect.gather [hbm4b:s3+s6], $0x20, s26, s6, $0xb8;
	[tilespmem:$0x1AD00] =	vst v63  }
0x3a: {  	s16 =	rddreg [dreg:$0xe]  }
0x3b: {  	[tilespmem:s13], [sflag:$0x1] =	stream.indirect.gather [hbm4b:s3+s6], $0x20, s16, s6, $0xb8;
	[tilespmem:$0x1AD00] =	vst v63  }
0x3c: {  	s18 =	rddreg [dreg:$0x10]  }
0x3d: {  	[tilespmem:s12], [sflag:$0x1] =	stream.indirect.gather [hbm4b:s3+s6], $0x20, s18, s6, $0xb8;
	[tilespmem:$0x1AD00] =	vst v63  }
0x3e: {  	s19 =	rddreg [dreg:$0x12]  }
0x3f: {  	[tilespmem:s11], [sflag:$0x1] =	stream.indirect.gather [hbm4b:s3+s6], $0x20, s19, s6, $0xb8;
	[tilespmem:$0x1AD00] =	vst v63  }
0x40: {  	s20 =	rddreg [dreg:$0x14]  }
0x41: {  	[tilespmem:s10], [sflag:$0x1] =	stream.indirect.gather [hbm4b:s3+s6], $0x20, s20, s6, $0xb8;
	[tilespmem:$0x1AD00] =	vst v63  }
0x42: {  	s21 =	rddreg [dreg:$0x16]  }
0x43: {  	[tilespmem:s9], [sflag:$0x1] =	stream.indirect.gather [hbm4b:s3+s6], $0x20, s21, s6, $0xb8;
	[tilespmem:$0x1AD00] =	vst v63  }
0x44: {  	s22 =	rddreg [dreg:$0x18]  }
0x45: {  	[tilespmem:s8], [sflag:$0x1] =	stream.indirect.gather [hbm4b:s3+s6], $0x20, s22, s6, $0xb8;
	[tilespmem:$0x1AD00] =	vst v63  }
0x46: {  	s23 =	rddreg [dreg:$0x1a]  }
0x47: {  	[tilespmem:s7], [sflag:$0x1] =	stream.indirect.gather [hbm4b:s3+s6], $0x20, s23, s6, $0xb8;
	[tilespmem:$0x1AD00] =	vst v63  }
0x48: {  	s24 =	rddreg [dreg:$0x1c]  }
0x49: {  	[tilespmem:s0], [sflag:$0x1] =	stream.indirect.gather [hbm4b:s3+s6], $0x20, s24, s6, $0xb8;
	[tilespmem:$0x1AD00] =	vst v63  }
0x4a: {  	s25 =	rddreg [dreg:$0x1e];
	s26 =	simm.s32 $0xED00  }
0x4b: {  	[tilespmem:s26], [sflag:$0x1] =	stream.indirect.gather [hbm4b:s3+s6], $0x20, s25, s6, $0xb8;
	[tilespmem:$0x1AD00] =	vst v63  }
0x4c: {  	s8 =	simm.s32 $0xFD00;
	s7 =	simm.s32 $0x780  }
0x4d: {  	[tilespmem:s8], [sflag:$0x1] =	stream.indirect.gather [hbm4b:s3+s6], $0x20, s7, s6, $0xb8;
	[tilespmem:$0x1AD00] =	vst v63  }
0x4e: {  	s10 =	simm.s32 $0x10D00;
	s9 =	simm.s32 $0x800  }
0x4f: {  	[tilespmem:s10], [sflag:$0x1] =	stream.indirect.gather [hbm4b:s3+s6], $0x20, s9, s6, $0xb8;
	[tilespmem:$0x1AD00] =	vst v63  }
0x50: {  	s12 =	simm.s32 $0x11D00;
	s11 =	simm.s32 $0x880  }
0x51: {  	[tilespmem:s12], [sflag:$0x1] =	stream.indirect.gather [hbm4b:s3+s6], $0x20, s11, s6, $0xb8;
	[tilespmem:$0x1AD00] =	vst v63  }
0x52: {  	s14 =	simm.s32 $0x12D00;
	s13 =	simm.s32 $0x900  }
0x53: {  	[tilespmem:s14], [sflag:$0x1] =	stream.indirect.gather [hbm4b:s3+s6], $0x20, s13, s6, $0xb8;
	[tilespmem:$0x1AD00] =	vst v63  }
0x54: {  	s15 =	simm.s32 $0x980;
	s16 =	simm.s32 $0x13D00  }
0x55: {  	[tilespmem:s16], [sflag:$0x1] =	stream.indirect.gather [hbm4b:s3+s6], $0x20, s15, s6, $0xb8;
	[tilespmem:$0x1AD00] =	vst v63  }
0x56: {  	s17 =	simm.s32 $0xA00;
	s18 =	simm.s32 $0x14D00  }
0x57: {  	[tilespmem:s18], [sflag:$0x1] =	stream.indirect.gather [hbm4b:s3+s6], $0x20, s17, s6, $0xb8;
	[tilespmem:$0x1AD00] =	vst v63  }
0x58: {  	s20 =	simm.s32 $0xA80;
	s21 =	simm.s32 $0x15D00  }
0x59: {  	[tilespmem:s21], [sflag:$0x1] =	stream.indirect.gather [hbm4b:s3+s6], $0x20, s20, s6, $0xb8;
	[tilespmem:$0x1AD00] =	vst v63  }
0x5a: {  	s22 =	simm.s32 $0xB00;
	s23 =	simm.s32 $0x16D00  }
0x5b: {  	[tilespmem:s23], [sflag:$0x1] =	stream.indirect.gather [hbm4b:s3+s6], $0x20, s22, s6, $0xb8;
	[tilespmem:$0x1AD00] =	vst v63  }
0x5c: {  	s25 =	simm.s32 $0xB80;
	s26 =	simm.s32 $0x17D00  }
0x5d: {  	[tilespmem:s26], [sflag:$0x1] =	stream.indirect.gather [hbm4b:s3+s6], $0x20, s25, s6, $0xb8;
	[tilespmem:$0x1AD00] =	vst v63  }
0x5e: {  	s28 =	simm.s32 $0xC00;
	s29 =	simm.s32 $0x18D00  }
0x5f: {  	[tilespmem:s29], [sflag:$0x1] =	stream.indirect.gather [hbm4b:s3+s6], $0x20, s28, s6, $0xb8;
	[tilespmem:$0x1AD00] =	vst v63  }
0x60: {  	s30 =	simm.s32 $0xC80;
	s31 =	simm.s32 $0x19D00;
	s24 =	simm.s32 $0x1  }
0x61: {  	[tilespmem:s31], [sflag:$0x1] =	stream.indirect.gather [hbm4b:s3+s6], $0x20, s30, s6, $0xb8;
	[tilespmem:$0x1AD00] =	vst v63  }
0x62: {  	_ =	swait.ge [sflag:s24], $0x1000  }
0x63: {  	[sflag:s24] =	ssyncset.done $0x0  }
0x64: {  	[sflag:s24] =	ssyncadd.s32 $0xFFFFF000  }
0x65: {  	_ =	swait.ge [sflag:s24], $0x1000  }
0x66: {  	[sflag:s24] =	ssyncset.done $0x0  }
0x67: {  	[sflag:s24] =	ssyncadd.s32 $0xFFFFF000  }
0x68: {  	_ =	swait.ge [sflag:s24], $0x1000  }
0x69: {  	[sflag:s24] =	ssyncset.done $0x0  }
0x6a: {  	[sflag:s24] =	ssyncadd.s32 $0xFFFFF000  }
0x6b: {  	_ =	swait.ge [sflag:s24], $0x1000  }
0x6c: {  	[sflag:s24] =	ssyncset.done $0x0  }
0x6d: {  	[sflag:s24] =	ssyncadd.s32 $0xFFFFF000  }
0x6e: {  	_ =	swait.ge [sflag:s24], $0x1000  }
0x6f: {  	[sflag:s24] =	ssyncset.done $0x0  }
0x70: {  	[sflag:s24] =	ssyncadd.s32 $0xFFFFF000  }
0x71: {  	_ =	swait.ge [sflag:s24], $0x1000  }
0x72: {  	[sflag:s24] =	ssyncset.done $0x0  }
0x73: {  	[sflag:s24] =	ssyncadd.s32 $0xFFFFF000  }
0x74: {  	_ =	swait.ge [sflag:s24], $0x1000  }
0x75: {  	[sflag:s24] =	ssyncset.done $0x0  }
0x76: {  	[sflag:s24] =	ssyncadd.s32 $0xFFFFF000  }
0x77: {  	_ =	swait.ge [sflag:s24], $0x1000  }
0x78: {  	[sflag:s24] =	ssyncset.done $0x0  }
0x79: {  	[sflag:s24] =	ssyncadd.s32 $0xFFFFF000  }
0x7a: {  	_ =	swait.ge [sflag:s24], $0x1000  }
0x7b: {  	[sflag:s24] =	ssyncset.done $0x0  }
0x7c: {  	[sflag:s24] =	ssyncadd.s32 $0xFFFFF000  }
0x7d: {  	_ =	swait.ge [sflag:s24], $0x1000  }
0x7e: {  	[sflag:s24] =	ssyncset.done $0x0  }
0x7f: {  	[sflag:s24] =	ssyncadd.s32 $0xFFFFF000  }
0x80: {  	_ =	swait.ge [sflag:s24], $0x1000  }
0x81: {  	[sflag:s24] =	ssyncset.done $0x0  }
0x82: {  	[sflag:s24] =	ssyncadd.s32 $0xFFFFF000  }
0x83: {  	_ =	swait.ge [sflag:s24], $0x1000  }
0x84: {  	[sflag:s24] =	ssyncset.done $0x0  }
0x85: {  	[sflag:s24] =	ssyncadd.s32 $0xFFFFF000  }
0x86: {  	_ =	swait.ge [sflag:s24], $0x1000  }
0x87: {  	[sflag:s24] =	ssyncset.done $0x0  }
0x88: {  	[sflag:s24] =	ssyncadd.s32 $0xFFFFF000  }
0x89: {  	_ =	swait.ge [sflag:s24], $0x1000  }
0x8a: {  	[sflag:s24] =	ssyncset.done $0x0  }
0x8b: {  	[sflag:s24] =	ssyncadd.s32 $0xFFFFF000  }
0x8c: {  	_ =	swait.ge [sflag:s24], $0x1000  }
0x8d: {  	[sflag:s24] =	ssyncset.done $0x0  }
0x8e: {  	[sflag:s24] =	ssyncadd.s32 $0xFFFFF000  }
0x8f: {  	_ =	swait.ge [sflag:s24], $0x1000  }
0x90: {  	[sflag:s24] =	ssyncset.done $0x0  }
0x91: {  	[sflag:s24] =	ssyncadd.s32 $0xFFFFF000  }
0x92: {  	_ =	swait.ge [sflag:s24], $0x1000  }
0x93: {  	[sflag:s24] =	ssyncset.done $0x0  }
0x94: {  	[sflag:s24] =	ssyncadd.s32 $0xFFFFF000  }
0x95: {  	_ =	swait.ge [sflag:s24], $0x1000  }
0x96: {  	[sflag:s24] =	ssyncset.done $0x0  }
0x97: {  	[sflag:s24] =	ssyncadd.s32 $0xFFFFF000  }
0x98: {  	_ =	swait.ge [sflag:s24], $0x1000  }
0x99: {  	[sflag:s24] =	ssyncset.done $0x0  }
0x9a: {  	[sflag:s24] =	ssyncadd.s32 $0xFFFFF000  }
0x9b: {  	_ =	swait.ge [sflag:s24], $0x1000  }
0x9c: {  	[sflag:s24] =	ssyncset.done $0x0  }
0x9d: {  	[sflag:s24] =	ssyncadd.s32 $0xFFFFF000  }
0x9e: {  	s19 =	ssub.s32 $0x2, s1;
	_ =	swait.ge [sflag:s24], $0x1000  }
0x9f: {  	s1 =	sshrl.u32 s19, $0x1;
	[sflag:s24] =	ssyncset.done $0x0  }
0xa0: {  	s0 =	ssub.s32 s19, s1;
	[sflag:s24] =	ssyncadd.s32 $0xFFFFF000  }
0xa1: {  	s0 =	smax.u32 s0, $0x1;
	_ =	swait.ge [sflag:s24], $0x1000  }
0xa2: {  	p0 =	sne.s32 s0, $0x1;
	[sflag:s24] =	ssyncset.done $0x0  }
.Ltmp0:
0xa3: {  	[sflag:s24] =	ssyncadd.s32 $0xFFFFF000;
	(pc) =	sbr.rel @!p0 .LBB2_2-.Ltmp0, $4  }
0xa4: {  	_ =	swait.ge [sflag:s24], $0x1000  }
0xa5: {  	[sflag:s24] =	ssyncset.done $0x0  }
0xa6: {  	[sflag:s24] =	ssyncadd.s32 $0xFFFFF000  }
0xa7: {  	s1 =	sadd.s32 $0xFFFFFFFF, s0;
	_ =	swait.ge [sflag:s24], $0x1000  }
.LBB2_1:
0xa8: {  	[sflag:s24] =	ssyncset.done $0x0  }
0xa9: {  	[sflag:s24] =	ssyncadd.s32 $0xFFFFF000  }
0xaa: {  	_ =	swait.ge [sflag:s24], $0x1000  }
0xab: {  	[sflag:s24] =	ssyncset.done $0x0  }
0xac: {  	[sflag:s24] =	ssyncadd.s32 $0xFFFFF000  }
0xad: {  	_ =	swait.ge [sflag:s24], $0x1000  }
0xae: {  	[sflag:s24] =	ssyncset.done $0x0  }
0xaf: {  	s0 =	rddreg [dreg:$0x4];
	[sflag:s24] =	ssyncadd.s32 $0xFFFFF000  }
0xb0: {  	[hbm4b:s0+s2] =	stream.linear.scatter [tilespmem:s5], [sflag:$0x2], $0x1A000, $0x38;
	[tilespmem:$0x1AD00] =	vst v63  }
0xb1: {  	_ =	swait.ge [sflag:s4], $0x1A000  }
0xb2: {  	[sflag:s4] =	ssyncset.done $0x0  }
0xb3: {  	s17 =	rddreg [dreg:$0x3];
	[sflag:s4] =	ssyncadd.s32 $0xFFFE6000  }
0xb4: {  	[tilespmem:s2], [sflag:$0x2] =	stream.linear.gather [hbm4b:s17+s2], $0xD00, $0x38;
	[tilespmem:$0x1AD00] =	vst v63  }
0xb5: {  	_ =	swait.ge [sflag:s4], $0xD00  }
0xb6: {  	s0 =	rddreg [dreg:$0x1d]  }
0xb7: {  	s7 =	rddreg [dreg:$0x1b]  }
0xb8: {  	s8 =	rddreg [dreg:$0x19]  }
0xb9: {  	s9 =	rddreg [dreg:$0x17]  }
0xba: {  	s10 =	rddreg [dreg:$0x15]  }
0xbb: {  	s11 =	rddreg [dreg:$0x13]  }
0xbc: {  	s12 =	rddreg [dreg:$0x11]  }
0xbd: {  	s13 =	rddreg [dreg:$0xf]  }
0xbe: {  	s14 =	rddreg [dreg:$0xd]  }
0xbf: {  	s15 =	rddreg [dreg:$0xb]  }
0xc0: {  	s16 =	rddreg [dreg:$0x6];
	[sflag:s4] =	ssyncset.done $0x0  }
0xc1: {  	s17 =	rddreg [dreg:$0x5];
	[sflag:s4] =	ssyncadd.s32 $0xFFFFF300  }
0xc2: {  	[tilespmem:s5], [sflag:$0x1] =	stream.indirect.gather [hbm4b:s3+s6], $0x20, s2, s6, $0xb8;
	[tilespmem:$0x1AD00] =	vst v63  }
0xc3: {  	s18 =	rddreg [dreg:$0x7]  }
0xc4: {  	[tilespmem:s17], [sflag:$0x1] =	stream.indirect.gather [hbm4b:s3+s6], $0x20, s6, s6, $0xb8;
	[tilespmem:$0x1AD00] =	vst v63  }
0xc5: {  	s19 =	rddreg [dreg:$0x9]  }
0xc6: {  	[tilespmem:s18], [sflag:$0x1] =	stream.indirect.gather [hbm4b:s3+s6], $0x20, s16, s6, $0xb8;
	[tilespmem:$0x1AD00] =	vst v63  }
0xc7: {  	s17 =	rddreg [dreg:$0x8]  }
0xc8: {  	[tilespmem:s19], [sflag:$0x1] =	stream.indirect.gather [hbm4b:s3+s6], $0x20, s17, s6, $0xb8;
	[tilespmem:$0x1AD00] =	vst v63  }
0xc9: {  	s18 =	rddreg [dreg:$0xa]  }
0xca: {  	[tilespmem:s15], [sflag:$0x1] =	stream.indirect.gather [hbm4b:s3+s6], $0x20, s18, s6, $0xb8;
	[tilespmem:$0x1AD00] =	vst v63  }
0xcb: {  	s19 =	rddreg [dreg:$0xc]  }
0xcc: {  	[tilespmem:s14], [sflag:$0x1] =	stream.indirect.gather [hbm4b:s3+s6], $0x20, s19, s6, $0xb8;
	[tilespmem:$0x1AD00] =	vst v63  }
0xcd: {  	s16 =	rddreg [dreg:$0xe]  }
0xce: {  	[tilespmem:s13], [sflag:$0x1] =	stream.indirect.gather [hbm4b:s3+s6], $0x20, s16, s6, $0xb8;
	[tilespmem:$0x1AD00] =	vst v63  }
0xcf: {  	s17 =	rddreg [dreg:$0x10]  }
0xd0: {  	[tilespmem:s12], [sflag:$0x1] =	stream.indirect.gather [hbm4b:s3+s6], $0x20, s17, s6, $0xb8;
	[tilespmem:$0x1AD00] =	vst v63  }
0xd1: {  	s18 =	rddreg [dreg:$0x12]  }
0xd2: {  	[tilespmem:s11], [sflag:$0x1] =	stream.indirect.gather [hbm4b:s3+s6], $0x20, s18, s6, $0xb8;
	[tilespmem:$0x1AD00] =	vst v63  }
0xd3: {  	s19 =	rddreg [dreg:$0x14]  }
0xd4: {  	[tilespmem:s10], [sflag:$0x1] =	stream.indirect.gather [hbm4b:s3+s6], $0x20, s19, s6, $0xb8;
	[tilespmem:$0x1AD00] =	vst v63  }
0xd5: {  	s14 =	rddreg [dreg:$0x16]  }
0xd6: {  	[tilespmem:s9], [sflag:$0x1] =	stream.indirect.gather [hbm4b:s3+s6], $0x20, s14, s6, $0xb8;
	[tilespmem:$0x1AD00] =	vst v63  }
0xd7: {  	s15 =	rddreg [dreg:$0x18]  }
0xd8: {  	[tilespmem:s8], [sflag:$0x1] =	stream.indirect.gather [hbm4b:s3+s6], $0x20, s15, s6, $0xb8;
	[tilespmem:$0x1AD00] =	vst v63  }
0xd9: {  	s16 =	rddreg [dreg:$0x1a]  }
0xda: {  	[tilespmem:s7], [sflag:$0x1] =	stream.indirect.gather [hbm4b:s3+s6], $0x20, s16, s6, $0xb8;
	[tilespmem:$0x1AD00] =	vst v63  }
0xdb: {  	s17 =	rddreg [dreg:$0x1c]  }
0xdc: {  	[tilespmem:s0], [sflag:$0x1] =	stream.indirect.gather [hbm4b:s3+s6], $0x20, s17, s6, $0xb8;
	[tilespmem:$0x1AD00] =	vst v63  }
0xdd: {  	s18 =	rddreg [dreg:$0x1e];
	s19 =	simm.s32 $0xED00  }
0xde: {  	[tilespmem:s19], [sflag:$0x1] =	stream.indirect.gather [hbm4b:s3+s6], $0x20, s18, s6, $0xb8;
	[tilespmem:$0x1AD00] =	vst v63  }
0xdf: {  	s9 =	simm.s32 $0xFD00;
	s8 =	simm.s32 $0x780  }
0xe0: {  	[tilespmem:s9], [sflag:$0x1] =	stream.indirect.gather [hbm4b:s3+s6], $0x20, s8, s6, $0xb8;
	[tilespmem:$0x1AD00] =	vst v63  }
0xe1: {  	s11 =	simm.s32 $0x10D00;
	s10 =	simm.s32 $0x800  }
0xe2: {  	[tilespmem:s11], [sflag:$0x1] =	stream.indirect.gather [hbm4b:s3+s6], $0x20, s10, s6, $0xb8;
	[tilespmem:$0x1AD00] =	vst v63  }
0xe3: {  	s13 =	simm.s32 $0x11D00;
	s12 =	simm.s32 $0x880  }
0xe4: {  	[tilespmem:s13], [sflag:$0x1] =	stream.indirect.gather [hbm4b:s3+s6], $0x20, s12, s6, $0xb8;
	[tilespmem:$0x1AD00] =	vst v63  }
0xe5: {  	s14 =	simm.s32 $0x900;
	s15 =	simm.s32 $0x12D00  }
0xe6: {  	[tilespmem:s15], [sflag:$0x1] =	stream.indirect.gather [hbm4b:s3+s6], $0x20, s14, s6, $0xb8;
	[tilespmem:$0x1AD00] =	vst v63  }
0xe7: {  	s16 =	simm.s32 $0x980;
	s17 =	simm.s32 $0x13D00  }
0xe8: {  	[tilespmem:s17], [sflag:$0x1] =	stream.indirect.gather [hbm4b:s3+s6], $0x20, s16, s6, $0xb8;
	[tilespmem:$0x1AD00] =	vst v63  }
0xe9: {  	s18 =	simm.s32 $0xA00;
	s19 =	simm.s32 $0x14D00  }
0xea: {  	[tilespmem:s19], [sflag:$0x1] =	stream.indirect.gather [hbm4b:s3+s6], $0x20, s18, s6, $0xb8;
	[tilespmem:$0x1AD00] =	vst v63  }
0xeb: {  	_ = 	snop  }
0xec: {  	[tilespmem:s21], [sflag:$0x1] =	stream.indirect.gather [hbm4b:s3+s6], $0x20, s20, s6, $0xb8;
	[tilespmem:$0x1AD00] =	vst v63  }
0xed: {  	_ = 	snop  }
0xee: {  	[tilespmem:s23], [sflag:$0x1] =	stream.indirect.gather [hbm4b:s3+s6], $0x20, s22, s6, $0xb8;
	[tilespmem:$0x1AD00] =	vst v63  }
0xef: {  	_ = 	snop  }
0xf0: {  	[tilespmem:s26], [sflag:$0x1] =	stream.indirect.gather [hbm4b:s3+s6], $0x20, s25, s6, $0xb8;
	[tilespmem:$0x1AD00] =	vst v63  }
0xf1: {  	_ = 	snop  }
0xf2: {  	[tilespmem:s29], [sflag:$0x1] =	stream.indirect.gather [hbm4b:s3+s6], $0x20, s28, s6, $0xb8;
	[tilespmem:$0x1AD00] =	vst v63  }
0xf3: {  	_ = 	snop  }
0xf4: {  	[tilespmem:s31], [sflag:$0x1] =	stream.indirect.gather [hbm4b:s3+s6], $0x20, s30, s6, $0xb8;
	[tilespmem:$0x1AD00] =	vst v63  }
0xf5: {  	_ =	swait.ge [sflag:s24], $0x1000  }
0xf6: {  	[sflag:s24] =	ssyncset.done $0x0  }
0xf7: {  	[sflag:s24] =	ssyncadd.s32 $0xFFFFF000  }
0xf8: {  	_ =	swait.ge [sflag:s24], $0x1000  }
0xf9: {  	[sflag:s24] =	ssyncset.done $0x0  }
0xfa: {  	[sflag:s24] =	ssyncadd.s32 $0xFFFFF000  }
0xfb: {  	_ =	swait.ge [sflag:s24], $0x1000  }
0xfc: {  	[sflag:s24] =	ssyncset.done $0x0  }
0xfd: {  	[sflag:s24] =	ssyncadd.s32 $0xFFFFF000  }
0xfe: {  	_ =	swait.ge [sflag:s24], $0x1000  }
0xff: {  	[sflag:s24] =	ssyncset.done $0x0  }
0x100: {  	[sflag:s24] =	ssyncadd.s32 $0xFFFFF000  }
0x101: {  	_ =	swait.ge [sflag:s24], $0x1000  }
0x102: {  	[sflag:s24] =	ssyncset.done $0x0  }
0x103: {  	[sflag:s24] =	ssyncadd.s32 $0xFFFFF000  }
0x104: {  	_ =	swait.ge [sflag:s24], $0x1000  }
0x105: {  	[sflag:s24] =	ssyncset.done $0x0  }
0x106: {  	[sflag:s24] =	ssyncadd.s32 $0xFFFFF000  }
0x107: {  	_ =	swait.ge [sflag:s24], $0x1000  }
0x108: {  	[sflag:s24] =	ssyncset.done $0x0  }
0x109: {  	[sflag:s24] =	ssyncadd.s32 $0xFFFFF000  }
0x10a: {  	_ =	swait.ge [sflag:s24], $0x1000  }
0x10b: {  	[sflag:s24] =	ssyncset.done $0x0  }
0x10c: {  	[sflag:s24] =	ssyncadd.s32 $0xFFFFF000  }
0x10d: {  	_ =	swait.ge [sflag:s24], $0x1000  }
0x10e: {  	[sflag:s24] =	ssyncset.done $0x0  }
0x10f: {  	[sflag:s24] =	ssyncadd.s32 $0xFFFFF000  }
0x110: {  	_ =	swait.ge [sflag:s24], $0x1000  }
0x111: {  	[sflag:s24] =	ssyncset.done $0x0  }
0x112: {  	[sflag:s24] =	ssyncadd.s32 $0xFFFFF000  }
0x113: {  	_ =	swait.ge [sflag:s24], $0x1000  }
0x114: {  	[sflag:s24] =	ssyncset.done $0x0  }
0x115: {  	[sflag:s24] =	ssyncadd.s32 $0xFFFFF000  }
0x116: {  	_ =	swait.ge [sflag:s24], $0x1000  }
0x117: {  	[sflag:s24] =	ssyncset.done $0x0  }
0x118: {  	[sflag:s24] =	ssyncadd.s32 $0xFFFFF000  }
0x119: {  	_ =	swait.ge [sflag:s24], $0x1000  }
0x11a: {  	[sflag:s24] =	ssyncset.done $0x0  }
0x11b: {  	[sflag:s24] =	ssyncadd.s32 $0xFFFFF000  }
0x11c: {  	_ =	swait.ge [sflag:s24], $0x1000  }
0x11d: {  	[sflag:s24] =	ssyncset.done $0x0  }
0x11e: {  	[sflag:s24] =	ssyncadd.s32 $0xFFFFF000  }
0x11f: {  	_ =	swait.ge [sflag:s24], $0x1000  }
0x120: {  	[sflag:s24] =	ssyncset.done $0x0  }
0x121: {  	[sflag:s24] =	ssyncadd.s32 $0xFFFFF000  }
0x122: {  	_ =	swait.ge [sflag:s24], $0x1000  }
0x123: {  	[sflag:s24] =	ssyncset.done $0x0  }
0x124: {  	[sflag:s24] =	ssyncadd.s32 $0xFFFFF000  }
0x125: {  	_ =	swait.ge [sflag:s24], $0x1000  }
0x126: {  	[sflag:s24] =	ssyncset.done $0x0  }
0x127: {  	[sflag:s24] =	ssyncadd.s32 $0xFFFFF000  }
0x128: {  	_ =	swait.ge [sflag:s24], $0x1000  }
0x129: {  	[sflag:s24] =	ssyncset.done $0x0  }
0x12a: {  	[sflag:s24] =	ssyncadd.s32 $0xFFFFF000  }
0x12b: {  	_ =	swait.ge [sflag:s24], $0x1000  }
0x12c: {  	[sflag:s24] =	ssyncset.done $0x0  }
0x12d: {  	[sflag:s24] =	ssyncadd.s32 $0xFFFFF000  }
0x12e: {  	_ =	swait.ge [sflag:s24], $0x1000  }
0x12f: {  	[sflag:s24] =	ssyncset.done $0x0  }
0x130: {  	[sflag:s24] =	ssyncadd.s32 $0xFFFFF000  }
0x131: {  	_ =	swait.ge [sflag:s24], $0x1000  }
0x132: {  	[sflag:s24] =	ssyncset.done $0x0  }
0x133: {  	[sflag:s24] =	ssyncadd.s32 $0xFFFFF000  }
0x134: {  	_ =	swait.ge [sflag:s24], $0x1000  }
0x135: {  	p0 =	sne.s32 s1, $0x1;
	[sflag:s24] =	ssyncset.done $0x0  }
.Ltmp1:
0x136: {  	[sflag:s24] =	ssyncadd.s32 $0xFFFFF000;
	(pc) =	sbr.rel @p0 .LBB2_1-.Ltmp1, $4  }
0x137: {  	_ =	swait.ge [sflag:s24], $0x1000  }
0x138: {  	[sflag:s24] =	ssyncset.done $0x0  }
0x139: {  	[sflag:s24] =	ssyncadd.s32 $0xFFFFF000  }
0x13a: {  	s1 =	sadd.s32 $0xFFFFFFFF, s1;
	_ =	swait.ge [sflag:s24], $0x1000  }
.LBB2_2:
0x13b: {  	[sflag:s24] =	ssyncset.done $0x0  }
0x13c: {  	[sflag:s24] =	ssyncadd.s32 $0xFFFFF000  }
0x13d: {  	_ =	swait.ge [sflag:s24], $0x1000  }
0x13e: {  	[sflag:s24] =	ssyncset.done $0x0  }
0x13f: {  	[sflag:s24] =	ssyncadd.s32 $0xFFFFF000  }
0x140: {  	_ =	swait.ge [sflag:s24], $0x1000  }
0x141: {  	[sflag:s24] =	ssyncset.done $0x0  }
0x142: {  	s0 =	rddreg [dreg:$0x4];
	[sflag:s24] =	ssyncadd.s32 $0xFFFFF000  }
0x143: {  	[hbm4b:s0+s2] =	stream.linear.scatter [tilespmem:s5], [sflag:$0x2], $0x1A000, $0x38;
	[tilespmem:$0x1AD00] =	vst v63  }
0x144: {  	_ =	swait.ge [sflag:s4], $0x1A000  }
0x145: {  	[sflag:s4] =	ssyncset.done $0x0  }
0x146: {  	[sflag:s4] =	ssyncadd.s32 $0xFFFE6000  }
0x147: {  	_ =	sfence.sel $0x180000  }
0x148: {  	[bflag:$0x0] =	sbarrier.arrive $0xFFFF  }
0x149: {  	_ =	strace $0x90000047  }
0x14a: {  	s31 =	stileid.u32;
	[bflag:$0x2] =	sbarrier.arrive $0xFFFF  }
0x14b: {  	p0 =	sne.s32 s31, $0x0;
	s0 =	rddreg [dreg:$0x2]  }
0x14c: {  	s0 =	sadd.s32 @!p0 $0x100000, s0  }
0x14d: {  	[sflag:s0] =	ssyncadd.tile.s32 @!p0 $0x1;
	_ =	shalt  }
.Lfunc_end2:
_tile_overlayer_lowered:
.L_overlay_start_2:
0x14e: {  	(tag) =	ssettag $0x2  }
0x14f: {  	s0 =	rddreg [dreg:$0x0];
	s2 =	stileid.u32  }
0x150: {  	s1 =	rddreg [dreg:$0x1];
	p0 =	sne.s32 s2, $0x0  }
0x151: {  	s3 =	rddreg [dreg:$0x2];
	[bflag:$0x3] =	sbarrier.arrive $0xFFFF;
	s2 =	simm.s32 @!p0 $0x1C02  }
0x152: {  	[timem:s3], [sflag:s2] =	dma.local @!p0 [hbm:s0], s1  }
0x153: {  	s0 =	simm.s32 @!p0 $0x2  }
0x154: {  	_ =	swait.ge @!p0 [sflag:s0], s1  }
0x155: {  	s1 =	ssub.s32 @!p0 $0x0, s1;
	[sflag:s0] =	ssyncset.done @!p0 $0x0  }
0x156: {  	[sflag:s0] =	ssyncadd.s32 @!p0 s1  }
0x157: {  	[bflag:$0x3] =	sbarrier.arrive $0xFFFF  }
0x158: {  	_ =	shalt  }

</sc_bundles>
